<compile_context>
chip_gen: v7x
topology: tpu7x:2x2x1
jax: 0.10.2.dev20260603
libtpu: 0.0.44.dev20260713+nightly
codegen_flags: <defaults>
</compile_context>

<pallas_src>
import functools

import jax
import jax.numpy as jnp
from jax import lax
from jax.experimental import pallas as pl
from jax.experimental.pallas import tpu as pltpu
from jax.experimental.pallas import tpu_sc as plsc

NUM_CLASSES = 1000000
D = 16
B = 16384

_info = plsc.get_sparse_core_info()
_NC = _info.num_cores
_NS = _info.num_subcores
_L = _info.num_lanes
NW = _NC * _NS
BPW = B // NW
_H = 8
NHG = BPW // _H
NITER = (NHG - 1) // 3


def _sc_body(idx_hbm, ow_hbm, epsT_hbm, meanT_hbm, logstdT_hbm, outT_hbm,
             idx_v, eps_v, ow_v, out_v, *slots_and_sems):
    banks = []
    for k in range(3):
        off = k * 2 * _H
        banks.append((slots_and_sems[off:off + _H],
                      slots_and_sems[off + _H:off + 2 * _H],
                      slots_and_sems[6 * _H + k]))
    wid = lax.axis_index("s") * _NC + lax.axis_index("c")
    col0 = wid * BPW
    pltpu.sync_copy(idx_hbm.at[wid], idx_v.at[pl.ds(0, BPW)])
    pltpu.sync_copy(epsT_hbm.at[:, pl.ds(col0, BPW)], eps_v)
    pltpu.sync_copy(ow_hbm.at[pl.ds(col0, BPW)], ow_v.at[pl.ds(0, BPW)])
    iota = lax.iota(jnp.int32, _L)

    def fire(h, bank):
        mslots, lslots, sem = bank
        idxvec = idx_v[pl.ds(h * _H, _L)]
        for j in range(_H):
            c = pl.multiple_of((idxvec[j] >> 7) << 7, 128)
            pltpu.async_copy(meanT_hbm.at[:, pl.ds(c, 128)], mslots[j], sem)
            pltpu.async_copy(logstdT_hbm.at[:, pl.ds(c, 128)], lslots[j], sem)

    def consume(h, bank):
        mslots, lslots, sem = bank
        idxvec = idx_v[pl.ds(h * _H, _L)]
        lanes = idxvec & 127
        owvec = ow_v[pl.ds(h * _H, _L)]
        for j in range(_H):
            pltpu.make_async_copy(meanT_hbm.at[:, pl.ds(0, 128)],
                                  mslots[j], sem).wait()
            pltpu.make_async_copy(logstdT_hbm.at[:, pl.ds(0, 128)],
                                  lslots[j], sem).wait()
        for j in range(_H):
            bvec = jnp.broadcast_to(h * _H + j, (_L,))
            lane = jnp.broadcast_to(lanes[j], (_L,))
            w = jnp.broadcast_to(owvec[j], (_L,))
            mcol = plsc.load_gather(mslots[j], [iota, lane])
            lcol = plsc.load_gather(lslots[j], [iota, lane])
            ecol = plsc.load_gather(eps_v, [iota, bvec])
            res = (mcol + jnp.exp(lcol) * ecol) * w
            plsc.store_scatter(out_v, [iota, bvec], res)

    fire(0, banks[0])
    fire(1, banks[1])

    def body(t, carry):
        h = 3 * t
        fire(h + 2, banks[2])
        consume(h, banks[0])
        fire(h + 3, banks[0])
        consume(h + 1, banks[1])
        fire(jnp.minimum(h + 4, NHG - 1), banks[1])
        consume(h + 2, banks[2])
        return carry

    lax.fori_loop(0, NITER, body, 0)
    consume(NHG - 1, banks[0])
    mslots1, lslots1, sem1 = banks[1]
    for j in range(_H):
        pltpu.make_async_copy(meanT_hbm.at[:, pl.ds(0, 128)],
                              mslots1[j], sem1).wait()
        pltpu.make_async_copy(meanT_hbm.at[:, pl.ds(0, 128)],
                              lslots1[j], sem1).wait()
    pltpu.sync_copy(out_v, outT_hbm.at[:, pl.ds(col0, BPW)])


def kernel(indices, session_obs_w, eps, variational_mean, variational_logstd):
    idx2 = indices.reshape(NW, BPW)
    ow = session_obs_w.reshape(B)
    mesh = plsc.VectorSubcoreMesh(core_axis_name="c", subcore_axis_name="s")
    scratch = [
        pltpu.VMEM((BPW + _L,), jnp.int32),
        pltpu.VMEM((D, BPW), jnp.float32),
        pltpu.VMEM((BPW + _L,), jnp.float32),
        pltpu.VMEM((D, BPW), jnp.float32),
    ]
    scratch += [pltpu.VMEM((D, 128), jnp.float32) for _ in range(6 * _H)]
    scratch += [pltpu.SemaphoreType.DMA for _ in range(3)]
    f = functools.partial(
        pl.kernel,
        out_type=jax.ShapeDtypeStruct((D, B), jnp.float32),
        mesh=mesh,
        scratch_types=scratch,
        compiler_params=pltpu.CompilerParams(
            use_tc_tiling_on_sc=True, needs_layout_passes=False),
    )(_sc_body)
    outT = f(idx2, ow, eps.T, variational_mean.T, variational_logstd.T)
    return outT.T

# --- scband reference (transcript-rebuilt; emitter-appended) ---
"""Pipeline reference for scband-variational-embedding-layer-89721866813892 (READ-ONLY COPY).

The authoritative reference and input builder live on the scoring server;
editing this copy changes nothing except your own understanding.
"""

import jax, jax.numpy as jnp
import numpy as np

NUM_CLASSES = 1000000
LATENT_DIM = 16
BATCH = 16384


def setup_inputs(seed: int = 0) -> dict:
    key = jax.random.key(seed)
    k1, k2, k3, k4, k5 = jax.random.split(key, 5)
    # forward args
    indices = jax.random.randint(k1, (BATCH,), 0, NUM_CLASSES, dtype=jnp.int64 if jax.config.jax_enable_x64 else jnp.int32).astype(jnp.int32)
    session_obs_w = jax.random.uniform(k2, (BATCH, 1), dtype=jnp.float32)
    # reparameterization noise (epsilon) for the variational sample
    eps = jax.random.normal(k5, (BATCH, LATENT_DIM), dtype=jnp.float32)
    # learned variational parameters of the BayesianCoefficient
    # (variation='constant', obs2prior=False, prior_variance=1.0)
    variational_mean = jax.random.normal(k3, (NUM_CLASSES, LATENT_DIM), dtype=jnp.float32) * 0.05
    variational_logstd = jnp.full((NUM_CLASSES, LATENT_DIM), -3.0, dtype=jnp.float32) + \
        jax.random.normal(k4, (NUM_CLASSES, LATENT_DIM), dtype=jnp.float32) * 0.01
    return {
        "indices": indices,
        "session_obs_w": session_obs_w,
        "eps": eps,
        "variational_mean": variational_mean,
        "variational_logstd": variational_logstd,
    }


def reference(indices, session_obs_w, eps, variational_mean, variational_logstd):
    # BayesianCoefficient sample via reparameterization, gathered per index
    # (embedding lookup into the variational posterior), then weighted by the
    # per-session observation weights: embedding_weight * batch.session_obs_w
    mean_g = jnp.take(variational_mean, indices, axis=0)          # [B, D] gather
    logstd_g = jnp.take(variational_logstd, indices, axis=0)      # [B, D] gather
    sampled = mean_g + jnp.exp(logstd_g) * eps                     # reparameterized sample
    out = sampled * session_obs_w                                  # [B, D]
    return out

if __name__ == "__main__":
    import jax
    _d = setup_inputs()
    print(jax.jit(kernel)(*tuple(_d.values())))

</pallas_src>

<mosaic_0001>
#map = affine_map<(d0, d1) -> (0, 0)>
#map1 = affine_map<(d0, d1) -> (0)>
module attributes {stable_mosaic.version = 14 : i64} {
  func.func @_sc_body(%arg0: i32, %arg1: i32, %arg2: memref<32x512xi32, #tpu.memory_space<hbm>>, %arg3: memref<16384xf32, #tpu.memory_space<hbm>>, %arg4: memref<16x16384xf32, #tpu.memory_space<hbm>>, %arg5: memref<16x1000000xf32, #tpu.memory_space<hbm>>, %arg6: memref<16x1000000xf32, #tpu.memory_space<hbm>>, %arg7: memref<16x16384xf32, #tpu.memory_space<hbm>>, %arg8: memref<528xi32, #tpu.memory_space<vmem>>, %arg9: memref<16x512xf32, #tpu.memory_space<vmem>>, %arg10: memref<528xf32, #tpu.memory_space<vmem>>, %arg11: memref<16x512xf32, #tpu.memory_space<vmem>>, %arg12: memref<16x128xf32, #tpu.memory_space<vmem>>, %arg13: memref<16x128xf32, #tpu.memory_space<vmem>>, %arg14: memref<16x128xf32, #tpu.memory_space<vmem>>, %arg15: memref<16x128xf32, #tpu.memory_space<vmem>>, %arg16: memref<16x128xf32, #tpu.memory_space<vmem>>, %arg17: memref<16x128xf32, #tpu.memory_space<vmem>>, %arg18: memref<16x128xf32, #tpu.memory_space<vmem>>, %arg19: memref<16x128xf32, #tpu.memory_space<vmem>>, %arg20: memref<16x128xf32, #tpu.memory_space<vmem>>, %arg21: memref<16x128xf32, #tpu.memory_space<vmem>>, %arg22: memref<16x128xf32, #tpu.memory_space<vmem>>, %arg23: memref<16x128xf32, #tpu.memory_space<vmem>>, %arg24: memref<16x128xf32, #tpu.memory_space<vmem>>, %arg25: memref<16x128xf32, #tpu.memory_space<vmem>>, %arg26: memref<16x128xf32, #tpu.memory_space<vmem>>, %arg27: memref<16x128xf32, #tpu.memory_space<vmem>>, %arg28: memref<16x128xf32, #tpu.memory_space<vmem>>, %arg29: memref<16x128xf32, #tpu.memory_space<vmem>>, %arg30: memref<16x128xf32, #tpu.memory_space<vmem>>, %arg31: memref<16x128xf32, #tpu.memory_space<vmem>>, %arg32: memref<16x128xf32, #tpu.memory_space<vmem>>, %arg33: memref<16x128xf32, #tpu.memory_space<vmem>>, %arg34: memref<16x128xf32, #tpu.memory_space<vmem>>, %arg35: memref<16x128xf32, #tpu.memory_space<vmem>>, %arg36: memref<16x128xf32, #tpu.memory_space<vmem>>, %arg37: memref<16x128xf32, #tpu.memory_space<vmem>>, %arg38: memref<16x128xf32, #tpu.memory_space<vmem>>, %arg39: memref<16x128xf32, #tpu.memory_space<vmem>>, %arg40: memref<16x128xf32, #tpu.memory_space<vmem>>, %arg41: memref<16x128xf32, #tpu.memory_space<vmem>>, %arg42: memref<16x128xf32, #tpu.memory_space<vmem>>, %arg43: memref<16x128xf32, #tpu.memory_space<vmem>>, %arg44: memref<16x128xf32, #tpu.memory_space<vmem>>, %arg45: memref<16x128xf32, #tpu.memory_space<vmem>>, %arg46: memref<16x128xf32, #tpu.memory_space<vmem>>, %arg47: memref<16x128xf32, #tpu.memory_space<vmem>>, %arg48: memref<16x128xf32, #tpu.memory_space<vmem>>, %arg49: memref<16x128xf32, #tpu.memory_space<vmem>>, %arg50: memref<16x128xf32, #tpu.memory_space<vmem>>, %arg51: memref<16x128xf32, #tpu.memory_space<vmem>>, %arg52: memref<16x128xf32, #tpu.memory_space<vmem>>, %arg53: memref<16x128xf32, #tpu.memory_space<vmem>>, %arg54: memref<16x128xf32, #tpu.memory_space<vmem>>, %arg55: memref<16x128xf32, #tpu.memory_space<vmem>>, %arg56: memref<16x128xf32, #tpu.memory_space<vmem>>, %arg57: memref<16x128xf32, #tpu.memory_space<vmem>>, %arg58: memref<16x128xf32, #tpu.memory_space<vmem>>, %arg59: memref<16x128xf32, #tpu.memory_space<vmem>>, %arg60: memref<!tpu.dma_semaphore, #tpu.memory_space<semaphore_mem>>, %arg61: memref<!tpu.dma_semaphore, #tpu.memory_space<semaphore_mem>>, %arg62: memref<!tpu.dma_semaphore, #tpu.memory_space<semaphore_mem>>) attributes {dimension_semantics = [#tpu.dimension_semantics<core_parallel>, #tpu.dimension_semantics<subcore_parallel>], iteration_bounds = array<i64: 2, 16>, scalar_prefetch = 0 : i64, scratch_operands = 55 : i64, tpu.core_type = #tpu.core_type<sc_vector_subcore>, window_params = [{transform_indices = #map}, {transform_indices = #map1}, {transform_indices = #map}, {transform_indices = #map}, {transform_indices = #map}, {transform_indices = #map}]} {
    %mul3A = arith.constant 2 : i32
    %mul3A_0 = arith.muli %arg1, %mul3A : i32
    %add3A = arith.addi %mul3A_0, %arg0 : i32
    %mul3A_1 = arith.constant 512 : i32
    %mul3A_2 = arith.muli %add3A, %mul3A_1 : i32
    "tpu.region"() ({
      %run_scoped3A = tpu.sem_alloc : memref<!tpu.dma_semaphore, #tpu.memory_space<semaphore_mem>>
      %dma_start3A_559 = arith.constant 0 : i32
      %dma_start3A_560 = tpu.memref_slice %arg8[%dma_start3A_559] : memref<528xi32, #tpu.memory_space<vmem>> -> memref<512xi32, #tpu.memory_space<vmem>>
      %dma_start3A_561 = arith.constant 0 : i32
      %dma_start3A_562 = tpu.memref_slice %arg2[%add3A, %dma_start3A_561] : memref<32x512xi32, #tpu.memory_space<hbm>> -> memref<1x512xi32, #tpu.memory_space<hbm>>
      %dma_start3A_563 = tpu.memref_squeeze %dma_start3A_562 : memref<1x512xi32, #tpu.memory_space<hbm>> -> memref<512xi32, #tpu.memory_space<hbm>>
      %dma_start3A_564 = arith.constant 0 : i32
      %dma_start3A_565 = tpu.memref_slice %arg8[%dma_start3A_564] : memref<528xi32, #tpu.memory_space<vmem>> -> memref<512xi32, #tpu.memory_space<vmem>>
      %dma_start3A_566 = arith.constant 0 : i32
      %dma_start3A_567 = tpu.memref_slice %arg2[%add3A, %dma_start3A_566] : memref<32x512xi32, #tpu.memory_space<hbm>> -> memref<1x512xi32, #tpu.memory_space<hbm>>
      %dma_start3A_568 = tpu.memref_squeeze %dma_start3A_567 : memref<1x512xi32, #tpu.memory_space<hbm>> -> memref<512xi32, #tpu.memory_space<hbm>>
      tpu.enqueue_dma source(%dma_start3A_568 : memref<512xi32, #tpu.memory_space<hbm>>) target(%dma_start3A_565 : memref<512xi32, #tpu.memory_space<vmem>>) target_semaphore(%run_scoped3A : memref<!tpu.dma_semaphore, #tpu.memory_space<semaphore_mem>>)
      %dma_wait3A_569 = arith.constant 0 : i32
      %dma_wait3A_570 = tpu.memref_slice %arg8[%dma_wait3A_569] : memref<528xi32, #tpu.memory_space<vmem>> -> memref<512xi32, #tpu.memory_space<vmem>>
      %dma_wait3A_571 = arith.constant 0 : i32
      %dma_wait3A_572 = tpu.memref_slice %arg2[%add3A, %dma_wait3A_571] : memref<32x512xi32, #tpu.memory_space<hbm>> -> memref<1x512xi32, #tpu.memory_space<hbm>>
      %dma_wait3A_573 = tpu.memref_squeeze %dma_wait3A_572 : memref<1x512xi32, #tpu.memory_space<hbm>> -> memref<512xi32, #tpu.memory_space<hbm>>
      %dma_wait3A_574 = arith.constant 0 : i32
      %dma_wait3A_575 = tpu.memref_slice %arg8[%dma_wait3A_574] : memref<528xi32, #tpu.memory_space<vmem>> -> memref<512xi32, #tpu.memory_space<vmem>>
      %dma_wait3A_576 = arith.constant 0 : i32
      %dma_wait3A_577 = tpu.memref_slice %arg2[%add3A, %dma_wait3A_576] : memref<32x512xi32, #tpu.memory_space<hbm>> -> memref<1x512xi32, #tpu.memory_space<hbm>>
      %dma_wait3A_578 = tpu.memref_squeeze %dma_wait3A_577 : memref<1x512xi32, #tpu.memory_space<hbm>> -> memref<512xi32, #tpu.memory_space<hbm>>
      tpu.wait_dma2 semaphore(%run_scoped3A : memref<!tpu.dma_semaphore, #tpu.memory_space<semaphore_mem>>) src(%dma_wait3A_578 : memref<512xi32, #tpu.memory_space<hbm>>) dst(%dma_wait3A_575 : memref<512xi32, #tpu.memory_space<vmem>>)
      tpu.yield
    }) : () -> ()
    "tpu.region"() ({
      %run_scoped3A = tpu.sem_alloc : memref<!tpu.dma_semaphore, #tpu.memory_space<semaphore_mem>>
      %dma_start3A_559 = arith.constant 0 : i32
      %dma_start3A_560 = tpu.memref_slice %arg4[%dma_start3A_559, %mul3A_2] : memref<16x16384xf32, #tpu.memory_space<hbm>> -> memref<16x512xf32, #tpu.memory_space<hbm>>
      %dma_start3A_561 = arith.constant 0 : i32
      %dma_start3A_562 = tpu.memref_slice %arg4[%dma_start3A_561, %mul3A_2] : memref<16x16384xf32, #tpu.memory_space<hbm>> -> memref<16x512xf32, #tpu.memory_space<hbm>>
      tpu.enqueue_dma source(%dma_start3A_562 : memref<16x512xf32, #tpu.memory_space<hbm>>) target(%arg9 : memref<16x512xf32, #tpu.memory_space<vmem>>) target_semaphore(%run_scoped3A : memref<!tpu.dma_semaphore, #tpu.memory_space<semaphore_mem>>)
      %dma_wait3A_563 = arith.constant 0 : i32
      %dma_wait3A_564 = tpu.memref_slice %arg4[%dma_wait3A_563, %mul3A_2] : memref<16x16384xf32, #tpu.memory_space<hbm>> -> memref<16x512xf32, #tpu.memory_space<hbm>>
      %dma_wait3A_565 = arith.constant 0 : i32
      %dma_wait3A_566 = tpu.memref_slice %arg4[%dma_wait3A_565, %mul3A_2] : memref<16x16384xf32, #tpu.memory_space<hbm>> -> memref<16x512xf32, #tpu.memory_space<hbm>>
      tpu.wait_dma2 semaphore(%run_scoped3A : memref<!tpu.dma_semaphore, #tpu.memory_space<semaphore_mem>>) src(%dma_wait3A_566 : memref<16x512xf32, #tpu.memory_space<hbm>>) dst(%arg9 : memref<16x512xf32, #tpu.memory_space<vmem>>)
      tpu.yield
    }) : () -> ()
    "tpu.region"() ({
      %run_scoped3A = tpu.sem_alloc : memref<!tpu.dma_semaphore, #tpu.memory_space<semaphore_mem>>
      %dma_start3A_559 = arith.constant 0 : i32
      %dma_start3A_560 = tpu.memref_slice %arg10[%dma_start3A_559] : memref<528xf32, #tpu.memory_space<vmem>> -> memref<512xf32, #tpu.memory_space<vmem>>
      %dma_start3A_561 = tpu.memref_slice %arg3[%mul3A_2] : memref<16384xf32, #tpu.memory_space<hbm>> -> memref<512xf32, #tpu.memory_space<hbm>>
      %dma_start3A_562 = arith.constant 0 : i32
      %dma_start3A_563 = tpu.memref_slice %arg10[%dma_start3A_562] : memref<528xf32, #tpu.memory_space<vmem>> -> memref<512xf32, #tpu.memory_space<vmem>>
      %dma_start3A_564 = tpu.memref_slice %arg3[%mul3A_2] : memref<16384xf32, #tpu.memory_space<hbm>> -> memref<512xf32, #tpu.memory_space<hbm>>
      tpu.enqueue_dma source(%dma_start3A_564 : memref<512xf32, #tpu.memory_space<hbm>>) target(%dma_start3A_563 : memref<512xf32, #tpu.memory_space<vmem>>) target_semaphore(%run_scoped3A : memref<!tpu.dma_semaphore, #tpu.memory_space<semaphore_mem>>)
      %dma_wait3A_565 = arith.constant 0 : i32
      %dma_wait3A_566 = tpu.memref_slice %arg10[%dma_wait3A_565] : memref<528xf32, #tpu.memory_space<vmem>> -> memref<512xf32, #tpu.memory_space<vmem>>
      %dma_wait3A_567 = tpu.memref_slice %arg3[%mul3A_2] : memref<16384xf32, #tpu.memory_space<hbm>> -> memref<512xf32, #tpu.memory_space<hbm>>
      %dma_wait3A_568 = arith.constant 0 : i32
      %dma_wait3A_569 = tpu.memref_slice %arg10[%dma_wait3A_568] : memref<528xf32, #tpu.memory_space<vmem>> -> memref<512xf32, #tpu.memory_space<vmem>>
      %dma_wait3A_570 = tpu.memref_slice %arg3[%mul3A_2] : memref<16384xf32, #tpu.memory_space<hbm>> -> memref<512xf32, #tpu.memory_space<hbm>>
      tpu.wait_dma2 semaphore(%run_scoped3A : memref<!tpu.dma_semaphore, #tpu.memory_space<semaphore_mem>>) src(%dma_wait3A_570 : memref<512xf32, #tpu.memory_space<hbm>>) dst(%dma_wait3A_569 : memref<512xf32, #tpu.memory_space<vmem>>)
      tpu.yield
    }) : () -> ()
    %iota3A = tpu.iota {dimensions = array<i32: 0>} : vector<16xi32>
    %get3A = arith.constant 0 : index
    %get3A_3 = tpu.vector_load %arg8[%get3A] {strides = array<i32>} : memref<528xi32, #tpu.memory_space<vmem>>, vector<16xi32>,
    %slice3A = vector.extract_strided_slice %get3A_3 {offsets = [0], sizes = [1], strides = [1]} : vector<16xi32> to vector<1xi32>
    %squeeze3A = vector.extract %slice3A[0] : i32 from vector<1xi32>
    %shift_right_arithmetic3A = arith.constant 7 : i32
    %shift_right_arithmetic3A_4 = arith.shrsi %squeeze3A, %shift_right_arithmetic3A : i32
    %shift_left3A = arith.constant 7 : i32
    %shift_left3A_5 = arith.shli %shift_right_arithmetic3A_4, %shift_left3A : i32
    %multiple_of3A = tpu.assume_multiple %shift_left3A_5, 128 : i32
    %dma_start3A = arith.constant 0 : i32
    %dma_start3A_6 = tpu.memref_slice %arg5[%dma_start3A, %multiple_of3A] : memref<16x1000000xf32, #tpu.memory_space<hbm>> -> memref<16x128xf32, #tpu.memory_space<hbm>>
    %dma_start3A_7 = arith.constant 0 : i32
    %dma_start3A_8 = tpu.memref_slice %arg5[%dma_start3A_7, %multiple_of3A] : memref<16x1000000xf32, #tpu.memory_space<hbm>> -> memref<16x128xf32, #tpu.memory_space<hbm>>
    tpu.enqueue_dma source(%dma_start3A_8 : memref<16x128xf32, #tpu.memory_space<hbm>>) target(%arg12 : memref<16x128xf32, #tpu.memory_space<vmem>>) target_semaphore(%arg60 : memref<!tpu.dma_semaphore, #tpu.memory_space<semaphore_mem>>)
    %dma_start3A_9 = arith.constant 0 : i32
    %dma_start3A_10 = tpu.memref_slice %arg6[%dma_start3A_9, %multiple_of3A] : memref<16x1000000xf32, #tpu.memory_space<hbm>> -> memref<16x128xf32, #tpu.memory_space<hbm>>
    %dma_start3A_11 = arith.constant 0 : i32
    %dma_start3A_12 = tpu.memref_slice %arg6[%dma_start3A_11, %multiple_of3A] : memref<16x1000000xf32, #tpu.memory_space<hbm>> -> memref<16x128xf32, #tpu.memory_space<hbm>>
    tpu.enqueue_dma source(%dma_start3A_12 : memref<16x128xf32, #tpu.memory_space<hbm>>) target(%arg20 : memref<16x128xf32, #tpu.memory_space<vmem>>) target_semaphore(%arg60 : memref<!tpu.dma_semaphore, #tpu.memory_space<semaphore_mem>>)
    %slice3A_13 = vector.extract_strided_slice %get3A_3 {offsets = [1], sizes = [1], strides = [1]} : vector<16xi32> to vector<1xi32>
    %squeeze3A_14 = vector.extract %slice3A_13[0] : i32 from vector<1xi32>
    %shift_right_arithmetic3A_15 = arith.constant 7 : i32
    %shift_right_arithmetic3A_16 = arith.shrsi %squeeze3A_14, %shift_right_arithmetic3A_15 : i32
    %shift_left3A_17 = arith.constant 7 : i32
    %shift_left3A_18 = arith.shli %shift_right_arithmetic3A_16, %shift_left3A_17 : i32
    %multiple_of3A_19 = tpu.assume_multiple %shift_left3A_18, 128 : i32
    %dma_start3A_20 = arith.constant 0 : i32
    %dma_start3A_21 = tpu.memref_slice %arg5[%dma_start3A_20, %multiple_of3A_19] : memref<16x1000000xf32, #tpu.memory_space<hbm>> -> memref<16x128xf32, #tpu.memory_space<hbm>>
    %dma_start3A_22 = arith.constant 0 : i32
    %dma_start3A_23 = tpu.memref_slice %arg5[%dma_start3A_22, %multiple_of3A_19] : memref<16x1000000xf32, #tpu.memory_space<hbm>> -> memref<16x128xf32, #tpu.memory_space<hbm>>
    tpu.enqueue_dma source(%dma_start3A_23 : memref<16x128xf32, #tpu.memory_space<hbm>>) target(%arg13 : memref<16x128xf32, #tpu.memory_space<vmem>>) target_semaphore(%arg60 : memref<!tpu.dma_semaphore, #tpu.memory_space<semaphore_mem>>)
    %dma_start3A_24 = arith.constant 0 : i32
    %dma_start3A_25 = tpu.memref_slice %arg6[%dma_start3A_24, %multiple_of3A_19] : memref<16x1000000xf32, #tpu.memory_space<hbm>> -> memref<16x128xf32, #tpu.memory_space<hbm>>
    %dma_start3A_26 = arith.constant 0 : i32
    %dma_start3A_27 = tpu.memref_slice %arg6[%dma_start3A_26, %multiple_of3A_19] : memref<16x1000000xf32, #tpu.memory_space<hbm>> -> memref<16x128xf32, #tpu.memory_space<hbm>>
    tpu.enqueue_dma source(%dma_start3A_27 : memref<16x128xf32, #tpu.memory_space<hbm>>) target(%arg21 : memref<16x128xf32, #tpu.memory_space<vmem>>) target_semaphore(%arg60 : memref<!tpu.dma_semaphore, #tpu.memory_space<semaphore_mem>>)
    %slice3A_28 = vector.extract_strided_slice %get3A_3 {offsets = [2], sizes = [1], strides = [1]} : vector<16xi32> to vector<1xi32>
    %squeeze3A_29 = vector.extract %slice3A_28[0] : i32 from vector<1xi32>
    %shift_right_arithmetic3A_30 = arith.constant 7 : i32
    %shift_right_arithmetic3A_31 = arith.shrsi %squeeze3A_29, %shift_right_arithmetic3A_30 : i32
    %shift_left3A_32 = arith.constant 7 : i32
    %shift_left3A_33 = arith.shli %shift_right_arithmetic3A_31, %shift_left3A_32 : i32
    %multiple_of3A_34 = tpu.assume_multiple %shift_left3A_33, 128 : i32
    %dma_start3A_35 = arith.constant 0 : i32
    %dma_start3A_36 = tpu.memref_slice %arg5[%dma_start3A_35, %multiple_of3A_34] : memref<16x1000000xf32, #tpu.memory_space<hbm>> -> memref<16x128xf32, #tpu.memory_space<hbm>>
    %dma_start3A_37 = arith.constant 0 : i32
    %dma_start3A_38 = tpu.memref_slice %arg5[%dma_start3A_37, %multiple_of3A_34] : memref<16x1000000xf32, #tpu.memory_space<hbm>> -> memref<16x128xf32, #tpu.memory_space<hbm>>
    tpu.enqueue_dma source(%dma_start3A_38 : memref<16x128xf32, #tpu.memory_space<hbm>>) target(%arg14 : memref<16x128xf32, #tpu.memory_space<vmem>>) target_semaphore(%arg60 : memref<!tpu.dma_semaphore, #tpu.memory_space<semaphore_mem>>)
    %dma_start3A_39 = arith.constant 0 : i32
    %dma_start3A_40 = tpu.memref_slice %arg6[%dma_start3A_39, %multiple_of3A_34] : memref<16x1000000xf32, #tpu.memory_space<hbm>> -> memref<16x128xf32, #tpu.memory_space<hbm>>
    %dma_start3A_41 = arith.constant 0 : i32
    %dma_start3A_42 = tpu.memref_slice %arg6[%dma_start3A_41, %multiple_of3A_34] : memref<16x1000000xf32, #tpu.memory_space<hbm>> -> memref<16x128xf32, #tpu.memory_space<hbm>>
    tpu.enqueue_dma source(%dma_start3A_42 : memref<16x128xf32, #tpu.memory_space<hbm>>) target(%arg22 : memref<16x128xf32, #tpu.memory_space<vmem>>) target_semaphore(%arg60 : memref<!tpu.dma_semaphore, #tpu.memory_space<semaphore_mem>>)
    %slice3A_43 = vector.extract_strided_slice %get3A_3 {offsets = [3], sizes = [1], strides = [1]} : vector<16xi32> to vector<1xi32>
    %squeeze3A_44 = vector.extract %slice3A_43[0] : i32 from vector<1xi32>
    %shift_right_arithmetic3A_45 = arith.constant 7 : i32
    %shift_right_arithmetic3A_46 = arith.shrsi %squeeze3A_44, %shift_right_arithmetic3A_45 : i32
    %shift_left3A_47 = arith.constant 7 : i32
    %shift_left3A_48 = arith.shli %shift_right_arithmetic3A_46, %shift_left3A_47 : i32
    %multiple_of3A_49 = tpu.assume_multiple %shift_left3A_48, 128 : i32
    %dma_start3A_50 = arith.constant 0 : i32
    %dma_start3A_51 = tpu.memref_slice %arg5[%dma_start3A_50, %multiple_of3A_49] : memref<16x1000000xf32, #tpu.memory_space<hbm>> -> memref<16x128xf32, #tpu.memory_space<hbm>>
    %dma_start3A_52 = arith.constant 0 : i32
    %dma_start3A_53 = tpu.memref_slice %arg5[%dma_start3A_52, %multiple_of3A_49] : memref<16x1000000xf32, #tpu.memory_space<hbm>> -> memref<16x128xf32, #tpu.memory_space<hbm>>
    tpu.enqueue_dma source(%dma_start3A_53 : memref<16x128xf32, #tpu.memory_space<hbm>>) target(%arg15 : memref<16x128xf32, #tpu.memory_space<vmem>>) target_semaphore(%arg60 : memref<!tpu.dma_semaphore, #tpu.memory_space<semaphore_mem>>)
    %dma_start3A_54 = arith.constant 0 : i32
    %dma_start3A_55 = tpu.memref_slice %arg6[%dma_start3A_54, %multiple_of3A_49] : memref<16x1000000xf32, #tpu.memory_space<hbm>> -> memref<16x128xf32, #tpu.memory_space<hbm>>
    %dma_start3A_56 = arith.constant 0 : i32
    %dma_start3A_57 = tpu.memref_slice %arg6[%dma_start3A_56, %multiple_of3A_49] : memref<16x1000000xf32, #tpu.memory_space<hbm>> -> memref<16x128xf32, #tpu.memory_space<hbm>>
    tpu.enqueue_dma source(%dma_start3A_57 : memref<16x128xf32, #tpu.memory_space<hbm>>) target(%arg23 : memref<16x128xf32, #tpu.memory_space<vmem>>) target_semaphore(%arg60 : memref<!tpu.dma_semaphore, #tpu.memory_space<semaphore_mem>>)
    %slice3A_58 = vector.extract_strided_slice %get3A_3 {offsets = [4], sizes = [1], strides = [1]} : vector<16xi32> to vector<1xi32>
    %squeeze3A_59 = vector.extract %slice3A_58[0] : i32 from vector<1xi32>
    %shift_right_arithmetic3A_60 = arith.constant 7 : i32
    %shift_right_arithmetic3A_61 = arith.shrsi %squeeze3A_59, %shift_right_arithmetic3A_60 : i32
    %shift_left3A_62 = arith.constant 7 : i32
    %shift_left3A_63 = arith.shli %shift_right_arithmetic3A_61, %shift_left3A_62 : i32
    %multiple_of3A_64 = tpu.assume_multiple %shift_left3A_63, 128 : i32
    %dma_start3A_65 = arith.constant 0 : i32
    %dma_start3A_66 = tpu.memref_slice %arg5[%dma_start3A_65, %multiple_of3A_64] : memref<16x1000000xf32, #tpu.memory_space<hbm>> -> memref<16x128xf32, #tpu.memory_space<hbm>>
    %dma_start3A_67 = arith.constant 0 : i32
    %dma_start3A_68 = tpu.memref_slice %arg5[%dma_start3A_67, %multiple_of3A_64] : memref<16x1000000xf32, #tpu.memory_space<hbm>> -> memref<16x128xf32, #tpu.memory_space<hbm>>
    tpu.enqueue_dma source(%dma_start3A_68 : memref<16x128xf32, #tpu.memory_space<hbm>>) target(%arg16 : memref<16x128xf32, #tpu.memory_space<vmem>>) target_semaphore(%arg60 : memref<!tpu.dma_semaphore, #tpu.memory_space<semaphore_mem>>)
    %dma_start3A_69 = arith.constant 0 : i32
    %dma_start3A_70 = tpu.memref_slice %arg6[%dma_start3A_69, %multiple_of3A_64] : memref<16x1000000xf32, #tpu.memory_space<hbm>> -> memref<16x128xf32, #tpu.memory_space<hbm>>
    %dma_start3A_71 = arith.constant 0 : i32
    %dma_start3A_72 = tpu.memref_slice %arg6[%dma_start3A_71, %multiple_of3A_64] : memref<16x1000000xf32, #tpu.memory_space<hbm>> -> memref<16x128xf32, #tpu.memory_space<hbm>>
    tpu.enqueue_dma source(%dma_start3A_72 : memref<16x128xf32, #tpu.memory_space<hbm>>) target(%arg24 : memref<16x128xf32, #tpu.memory_space<vmem>>) target_semaphore(%arg60 : memref<!tpu.dma_semaphore, #tpu.memory_space<semaphore_mem>>)
    %slice3A_73 = vector.extract_strided_slice %get3A_3 {offsets = [5], sizes = [1], strides = [1]} : vector<16xi32> to vector<1xi32>
    %squeeze3A_74 = vector.extract %slice3A_73[0] : i32 from vector<1xi32>
    %shift_right_arithmetic3A_75 = arith.constant 7 : i32
    %shift_right_arithmetic3A_76 = arith.shrsi %squeeze3A_74, %shift_right_arithmetic3A_75 : i32
    %shift_left3A_77 = arith.constant 7 : i32
    %shift_left3A_78 = arith.shli %shift_right_arithmetic3A_76, %shift_left3A_77 : i32
    %multiple_of3A_79 = tpu.assume_multiple %shift_left3A_78, 128 : i32
    %dma_start3A_80 = arith.constant 0 : i32
    %dma_start3A_81 = tpu.memref_slice %arg5[%dma_start3A_80, %multiple_of3A_79] : memref<16x1000000xf32, #tpu.memory_space<hbm>> -> memref<16x128xf32, #tpu.memory_space<hbm>>
    %dma_start3A_82 = arith.constant 0 : i32
    %dma_start3A_83 = tpu.memref_slice %arg5[%dma_start3A_82, %multiple_of3A_79] : memref<16x1000000xf32, #tpu.memory_space<hbm>> -> memref<16x128xf32, #tpu.memory_space<hbm>>
    tpu.enqueue_dma source(%dma_start3A_83 : memref<16x128xf32, #tpu.memory_space<hbm>>) target(%arg17 : memref<16x128xf32, #tpu.memory_space<vmem>>) target_semaphore(%arg60 : memref<!tpu.dma_semaphore, #tpu.memory_space<semaphore_mem>>)
    %dma_start3A_84 = arith.constant 0 : i32
    %dma_start3A_85 = tpu.memref_slice %arg6[%dma_start3A_84, %multiple_of3A_79] : memref<16x1000000xf32, #tpu.memory_space<hbm>> -> memref<16x128xf32, #tpu.memory_space<hbm>>
    %dma_start3A_86 = arith.constant 0 : i32
    %dma_start3A_87 = tpu.memref_slice %arg6[%dma_start3A_86, %multiple_of3A_79] : memref<16x1000000xf32, #tpu.memory_space<hbm>> -> memref<16x128xf32, #tpu.memory_space<hbm>>
    tpu.enqueue_dma source(%dma_start3A_87 : memref<16x128xf32, #tpu.memory_space<hbm>>) target(%arg25 : memref<16x128xf32, #tpu.memory_space<vmem>>) target_semaphore(%arg60 : memref<!tpu.dma_semaphore, #tpu.memory_space<semaphore_mem>>)
    %slice3A_88 = vector.extract_strided_slice %get3A_3 {offsets = [6], sizes = [1], strides = [1]} : vector<16xi32> to vector<1xi32>
    %squeeze3A_89 = vector.extract %slice3A_88[0] : i32 from vector<1xi32>
    %shift_right_arithmetic3A_90 = arith.constant 7 : i32
    %shift_right_arithmetic3A_91 = arith.shrsi %squeeze3A_89, %shift_right_arithmetic3A_90 : i32
    %shift_left3A_92 = arith.constant 7 : i32
    %shift_left3A_93 = arith.shli %shift_right_arithmetic3A_91, %shift_left3A_92 : i32
    %multiple_of3A_94 = tpu.assume_multiple %shift_left3A_93, 128 : i32
    %dma_start3A_95 = arith.constant 0 : i32
    %dma_start3A_96 = tpu.memref_slice %arg5[%dma_start3A_95, %multiple_of3A_94] : memref<16x1000000xf32, #tpu.memory_space<hbm>> -> memref<16x128xf32, #tpu.memory_space<hbm>>
    %dma_start3A_97 = arith.constant 0 : i32
    %dma_start3A_98 = tpu.memref_slice %arg5[%dma_start3A_97, %multiple_of3A_94] : memref<16x1000000xf32, #tpu.memory_space<hbm>> -> memref<16x128xf32, #tpu.memory_space<hbm>>
    tpu.enqueue_dma source(%dma_start3A_98 : memref<16x128xf32, #tpu.memory_space<hbm>>) target(%arg18 : memref<16x128xf32, #tpu.memory_space<vmem>>) target_semaphore(%arg60 : memref<!tpu.dma_semaphore, #tpu.memory_space<semaphore_mem>>)
    %dma_start3A_99 = arith.constant 0 : i32
    %dma_start3A_100 = tpu.memref_slice %arg6[%dma_start3A_99, %multiple_of3A_94] : memref<16x1000000xf32, #tpu.memory_space<hbm>> -> memref<16x128xf32, #tpu.memory_space<hbm>>
    %dma_start3A_101 = arith.constant 0 : i32
    %dma_start3A_102 = tpu.memref_slice %arg6[%dma_start3A_101, %multiple_of3A_94] : memref<16x1000000xf32, #tpu.memory_space<hbm>> -> memref<16x128xf32, #tpu.memory_space<hbm>>
    tpu.enqueue_dma source(%dma_start3A_102 : memref<16x128xf32, #tpu.memory_space<hbm>>) target(%arg26 : memref<16x128xf32, #tpu.memory_space<vmem>>) target_semaphore(%arg60 : memref<!tpu.dma_semaphore, #tpu.memory_space<semaphore_mem>>)
    %slice3A_103 = vector.extract_strided_slice %get3A_3 {offsets = [7], sizes = [1], strides = [1]} : vector<16xi32> to vector<1xi32>
    %squeeze3A_104 = vector.extract %slice3A_103[0] : i32 from vector<1xi32>
    %shift_right_arithmetic3A_105 = arith.constant 7 : i32
    %shift_right_arithmetic3A_106 = arith.shrsi %squeeze3A_104, %shift_right_arithmetic3A_105 : i32
    %shift_left3A_107 = arith.constant 7 : i32
    %shift_left3A_108 = arith.shli %shift_right_arithmetic3A_106, %shift_left3A_107 : i32
    %multiple_of3A_109 = tpu.assume_multiple %shift_left3A_108, 128 : i32
    %dma_start3A_110 = arith.constant 0 : i32
    %dma_start3A_111 = tpu.memref_slice %arg5[%dma_start3A_110, %multiple_of3A_109] : memref<16x1000000xf32, #tpu.memory_space<hbm>> -> memref<16x128xf32, #tpu.memory_space<hbm>>
    %dma_start3A_112 = arith.constant 0 : i32
    %dma_start3A_113 = tpu.memref_slice %arg5[%dma_start3A_112, %multiple_of3A_109] : memref<16x1000000xf32, #tpu.memory_space<hbm>> -> memref<16x128xf32, #tpu.memory_space<hbm>>
    tpu.enqueue_dma source(%dma_start3A_113 : memref<16x128xf32, #tpu.memory_space<hbm>>) target(%arg19 : memref<16x128xf32, #tpu.memory_space<vmem>>) target_semaphore(%arg60 : memref<!tpu.dma_semaphore, #tpu.memory_space<semaphore_mem>>)
    %dma_start3A_114 = arith.constant 0 : i32
    %dma_start3A_115 = tpu.memref_slice %arg6[%dma_start3A_114, %multiple_of3A_109] : memref<16x1000000xf32, #tpu.memory_space<hbm>> -> memref<16x128xf32, #tpu.memory_space<hbm>>
    %dma_start3A_116 = arith.constant 0 : i32
    %dma_start3A_117 = tpu.memref_slice %arg6[%dma_start3A_116, %multiple_of3A_109] : memref<16x1000000xf32, #tpu.memory_space<hbm>> -> memref<16x128xf32, #tpu.memory_space<hbm>>
    tpu.enqueue_dma source(%dma_start3A_117 : memref<16x128xf32, #tpu.memory_space<hbm>>) target(%arg27 : memref<16x128xf32, #tpu.memory_space<vmem>>) target_semaphore(%arg60 : memref<!tpu.dma_semaphore, #tpu.memory_space<semaphore_mem>>)
    %get3A_118 = arith.constant 8 : index
    %get3A_119 = tpu.vector_load %arg8[%get3A_118] {strides = array<i32>} : memref<528xi32, #tpu.memory_space<vmem>>, vector<16xi32>,
    %slice3A_120 = vector.extract_strided_slice %get3A_119 {offsets = [0], sizes = [1], strides = [1]} : vector<16xi32> to vector<1xi32>
    %squeeze3A_121 = vector.extract %slice3A_120[0] : i32 from vector<1xi32>
    %shift_right_arithmetic3A_122 = arith.constant 7 : i32
    %shift_right_arithmetic3A_123 = arith.shrsi %squeeze3A_121, %shift_right_arithmetic3A_122 : i32
    %shift_left3A_124 = arith.constant 7 : i32
    %shift_left3A_125 = arith.shli %shift_right_arithmetic3A_123, %shift_left3A_124 : i32
    %multiple_of3A_126 = tpu.assume_multiple %shift_left3A_125, 128 : i32
    %dma_start3A_127 = arith.constant 0 : i32
    %dma_start3A_128 = tpu.memref_slice %arg5[%dma_start3A_127, %multiple_of3A_126] : memref<16x1000000xf32, #tpu.memory_space<hbm>> -> memref<16x128xf32, #tpu.memory_space<hbm>>
    %dma_start3A_129 = arith.constant 0 : i32
    %dma_start3A_130 = tpu.memref_slice %arg5[%dma_start3A_129, %multiple_of3A_126] : memref<16x1000000xf32, #tpu.memory_space<hbm>> -> memref<16x128xf32, #tpu.memory_space<hbm>>
    tpu.enqueue_dma source(%dma_start3A_130 : memref<16x128xf32, #tpu.memory_space<hbm>>) target(%arg28 : memref<16x128xf32, #tpu.memory_space<vmem>>) target_semaphore(%arg61 : memref<!tpu.dma_semaphore, #tpu.memory_space<semaphore_mem>>)
    %dma_start3A_131 = arith.constant 0 : i32
    %dma_start3A_132 = tpu.memref_slice %arg6[%dma_start3A_131, %multiple_of3A_126] : memref<16x1000000xf32, #tpu.memory_space<hbm>> -> memref<16x128xf32, #tpu.memory_space<hbm>>
    %dma_start3A_133 = arith.constant 0 : i32
    %dma_start3A_134 = tpu.memref_slice %arg6[%dma_start3A_133, %multiple_of3A_126] : memref<16x1000000xf32, #tpu.memory_space<hbm>> -> memref<16x128xf32, #tpu.memory_space<hbm>>
    tpu.enqueue_dma source(%dma_start3A_134 : memref<16x128xf32, #tpu.memory_space<hbm>>) target(%arg36 : memref<16x128xf32, #tpu.memory_space<vmem>>) target_semaphore(%arg61 : memref<!tpu.dma_semaphore, #tpu.memory_space<semaphore_mem>>)
    %slice3A_135 = vector.extract_strided_slice %get3A_119 {offsets = [1], sizes = [1], strides = [1]} : vector<16xi32> to vector<1xi32>
    %squeeze3A_136 = vector.extract %slice3A_135[0] : i32 from vector<1xi32>
    %shift_right_arithmetic3A_137 = arith.constant 7 : i32
    %shift_right_arithmetic3A_138 = arith.shrsi %squeeze3A_136, %shift_right_arithmetic3A_137 : i32
    %shift_left3A_139 = arith.constant 7 : i32
    %shift_left3A_140 = arith.shli %shift_right_arithmetic3A_138, %shift_left3A_139 : i32
    %multiple_of3A_141 = tpu.assume_multiple %shift_left3A_140, 128 : i32
    %dma_start3A_142 = arith.constant 0 : i32
    %dma_start3A_143 = tpu.memref_slice %arg5[%dma_start3A_142, %multiple_of3A_141] : memref<16x1000000xf32, #tpu.memory_space<hbm>> -> memref<16x128xf32, #tpu.memory_space<hbm>>
    %dma_start3A_144 = arith.constant 0 : i32
    %dma_start3A_145 = tpu.memref_slice %arg5[%dma_start3A_144, %multiple_of3A_141] : memref<16x1000000xf32, #tpu.memory_space<hbm>> -> memref<16x128xf32, #tpu.memory_space<hbm>>
    tpu.enqueue_dma source(%dma_start3A_145 : memref<16x128xf32, #tpu.memory_space<hbm>>) target(%arg29 : memref<16x128xf32, #tpu.memory_space<vmem>>) target_semaphore(%arg61 : memref<!tpu.dma_semaphore, #tpu.memory_space<semaphore_mem>>)
    %dma_start3A_146 = arith.constant 0 : i32
    %dma_start3A_147 = tpu.memref_slice %arg6[%dma_start3A_146, %multiple_of3A_141] : memref<16x1000000xf32, #tpu.memory_space<hbm>> -> memref<16x128xf32, #tpu.memory_space<hbm>>
    %dma_start3A_148 = arith.constant 0 : i32
    %dma_start3A_149 = tpu.memref_slice %arg6[%dma_start3A_148, %multiple_of3A_141] : memref<16x1000000xf32, #tpu.memory_space<hbm>> -> memref<16x128xf32, #tpu.memory_space<hbm>>
    tpu.enqueue_dma source(%dma_start3A_149 : memref<16x128xf32, #tpu.memory_space<hbm>>) target(%arg37 : memref<16x128xf32, #tpu.memory_space<vmem>>) target_semaphore(%arg61 : memref<!tpu.dma_semaphore, #tpu.memory_space<semaphore_mem>>)
    %slice3A_150 = vector.extract_strided_slice %get3A_119 {offsets = [2], sizes = [1], strides = [1]} : vector<16xi32> to vector<1xi32>
    %squeeze3A_151 = vector.extract %slice3A_150[0] : i32 from vector<1xi32>
    %shift_right_arithmetic3A_152 = arith.constant 7 : i32
    %shift_right_arithmetic3A_153 = arith.shrsi %squeeze3A_151, %shift_right_arithmetic3A_152 : i32
    %shift_left3A_154 = arith.constant 7 : i32
    %shift_left3A_155 = arith.shli %shift_right_arithmetic3A_153, %shift_left3A_154 : i32
    %multiple_of3A_156 = tpu.assume_multiple %shift_left3A_155, 128 : i32
    %dma_start3A_157 = arith.constant 0 : i32
    %dma_start3A_158 = tpu.memref_slice %arg5[%dma_start3A_157, %multiple_of3A_156] : memref<16x1000000xf32, #tpu.memory_space<hbm>> -> memref<16x128xf32, #tpu.memory_space<hbm>>
    %dma_start3A_159 = arith.constant 0 : i32
    %dma_start3A_160 = tpu.memref_slice %arg5[%dma_start3A_159, %multiple_of3A_156] : memref<16x1000000xf32, #tpu.memory_space<hbm>> -> memref<16x128xf32, #tpu.memory_space<hbm>>
    tpu.enqueue_dma source(%dma_start3A_160 : memref<16x128xf32, #tpu.memory_space<hbm>>) target(%arg30 : memref<16x128xf32, #tpu.memory_space<vmem>>) target_semaphore(%arg61 : memref<!tpu.dma_semaphore, #tpu.memory_space<semaphore_mem>>)
    %dma_start3A_161 = arith.constant 0 : i32
    %dma_start3A_162 = tpu.memref_slice %arg6[%dma_start3A_161, %multiple_of3A_156] : memref<16x1000000xf32, #tpu.memory_space<hbm>> -> memref<16x128xf32, #tpu.memory_space<hbm>>
    %dma_start3A_163 = arith.constant 0 : i32
    %dma_start3A_164 = tpu.memref_slice %arg6[%dma_start3A_163, %multiple_of3A_156] : memref<16x1000000xf32, #tpu.memory_space<hbm>> -> memref<16x128xf32, #tpu.memory_space<hbm>>
    tpu.enqueue_dma source(%dma_start3A_164 : memref<16x128xf32, #tpu.memory_space<hbm>>) target(%arg38 : memref<16x128xf32, #tpu.memory_space<vmem>>) target_semaphore(%arg61 : memref<!tpu.dma_semaphore, #tpu.memory_space<semaphore_mem>>)
    %slice3A_165 = vector.extract_strided_slice %get3A_119 {offsets = [3], sizes = [1], strides = [1]} : vector<16xi32> to vector<1xi32>
    %squeeze3A_166 = vector.extract %slice3A_165[0] : i32 from vector<1xi32>
    %shift_right_arithmetic3A_167 = arith.constant 7 : i32
    %shift_right_arithmetic3A_168 = arith.shrsi %squeeze3A_166, %shift_right_arithmetic3A_167 : i32
    %shift_left3A_169 = arith.constant 7 : i32
    %shift_left3A_170 = arith.shli %shift_right_arithmetic3A_168, %shift_left3A_169 : i32
    %multiple_of3A_171 = tpu.assume_multiple %shift_left3A_170, 128 : i32
    %dma_start3A_172 = arith.constant 0 : i32
    %dma_start3A_173 = tpu.memref_slice %arg5[%dma_start3A_172, %multiple_of3A_171] : memref<16x1000000xf32, #tpu.memory_space<hbm>> -> memref<16x128xf32, #tpu.memory_space<hbm>>
    %dma_start3A_174 = arith.constant 0 : i32
    %dma_start3A_175 = tpu.memref_slice %arg5[%dma_start3A_174, %multiple_of3A_171] : memref<16x1000000xf32, #tpu.memory_space<hbm>> -> memref<16x128xf32, #tpu.memory_space<hbm>>
    tpu.enqueue_dma source(%dma_start3A_175 : memref<16x128xf32, #tpu.memory_space<hbm>>) target(%arg31 : memref<16x128xf32, #tpu.memory_space<vmem>>) target_semaphore(%arg61 : memref<!tpu.dma_semaphore, #tpu.memory_space<semaphore_mem>>)
    %dma_start3A_176 = arith.constant 0 : i32
    %dma_start3A_177 = tpu.memref_slice %arg6[%dma_start3A_176, %multiple_of3A_171] : memref<16x1000000xf32, #tpu.memory_space<hbm>> -> memref<16x128xf32, #tpu.memory_space<hbm>>
    %dma_start3A_178 = arith.constant 0 : i32
    %dma_start3A_179 = tpu.memref_slice %arg6[%dma_start3A_178, %multiple_of3A_171] : memref<16x1000000xf32, #tpu.memory_space<hbm>> -> memref<16x128xf32, #tpu.memory_space<hbm>>
    tpu.enqueue_dma source(%dma_start3A_179 : memref<16x128xf32, #tpu.memory_space<hbm>>) target(%arg39 : memref<16x128xf32, #tpu.memory_space<vmem>>) target_semaphore(%arg61 : memref<!tpu.dma_semaphore, #tpu.memory_space<semaphore_mem>>)
    %slice3A_180 = vector.extract_strided_slice %get3A_119 {offsets = [4], sizes = [1], strides = [1]} : vector<16xi32> to vector<1xi32>
    %squeeze3A_181 = vector.extract %slice3A_180[0] : i32 from vector<1xi32>
    %shift_right_arithmetic3A_182 = arith.constant 7 : i32
    %shift_right_arithmetic3A_183 = arith.shrsi %squeeze3A_181, %shift_right_arithmetic3A_182 : i32
    %shift_left3A_184 = arith.constant 7 : i32
    %shift_left3A_185 = arith.shli %shift_right_arithmetic3A_183, %shift_left3A_184 : i32
    %multiple_of3A_186 = tpu.assume_multiple %shift_left3A_185, 128 : i32
    %dma_start3A_187 = arith.constant 0 : i32
    %dma_start3A_188 = tpu.memref_slice %arg5[%dma_start3A_187, %multiple_of3A_186] : memref<16x1000000xf32, #tpu.memory_space<hbm>> -> memref<16x128xf32, #tpu.memory_space<hbm>>
    %dma_start3A_189 = arith.constant 0 : i32
    %dma_start3A_190 = tpu.memref_slice %arg5[%dma_start3A_189, %multiple_of3A_186] : memref<16x1000000xf32, #tpu.memory_space<hbm>> -> memref<16x128xf32, #tpu.memory_space<hbm>>
    tpu.enqueue_dma source(%dma_start3A_190 : memref<16x128xf32, #tpu.memory_space<hbm>>) target(%arg32 : memref<16x128xf32, #tpu.memory_space<vmem>>) target_semaphore(%arg61 : memref<!tpu.dma_semaphore, #tpu.memory_space<semaphore_mem>>)
    %dma_start3A_191 = arith.constant 0 : i32
    %dma_start3A_192 = tpu.memref_slice %arg6[%dma_start3A_191, %multiple_of3A_186] : memref<16x1000000xf32, #tpu.memory_space<hbm>> -> memref<16x128xf32, #tpu.memory_space<hbm>>
    %dma_start3A_193 = arith.constant 0 : i32
    %dma_start3A_194 = tpu.memref_slice %arg6[%dma_start3A_193, %multiple_of3A_186] : memref<16x1000000xf32, #tpu.memory_space<hbm>> -> memref<16x128xf32, #tpu.memory_space<hbm>>
    tpu.enqueue_dma source(%dma_start3A_194 : memref<16x128xf32, #tpu.memory_space<hbm>>) target(%arg40 : memref<16x128xf32, #tpu.memory_space<vmem>>) target_semaphore(%arg61 : memref<!tpu.dma_semaphore, #tpu.memory_space<semaphore_mem>>)
    %slice3A_195 = vector.extract_strided_slice %get3A_119 {offsets = [5], sizes = [1], strides = [1]} : vector<16xi32> to vector<1xi32>
    %squeeze3A_196 = vector.extract %slice3A_195[0] : i32 from vector<1xi32>
    %shift_right_arithmetic3A_197 = arith.constant 7 : i32
    %shift_right_arithmetic3A_198 = arith.shrsi %squeeze3A_196, %shift_right_arithmetic3A_197 : i32
    %shift_left3A_199 = arith.constant 7 : i32
    %shift_left3A_200 = arith.shli %shift_right_arithmetic3A_198, %shift_left3A_199 : i32
    %multiple_of3A_201 = tpu.assume_multiple %shift_left3A_200, 128 : i32
    %dma_start3A_202 = arith.constant 0 : i32
    %dma_start3A_203 = tpu.memref_slice %arg5[%dma_start3A_202, %multiple_of3A_201] : memref<16x1000000xf32, #tpu.memory_space<hbm>> -> memref<16x128xf32, #tpu.memory_space<hbm>>
    %dma_start3A_204 = arith.constant 0 : i32
    %dma_start3A_205 = tpu.memref_slice %arg5[%dma_start3A_204, %multiple_of3A_201] : memref<16x1000000xf32, #tpu.memory_space<hbm>> -> memref<16x128xf32, #tpu.memory_space<hbm>>
    tpu.enqueue_dma source(%dma_start3A_205 : memref<16x128xf32, #tpu.memory_space<hbm>>) target(%arg33 : memref<16x128xf32, #tpu.memory_space<vmem>>) target_semaphore(%arg61 : memref<!tpu.dma_semaphore, #tpu.memory_space<semaphore_mem>>)
    %dma_start3A_206 = arith.constant 0 : i32
    %dma_start3A_207 = tpu.memref_slice %arg6[%dma_start3A_206, %multiple_of3A_201] : memref<16x1000000xf32, #tpu.memory_space<hbm>> -> memref<16x128xf32, #tpu.memory_space<hbm>>
    %dma_start3A_208 = arith.constant 0 : i32
    %dma_start3A_209 = tpu.memref_slice %arg6[%dma_start3A_208, %multiple_of3A_201] : memref<16x1000000xf32, #tpu.memory_space<hbm>> -> memref<16x128xf32, #tpu.memory_space<hbm>>
    tpu.enqueue_dma source(%dma_start3A_209 : memref<16x128xf32, #tpu.memory_space<hbm>>) target(%arg41 : memref<16x128xf32, #tpu.memory_space<vmem>>) target_semaphore(%arg61 : memref<!tpu.dma_semaphore, #tpu.memory_space<semaphore_mem>>)
    %slice3A_210 = vector.extract_strided_slice %get3A_119 {offsets = [6], sizes = [1], strides = [1]} : vector<16xi32> to vector<1xi32>
    %squeeze3A_211 = vector.extract %slice3A_210[0] : i32 from vector<1xi32>
    %shift_right_arithmetic3A_212 = arith.constant 7 : i32
    %shift_right_arithmetic3A_213 = arith.shrsi %squeeze3A_211, %shift_right_arithmetic3A_212 : i32
    %shift_left3A_214 = arith.constant 7 : i32
    %shift_left3A_215 = arith.shli %shift_right_arithmetic3A_213, %shift_left3A_214 : i32
    %multiple_of3A_216 = tpu.assume_multiple %shift_left3A_215, 128 : i32
    %dma_start3A_217 = arith.constant 0 : i32
    %dma_start3A_218 = tpu.memref_slice %arg5[%dma_start3A_217, %multiple_of3A_216] : memref<16x1000000xf32, #tpu.memory_space<hbm>> -> memref<16x128xf32, #tpu.memory_space<hbm>>
    %dma_start3A_219 = arith.constant 0 : i32
    %dma_start3A_220 = tpu.memref_slice %arg5[%dma_start3A_219, %multiple_of3A_216] : memref<16x1000000xf32, #tpu.memory_space<hbm>> -> memref<16x128xf32, #tpu.memory_space<hbm>>
    tpu.enqueue_dma source(%dma_start3A_220 : memref<16x128xf32, #tpu.memory_space<hbm>>) target(%arg34 : memref<16x128xf32, #tpu.memory_space<vmem>>) target_semaphore(%arg61 : memref<!tpu.dma_semaphore, #tpu.memory_space<semaphore_mem>>)
    %dma_start3A_221 = arith.constant 0 : i32
    %dma_start3A_222 = tpu.memref_slice %arg6[%dma_start3A_221, %multiple_of3A_216] : memref<16x1000000xf32, #tpu.memory_space<hbm>> -> memref<16x128xf32, #tpu.memory_space<hbm>>
    %dma_start3A_223 = arith.constant 0 : i32
    %dma_start3A_224 = tpu.memref_slice %arg6[%dma_start3A_223, %multiple_of3A_216] : memref<16x1000000xf32, #tpu.memory_space<hbm>> -> memref<16x128xf32, #tpu.memory_space<hbm>>
    tpu.enqueue_dma source(%dma_start3A_224 : memref<16x128xf32, #tpu.memory_space<hbm>>) target(%arg42 : memref<16x128xf32, #tpu.memory_space<vmem>>) target_semaphore(%arg61 : memref<!tpu.dma_semaphore, #tpu.memory_space<semaphore_mem>>)
    %slice3A_225 = vector.extract_strided_slice %get3A_119 {offsets = [7], sizes = [1], strides = [1]} : vector<16xi32> to vector<1xi32>
    %squeeze3A_226 = vector.extract %slice3A_225[0] : i32 from vector<1xi32>
    %shift_right_arithmetic3A_227 = arith.constant 7 : i32
    %shift_right_arithmetic3A_228 = arith.shrsi %squeeze3A_226, %shift_right_arithmetic3A_227 : i32
    %shift_left3A_229 = arith.constant 7 : i32
    %shift_left3A_230 = arith.shli %shift_right_arithmetic3A_228, %shift_left3A_229 : i32
    %multiple_of3A_231 = tpu.assume_multiple %shift_left3A_230, 128 : i32
    %dma_start3A_232 = arith.constant 0 : i32
    %dma_start3A_233 = tpu.memref_slice %arg5[%dma_start3A_232, %multiple_of3A_231] : memref<16x1000000xf32, #tpu.memory_space<hbm>> -> memref<16x128xf32, #tpu.memory_space<hbm>>
    %dma_start3A_234 = arith.constant 0 : i32
    %dma_start3A_235 = tpu.memref_slice %arg5[%dma_start3A_234, %multiple_of3A_231] : memref<16x1000000xf32, #tpu.memory_space<hbm>> -> memref<16x128xf32, #tpu.memory_space<hbm>>
    tpu.enqueue_dma source(%dma_start3A_235 : memref<16x128xf32, #tpu.memory_space<hbm>>) target(%arg35 : memref<16x128xf32, #tpu.memory_space<vmem>>) target_semaphore(%arg61 : memref<!tpu.dma_semaphore, #tpu.memory_space<semaphore_mem>>)
    %dma_start3A_236 = arith.constant 0 : i32
    %dma_start3A_237 = tpu.memref_slice %arg6[%dma_start3A_236, %multiple_of3A_231] : memref<16x1000000xf32, #tpu.memory_space<hbm>> -> memref<16x128xf32, #tpu.memory_space<hbm>>
    %dma_start3A_238 = arith.constant 0 : i32
    %dma_start3A_239 = tpu.memref_slice %arg6[%dma_start3A_238, %multiple_of3A_231] : memref<16x1000000xf32, #tpu.memory_space<hbm>> -> memref<16x128xf32, #tpu.memory_space<hbm>>
    tpu.enqueue_dma source(%dma_start3A_239 : memref<16x128xf32, #tpu.memory_space<hbm>>) target(%arg43 : memref<16x128xf32, #tpu.memory_space<vmem>>) target_semaphore(%arg61 : memref<!tpu.dma_semaphore, #tpu.memory_space<semaphore_mem>>)
    %scan3A = arith.constant 0 : i32
    %scan3A_240 = arith.constant 0 : i32
    %scan3A_241 = arith.constant 21 : i32
    %scan3A_242 = arith.addi %scan3A_240, %scan3A_241 : i32
    %scan3A_243 = arith.constant 1 : i32
    scf.for %scan3A_559 = %scan3A_240 to %scan3A_242 step %scan3A_243  : i32 {
      %mul3A_560 = arith.constant 3 : i32
      %mul3A_561 = arith.muli %mul3A_560, %scan3A_559 : i32
      %add3A_562 = arith.constant 2 : i32
      %add3A_563 = arith.addi %mul3A_561, %add3A_562 : i32
      %mul3A_564 = arith.constant 8 : i32
      %mul3A_565 = arith.muli %add3A_563, %mul3A_564 : i32
      %get3A_566 = arith.index_cast %mul3A_565 : i32 to index
      %get3A_567 = tpu.vector_load %arg8[%get3A_566] {strides = array<i32>} : memref<528xi32, #tpu.memory_space<vmem>>, vector<16xi32>,
      %slice3A_568 = vector.extract_strided_slice %get3A_567 {offsets = [0], sizes = [1], strides = [1]} : vector<16xi32> to vector<1xi32>
      %squeeze3A_569 = vector.extract %slice3A_568[0] : i32 from vector<1xi32>
      %shift_right_arithmetic3A_570 = arith.constant 7 : i32
      %shift_right_arithmetic3A_571 = arith.shrsi %squeeze3A_569, %shift_right_arithmetic3A_570 : i32
      %shift_left3A_572 = arith.constant 7 : i32
      %shift_left3A_573 = arith.shli %shift_right_arithmetic3A_571, %shift_left3A_572 : i32
      %multiple_of3A_574 = tpu.assume_multiple %shift_left3A_573, 128 : i32
      %dma_start3A_575 = arith.constant 0 : i32
      %dma_start3A_576 = tpu.memref_slice %arg5[%dma_start3A_575, %multiple_of3A_574] : memref<16x1000000xf32, #tpu.memory_space<hbm>> -> memref<16x128xf32, #tpu.memory_space<hbm>>
      %dma_start3A_577 = arith.constant 0 : i32
      %dma_start3A_578 = tpu.memref_slice %arg5[%dma_start3A_577, %multiple_of3A_574] : memref<16x1000000xf32, #tpu.memory_space<hbm>> -> memref<16x128xf32, #tpu.memory_space<hbm>>
      tpu.enqueue_dma source(%dma_start3A_578 : memref<16x128xf32, #tpu.memory_space<hbm>>) target(%arg44 : memref<16x128xf32, #tpu.memory_space<vmem>>) target_semaphore(%arg62 : memref<!tpu.dma_semaphore, #tpu.memory_space<semaphore_mem>>)
      %dma_start3A_579 = arith.constant 0 : i32
      %dma_start3A_580 = tpu.memref_slice %arg6[%dma_start3A_579, %multiple_of3A_574] : memref<16x1000000xf32, #tpu.memory_space<hbm>> -> memref<16x128xf32, #tpu.memory_space<hbm>>
      %dma_start3A_581 = arith.constant 0 : i32
      %dma_start3A_582 = tpu.memref_slice %arg6[%dma_start3A_581, %multiple_of3A_574] : memref<16x1000000xf32, #tpu.memory_space<hbm>> -> memref<16x128xf32, #tpu.memory_space<hbm>>
      tpu.enqueue_dma source(%dma_start3A_582 : memref<16x128xf32, #tpu.memory_space<hbm>>) target(%arg52 : memref<16x128xf32, #tpu.memory_space<vmem>>) target_semaphore(%arg62 : memref<!tpu.dma_semaphore, #tpu.memory_space<semaphore_mem>>)
      %slice3A_583 = vector.extract_strided_slice %get3A_567 {offsets = [1], sizes = [1], strides = [1]} : vector<16xi32> to vector<1xi32>
      %squeeze3A_584 = vector.extract %slice3A_583[0] : i32 from vector<1xi32>
      %shift_right_arithmetic3A_585 = arith.constant 7 : i32
      %shift_right_arithmetic3A_586 = arith.shrsi %squeeze3A_584, %shift_right_arithmetic3A_585 : i32
      %shift_left3A_587 = arith.constant 7 : i32
      %shift_left3A_588 = arith.shli %shift_right_arithmetic3A_586, %shift_left3A_587 : i32
      %multiple_of3A_589 = tpu.assume_multiple %shift_left3A_588, 128 : i32
      %dma_start3A_590 = arith.constant 0 : i32
      %dma_start3A_591 = tpu.memref_slice %arg5[%dma_start3A_590, %multiple_of3A_589] : memref<16x1000000xf32, #tpu.memory_space<hbm>> -> memref<16x128xf32, #tpu.memory_space<hbm>>
      %dma_start3A_592 = arith.constant 0 : i32
      %dma_start3A_593 = tpu.memref_slice %arg5[%dma_start3A_592, %multiple_of3A_589] : memref<16x1000000xf32, #tpu.memory_space<hbm>> -> memref<16x128xf32, #tpu.memory_space<hbm>>
      tpu.enqueue_dma source(%dma_start3A_593 : memref<16x128xf32, #tpu.memory_space<hbm>>) target(%arg45 : memref<16x128xf32, #tpu.memory_space<vmem>>) target_semaphore(%arg62 : memref<!tpu.dma_semaphore, #tpu.memory_space<semaphore_mem>>)
      %dma_start3A_594 = arith.constant 0 : i32
      %dma_start3A_595 = tpu.memref_slice %arg6[%dma_start3A_594, %multiple_of3A_589] : memref<16x1000000xf32, #tpu.memory_space<hbm>> -> memref<16x128xf32, #tpu.memory_space<hbm>>
      %dma_start3A_596 = arith.constant 0 : i32
      %dma_start3A_597 = tpu.memref_slice %arg6[%dma_start3A_596, %multiple_of3A_589] : memref<16x1000000xf32, #tpu.memory_space<hbm>> -> memref<16x128xf32, #tpu.memory_space<hbm>>
      tpu.enqueue_dma source(%dma_start3A_597 : memref<16x128xf32, #tpu.memory_space<hbm>>) target(%arg53 : memref<16x128xf32, #tpu.memory_space<vmem>>) target_semaphore(%arg62 : memref<!tpu.dma_semaphore, #tpu.memory_space<semaphore_mem>>)
      %slice3A_598 = vector.extract_strided_slice %get3A_567 {offsets = [2], sizes = [1], strides = [1]} : vector<16xi32> to vector<1xi32>
      %squeeze3A_599 = vector.extract %slice3A_598[0] : i32 from vector<1xi32>
      %shift_right_arithmetic3A_600 = arith.constant 7 : i32
      %shift_right_arithmetic3A_601 = arith.shrsi %squeeze3A_599, %shift_right_arithmetic3A_600 : i32
      %shift_left3A_602 = arith.constant 7 : i32
      %shift_left3A_603 = arith.shli %shift_right_arithmetic3A_601, %shift_left3A_602 : i32
      %multiple_of3A_604 = tpu.assume_multiple %shift_left3A_603, 128 : i32
      %dma_start3A_605 = arith.constant 0 : i32
      %dma_start3A_606 = tpu.memref_slice %arg5[%dma_start3A_605, %multiple_of3A_604] : memref<16x1000000xf32, #tpu.memory_space<hbm>> -> memref<16x128xf32, #tpu.memory_space<hbm>>
      %dma_start3A_607 = arith.constant 0 : i32
      %dma_start3A_608 = tpu.memref_slice %arg5[%dma_start3A_607, %multiple_of3A_604] : memref<16x1000000xf32, #tpu.memory_space<hbm>> -> memref<16x128xf32, #tpu.memory_space<hbm>>
      tpu.enqueue_dma source(%dma_start3A_608 : memref<16x128xf32, #tpu.memory_space<hbm>>) target(%arg46 : memref<16x128xf32, #tpu.memory_space<vmem>>) target_semaphore(%arg62 : memref<!tpu.dma_semaphore, #tpu.memory_space<semaphore_mem>>)
      %dma_start3A_609 = arith.constant 0 : i32
      %dma_start3A_610 = tpu.memref_slice %arg6[%dma_start3A_609, %multiple_of3A_604] : memref<16x1000000xf32, #tpu.memory_space<hbm>> -> memref<16x128xf32, #tpu.memory_space<hbm>>
      %dma_start3A_611 = arith.constant 0 : i32
      %dma_start3A_612 = tpu.memref_slice %arg6[%dma_start3A_611, %multiple_of3A_604] : memref<16x1000000xf32, #tpu.memory_space<hbm>> -> memref<16x128xf32, #tpu.memory_space<hbm>>
      tpu.enqueue_dma source(%dma_start3A_612 : memref<16x128xf32, #tpu.memory_space<hbm>>) target(%arg54 : memref<16x128xf32, #tpu.memory_space<vmem>>) target_semaphore(%arg62 : memref<!tpu.dma_semaphore, #tpu.memory_space<semaphore_mem>>)
      %slice3A_613 = vector.extract_strided_slice %get3A_567 {offsets = [3], sizes = [1], strides = [1]} : vector<16xi32> to vector<1xi32>
      %squeeze3A_614 = vector.extract %slice3A_613[0] : i32 from vector<1xi32>
      %shift_right_arithmetic3A_615 = arith.constant 7 : i32
      %shift_right_arithmetic3A_616 = arith.shrsi %squeeze3A_614, %shift_right_arithmetic3A_615 : i32
      %shift_left3A_617 = arith.constant 7 : i32
      %shift_left3A_618 = arith.shli %shift_right_arithmetic3A_616, %shift_left3A_617 : i32
      %multiple_of3A_619 = tpu.assume_multiple %shift_left3A_618, 128 : i32
      %dma_start3A_620 = arith.constant 0 : i32
      %dma_start3A_621 = tpu.memref_slice %arg5[%dma_start3A_620, %multiple_of3A_619] : memref<16x1000000xf32, #tpu.memory_space<hbm>> -> memref<16x128xf32, #tpu.memory_space<hbm>>
      %dma_start3A_622 = arith.constant 0 : i32
      %dma_start3A_623 = tpu.memref_slice %arg5[%dma_start3A_622, %multiple_of3A_619] : memref<16x1000000xf32, #tpu.memory_space<hbm>> -> memref<16x128xf32, #tpu.memory_space<hbm>>
      tpu.enqueue_dma source(%dma_start3A_623 : memref<16x128xf32, #tpu.memory_space<hbm>>) target(%arg47 : memref<16x128xf32, #tpu.memory_space<vmem>>) target_semaphore(%arg62 : memref<!tpu.dma_semaphore, #tpu.memory_space<semaphore_mem>>)
      %dma_start3A_624 = arith.constant 0 : i32
      %dma_start3A_625 = tpu.memref_slice %arg6[%dma_start3A_624, %multiple_of3A_619] : memref<16x1000000xf32, #tpu.memory_space<hbm>> -> memref<16x128xf32, #tpu.memory_space<hbm>>
      %dma_start3A_626 = arith.constant 0 : i32
      %dma_start3A_627 = tpu.memref_slice %arg6[%dma_start3A_626, %multiple_of3A_619] : memref<16x1000000xf32, #tpu.memory_space<hbm>> -> memref<16x128xf32, #tpu.memory_space<hbm>>
      tpu.enqueue_dma source(%dma_start3A_627 : memref<16x128xf32, #tpu.memory_space<hbm>>) target(%arg55 : memref<16x128xf32, #tpu.memory_space<vmem>>) target_semaphore(%arg62 : memref<!tpu.dma_semaphore, #tpu.memory_space<semaphore_mem>>)
      %slice3A_628 = vector.extract_strided_slice %get3A_567 {offsets = [4], sizes = [1], strides = [1]} : vector<16xi32> to vector<1xi32>
      %squeeze3A_629 = vector.extract %slice3A_628[0] : i32 from vector<1xi32>
      %shift_right_arithmetic3A_630 = arith.constant 7 : i32
      %shift_right_arithmetic3A_631 = arith.shrsi %squeeze3A_629, %shift_right_arithmetic3A_630 : i32
      %shift_left3A_632 = arith.constant 7 : i32
      %shift_left3A_633 = arith.shli %shift_right_arithmetic3A_631, %shift_left3A_632 : i32
      %multiple_of3A_634 = tpu.assume_multiple %shift_left3A_633, 128 : i32
      %dma_start3A_635 = arith.constant 0 : i32
      %dma_start3A_636 = tpu.memref_slice %arg5[%dma_start3A_635, %multiple_of3A_634] : memref<16x1000000xf32, #tpu.memory_space<hbm>> -> memref<16x128xf32, #tpu.memory_space<hbm>>
      %dma_start3A_637 = arith.constant 0 : i32
      %dma_start3A_638 = tpu.memref_slice %arg5[%dma_start3A_637, %multiple_of3A_634] : memref<16x1000000xf32, #tpu.memory_space<hbm>> -> memref<16x128xf32, #tpu.memory_space<hbm>>
      tpu.enqueue_dma source(%dma_start3A_638 : memref<16x128xf32, #tpu.memory_space<hbm>>) target(%arg48 : memref<16x128xf32, #tpu.memory_space<vmem>>) target_semaphore(%arg62 : memref<!tpu.dma_semaphore, #tpu.memory_space<semaphore_mem>>)
      %dma_start3A_639 = arith.constant 0 : i32
      %dma_start3A_640 = tpu.memref_slice %arg6[%dma_start3A_639, %multiple_of3A_634] : memref<16x1000000xf32, #tpu.memory_space<hbm>> -> memref<16x128xf32, #tpu.memory_space<hbm>>
      %dma_start3A_641 = arith.constant 0 : i32
      %dma_start3A_642 = tpu.memref_slice %arg6[%dma_start3A_641, %multiple_of3A_634] : memref<16x1000000xf32, #tpu.memory_space<hbm>> -> memref<16x128xf32, #tpu.memory_space<hbm>>
      tpu.enqueue_dma source(%dma_start3A_642 : memref<16x128xf32, #tpu.memory_space<hbm>>) target(%arg56 : memref<16x128xf32, #tpu.memory_space<vmem>>) target_semaphore(%arg62 : memref<!tpu.dma_semaphore, #tpu.memory_space<semaphore_mem>>)
      %slice3A_643 = vector.extract_strided_slice %get3A_567 {offsets = [5], sizes = [1], strides = [1]} : vector<16xi32> to vector<1xi32>
      %squeeze3A_644 = vector.extract %slice3A_643[0] : i32 from vector<1xi32>
      %shift_right_arithmetic3A_645 = arith.constant 7 : i32
      %shift_right_arithmetic3A_646 = arith.shrsi %squeeze3A_644, %shift_right_arithmetic3A_645 : i32
      %shift_left3A_647 = arith.constant 7 : i32
      %shift_left3A_648 = arith.shli %shift_right_arithmetic3A_646, %shift_left3A_647 : i32
      %multiple_of3A_649 = tpu.assume_multiple %shift_left3A_648, 128 : i32
      %dma_start3A_650 = arith.constant 0 : i32
      %dma_start3A_651 = tpu.memref_slice %arg5[%dma_start3A_650, %multiple_of3A_649] : memref<16x1000000xf32, #tpu.memory_space<hbm>> -> memref<16x128xf32, #tpu.memory_space<hbm>>
      %dma_start3A_652 = arith.constant 0 : i32
      %dma_start3A_653 = tpu.memref_slice %arg5[%dma_start3A_652, %multiple_of3A_649] : memref<16x1000000xf32, #tpu.memory_space<hbm>> -> memref<16x128xf32, #tpu.memory_space<hbm>>
      tpu.enqueue_dma source(%dma_start3A_653 : memref<16x128xf32, #tpu.memory_space<hbm>>) target(%arg49 : memref<16x128xf32, #tpu.memory_space<vmem>>) target_semaphore(%arg62 : memref<!tpu.dma_semaphore, #tpu.memory_space<semaphore_mem>>)
      %dma_start3A_654 = arith.constant 0 : i32
      %dma_start3A_655 = tpu.memref_slice %arg6[%dma_start3A_654, %multiple_of3A_649] : memref<16x1000000xf32, #tpu.memory_space<hbm>> -> memref<16x128xf32, #tpu.memory_space<hbm>>
      %dma_start3A_656 = arith.constant 0 : i32
      %dma_start3A_657 = tpu.memref_slice %arg6[%dma_start3A_656, %multiple_of3A_649] : memref<16x1000000xf32, #tpu.memory_space<hbm>> -> memref<16x128xf32, #tpu.memory_space<hbm>>
      tpu.enqueue_dma source(%dma_start3A_657 : memref<16x128xf32, #tpu.memory_space<hbm>>) target(%arg57 : memref<16x128xf32, #tpu.memory_space<vmem>>) target_semaphore(%arg62 : memref<!tpu.dma_semaphore, #tpu.memory_space<semaphore_mem>>)
      %slice3A_658 = vector.extract_strided_slice %get3A_567 {offsets = [6], sizes = [1], strides = [1]} : vector<16xi32> to vector<1xi32>
      %squeeze3A_659 = vector.extract %slice3A_658[0] : i32 from vector<1xi32>
      %shift_right_arithmetic3A_660 = arith.constant 7 : i32
      %shift_right_arithmetic3A_661 = arith.shrsi %squeeze3A_659, %shift_right_arithmetic3A_660 : i32
      %shift_left3A_662 = arith.constant 7 : i32
      %shift_left3A_663 = arith.shli %shift_right_arithmetic3A_661, %shift_left3A_662 : i32
      %multiple_of3A_664 = tpu.assume_multiple %shift_left3A_663, 128 : i32
      %dma_start3A_665 = arith.constant 0 : i32
      %dma_start3A_666 = tpu.memref_slice %arg5[%dma_start3A_665, %multiple_of3A_664] : memref<16x1000000xf32, #tpu.memory_space<hbm>> -> memref<16x128xf32, #tpu.memory_space<hbm>>
      %dma_start3A_667 = arith.constant 0 : i32
      %dma_start3A_668 = tpu.memref_slice %arg5[%dma_start3A_667, %multiple_of3A_664] : memref<16x1000000xf32, #tpu.memory_space<hbm>> -> memref<16x128xf32, #tpu.memory_space<hbm>>
      tpu.enqueue_dma source(%dma_start3A_668 : memref<16x128xf32, #tpu.memory_space<hbm>>) target(%arg50 : memref<16x128xf32, #tpu.memory_space<vmem>>) target_semaphore(%arg62 : memref<!tpu.dma_semaphore, #tpu.memory_space<semaphore_mem>>)
      %dma_start3A_669 = arith.constant 0 : i32
      %dma_start3A_670 = tpu.memref_slice %arg6[%dma_start3A_669, %multiple_of3A_664] : memref<16x1000000xf32, #tpu.memory_space<hbm>> -> memref<16x128xf32, #tpu.memory_space<hbm>>
      %dma_start3A_671 = arith.constant 0 : i32
      %dma_start3A_672 = tpu.memref_slice %arg6[%dma_start3A_671, %multiple_of3A_664] : memref<16x1000000xf32, #tpu.memory_space<hbm>> -> memref<16x128xf32, #tpu.memory_space<hbm>>
      tpu.enqueue_dma source(%dma_start3A_672 : memref<16x128xf32, #tpu.memory_space<hbm>>) target(%arg58 : memref<16x128xf32, #tpu.memory_space<vmem>>) target_semaphore(%arg62 : memref<!tpu.dma_semaphore, #tpu.memory_space<semaphore_mem>>)
      %slice3A_673 = vector.extract_strided_slice %get3A_567 {offsets = [7], sizes = [1], strides = [1]} : vector<16xi32> to vector<1xi32>
      %squeeze3A_674 = vector.extract %slice3A_673[0] : i32 from vector<1xi32>
      %shift_right_arithmetic3A_675 = arith.constant 7 : i32
      %shift_right_arithmetic3A_676 = arith.shrsi %squeeze3A_674, %shift_right_arithmetic3A_675 : i32
      %shift_left3A_677 = arith.constant 7 : i32
      %shift_left3A_678 = arith.shli %shift_right_arithmetic3A_676, %shift_left3A_677 : i32
      %multiple_of3A_679 = tpu.assume_multiple %shift_left3A_678, 128 : i32
      %dma_start3A_680 = arith.constant 0 : i32
      %dma_start3A_681 = tpu.memref_slice %arg5[%dma_start3A_680, %multiple_of3A_679] : memref<16x1000000xf32, #tpu.memory_space<hbm>> -> memref<16x128xf32, #tpu.memory_space<hbm>>
      %dma_start3A_682 = arith.constant 0 : i32
      %dma_start3A_683 = tpu.memref_slice %arg5[%dma_start3A_682, %multiple_of3A_679] : memref<16x1000000xf32, #tpu.memory_space<hbm>> -> memref<16x128xf32, #tpu.memory_space<hbm>>
      tpu.enqueue_dma source(%dma_start3A_683 : memref<16x128xf32, #tpu.memory_space<hbm>>) target(%arg51 : memref<16x128xf32, #tpu.memory_space<vmem>>) target_semaphore(%arg62 : memref<!tpu.dma_semaphore, #tpu.memory_space<semaphore_mem>>)
      %dma_start3A_684 = arith.constant 0 : i32
      %dma_start3A_685 = tpu.memref_slice %arg6[%dma_start3A_684, %multiple_of3A_679] : memref<16x1000000xf32, #tpu.memory_space<hbm>> -> memref<16x128xf32, #tpu.memory_space<hbm>>
      %dma_start3A_686 = arith.constant 0 : i32
      %dma_start3A_687 = tpu.memref_slice %arg6[%dma_start3A_686, %multiple_of3A_679] : memref<16x1000000xf32, #tpu.memory_space<hbm>> -> memref<16x128xf32, #tpu.memory_space<hbm>>
      tpu.enqueue_dma source(%dma_start3A_687 : memref<16x128xf32, #tpu.memory_space<hbm>>) target(%arg59 : memref<16x128xf32, #tpu.memory_space<vmem>>) target_semaphore(%arg62 : memref<!tpu.dma_semaphore, #tpu.memory_space<semaphore_mem>>)
      %mul3A_688 = arith.constant 8 : i32
      %mul3A_689 = arith.muli %mul3A_561, %mul3A_688 : i32
      %get3A_690 = arith.index_cast %mul3A_689 : i32 to index
      %get3A_691 = tpu.vector_load %arg8[%get3A_690] {strides = array<i32>} : memref<528xi32, #tpu.memory_space<vmem>>, vector<16xi32>,
      %and3A_692 = arith.constant 127 : i32
      %and3A_693 = vector.broadcast %and3A_692 : i32 to vector<16xi32>
      %and3A_694 = arith.andi %get3A_691, %and3A_693 : vector<16xi32>
      %mul3A_695 = arith.constant 8 : i32
      %mul3A_696 = arith.muli %mul3A_561, %mul3A_695 : i32
      %get3A_697 = arith.index_cast %mul3A_696 : i32 to index
      %get3A_698 = tpu.vector_load %arg10[%get3A_697] {strides = array<i32>} : memref<528xf32, #tpu.memory_space<vmem>>, vector<16xf32>,
      %dma_wait3A_699 = arith.constant 0 : i32
      %dma_wait3A_700 = arith.constant 0 : i32
      %dma_wait3A_701 = tpu.memref_slice %arg5[%dma_wait3A_699, %dma_wait3A_700] : memref<16x1000000xf32, #tpu.memory_space<hbm>> -> memref<16x128xf32, #tpu.memory_space<hbm>>
      %dma_wait3A_702 = arith.constant 0 : i32
      %dma_wait3A_703 = arith.constant 0 : i32
      %dma_wait3A_704 = tpu.memref_slice %arg5[%dma_wait3A_702, %dma_wait3A_703] : memref<16x1000000xf32, #tpu.memory_space<hbm>> -> memref<16x128xf32, #tpu.memory_space<hbm>>
      tpu.wait_dma2 semaphore(%arg60 : memref<!tpu.dma_semaphore, #tpu.memory_space<semaphore_mem>>) src(%dma_wait3A_704 : memref<16x128xf32, #tpu.memory_space<hbm>>) dst(%arg12 : memref<16x128xf32, #tpu.memory_space<vmem>>)
      %dma_wait3A_705 = arith.constant 0 : i32
      %dma_wait3A_706 = arith.constant 0 : i32
      %dma_wait3A_707 = tpu.memref_slice %arg6[%dma_wait3A_705, %dma_wait3A_706] : memref<16x1000000xf32, #tpu.memory_space<hbm>> -> memref<16x128xf32, #tpu.memory_space<hbm>>
      %dma_wait3A_708 = arith.constant 0 : i32
      %dma_wait3A_709 = arith.constant 0 : i32
      %dma_wait3A_710 = tpu.memref_slice %arg6[%dma_wait3A_708, %dma_wait3A_709] : memref<16x1000000xf32, #tpu.memory_space<hbm>> -> memref<16x128xf32, #tpu.memory_space<hbm>>
      tpu.wait_dma2 semaphore(%arg60 : memref<!tpu.dma_semaphore, #tpu.memory_space<semaphore_mem>>) src(%dma_wait3A_710 : memref<16x128xf32, #tpu.memory_space<hbm>>) dst(%arg20 : memref<16x128xf32, #tpu.memory_space<vmem>>)
      %dma_wait3A_711 = arith.constant 0 : i32
      %dma_wait3A_712 = arith.constant 0 : i32
      %dma_wait3A_713 = tpu.memref_slice %arg5[%dma_wait3A_711, %dma_wait3A_712] : memref<16x1000000xf32, #tpu.memory_space<hbm>> -> memref<16x128xf32, #tpu.memory_space<hbm>>
      %dma_wait3A_714 = arith.constant 0 : i32
      %dma_wait3A_715 = arith.constant 0 : i32
      %dma_wait3A_716 = tpu.memref_slice %arg5[%dma_wait3A_714, %dma_wait3A_715] : memref<16x1000000xf32, #tpu.memory_space<hbm>> -> memref<16x128xf32, #tpu.memory_space<hbm>>
      tpu.wait_dma2 semaphore(%arg60 : memref<!tpu.dma_semaphore, #tpu.memory_space<semaphore_mem>>) src(%dma_wait3A_716 : memref<16x128xf32, #tpu.memory_space<hbm>>) dst(%arg13 : memref<16x128xf32, #tpu.memory_space<vmem>>)
      %dma_wait3A_717 = arith.constant 0 : i32
      %dma_wait3A_718 = arith.constant 0 : i32
      %dma_wait3A_719 = tpu.memref_slice %arg6[%dma_wait3A_717, %dma_wait3A_718] : memref<16x1000000xf32, #tpu.memory_space<hbm>> -> memref<16x128xf32, #tpu.memory_space<hbm>>
      %dma_wait3A_720 = arith.constant 0 : i32
      %dma_wait3A_721 = arith.constant 0 : i32
      %dma_wait3A_722 = tpu.memref_slice %arg6[%dma_wait3A_720, %dma_wait3A_721] : memref<16x1000000xf32, #tpu.memory_space<hbm>> -> memref<16x128xf32, #tpu.memory_space<hbm>>
      tpu.wait_dma2 semaphore(%arg60 : memref<!tpu.dma_semaphore, #tpu.memory_space<semaphore_mem>>) src(%dma_wait3A_722 : memref<16x128xf32, #tpu.memory_space<hbm>>) dst(%arg21 : memref<16x128xf32, #tpu.memory_space<vmem>>)
      %dma_wait3A_723 = arith.constant 0 : i32
      %dma_wait3A_724 = arith.constant 0 : i32
      %dma_wait3A_725 = tpu.memref_slice %arg5[%dma_wait3A_723, %dma_wait3A_724] : memref<16x1000000xf32, #tpu.memory_space<hbm>> -> memref<16x128xf32, #tpu.memory_space<hbm>>
      %dma_wait3A_726 = arith.constant 0 : i32
      %dma_wait3A_727 = arith.constant 0 : i32
      %dma_wait3A_728 = tpu.memref_slice %arg5[%dma_wait3A_726, %dma_wait3A_727] : memref<16x1000000xf32, #tpu.memory_space<hbm>> -> memref<16x128xf32, #tpu.memory_space<hbm>>
      tpu.wait_dma2 semaphore(%arg60 : memref<!tpu.dma_semaphore, #tpu.memory_space<semaphore_mem>>) src(%dma_wait3A_728 : memref<16x128xf32, #tpu.memory_space<hbm>>) dst(%arg14 : memref<16x128xf32, #tpu.memory_space<vmem>>)
      %dma_wait3A_729 = arith.constant 0 : i32
      %dma_wait3A_730 = arith.constant 0 : i32
      %dma_wait3A_731 = tpu.memref_slice %arg6[%dma_wait3A_729, %dma_wait3A_730] : memref<16x1000000xf32, #tpu.memory_space<hbm>> -> memref<16x128xf32, #tpu.memory_space<hbm>>
      %dma_wait3A_732 = arith.constant 0 : i32
      %dma_wait3A_733 = arith.constant 0 : i32
      %dma_wait3A_734 = tpu.memref_slice %arg6[%dma_wait3A_732, %dma_wait3A_733] : memref<16x1000000xf32, #tpu.memory_space<hbm>> -> memref<16x128xf32, #tpu.memory_space<hbm>>
      tpu.wait_dma2 semaphore(%arg60 : memref<!tpu.dma_semaphore, #tpu.memory_space<semaphore_mem>>) src(%dma_wait3A_734 : memref<16x128xf32, #tpu.memory_space<hbm>>) dst(%arg22 : memref<16x128xf32, #tpu.memory_space<vmem>>)
      %dma_wait3A_735 = arith.constant 0 : i32
      %dma_wait3A_736 = arith.constant 0 : i32
      %dma_wait3A_737 = tpu.memref_slice %arg5[%dma_wait3A_735, %dma_wait3A_736] : memref<16x1000000xf32, #tpu.memory_space<hbm>> -> memref<16x128xf32, #tpu.memory_space<hbm>>
      %dma_wait3A_738 = arith.constant 0 : i32
      %dma_wait3A_739 = arith.constant 0 : i32
      %dma_wait3A_740 = tpu.memref_slice %arg5[%dma_wait3A_738, %dma_wait3A_739] : memref<16x1000000xf32, #tpu.memory_space<hbm>> -> memref<16x128xf32, #tpu.memory_space<hbm>>
      tpu.wait_dma2 semaphore(%arg60 : memref<!tpu.dma_semaphore, #tpu.memory_space<semaphore_mem>>) src(%dma_wait3A_740 : memref<16x128xf32, #tpu.memory_space<hbm>>) dst(%arg15 : memref<16x128xf32, #tpu.memory_space<vmem>>)
      %dma_wait3A_741 = arith.constant 0 : i32
      %dma_wait3A_742 = arith.constant 0 : i32
      %dma_wait3A_743 = tpu.memref_slice %arg6[%dma_wait3A_741, %dma_wait3A_742] : memref<16x1000000xf32, #tpu.memory_space<hbm>> -> memref<16x128xf32, #tpu.memory_space<hbm>>
      %dma_wait3A_744 = arith.constant 0 : i32
      %dma_wait3A_745 = arith.constant 0 : i32
      %dma_wait3A_746 = tpu.memref_slice %arg6[%dma_wait3A_744, %dma_wait3A_745] : memref<16x1000000xf32, #tpu.memory_space<hbm>> -> memref<16x128xf32, #tpu.memory_space<hbm>>
      tpu.wait_dma2 semaphore(%arg60 : memref<!tpu.dma_semaphore, #tpu.memory_space<semaphore_mem>>) src(%dma_wait3A_746 : memref<16x128xf32, #tpu.memory_space<hbm>>) dst(%arg23 : memref<16x128xf32, #tpu.memory_space<vmem>>)
      %dma_wait3A_747 = arith.constant 0 : i32
      %dma_wait3A_748 = arith.constant 0 : i32
      %dma_wait3A_749 = tpu.memref_slice %arg5[%dma_wait3A_747, %dma_wait3A_748] : memref<16x1000000xf32, #tpu.memory_space<hbm>> -> memref<16x128xf32, #tpu.memory_space<hbm>>
      %dma_wait3A_750 = arith.constant 0 : i32
      %dma_wait3A_751 = arith.constant 0 : i32
      %dma_wait3A_752 = tpu.memref_slice %arg5[%dma_wait3A_750, %dma_wait3A_751] : memref<16x1000000xf32, #tpu.memory_space<hbm>> -> memref<16x128xf32, #tpu.memory_space<hbm>>
      tpu.wait_dma2 semaphore(%arg60 : memref<!tpu.dma_semaphore, #tpu.memory_space<semaphore_mem>>) src(%dma_wait3A_752 : memref<16x128xf32, #tpu.memory_space<hbm>>) dst(%arg16 : memref<16x128xf32, #tpu.memory_space<vmem>>)
      %dma_wait3A_753 = arith.constant 0 : i32
      %dma_wait3A_754 = arith.constant 0 : i32
      %dma_wait3A_755 = tpu.memref_slice %arg6[%dma_wait3A_753, %dma_wait3A_754] : memref<16x1000000xf32, #tpu.memory_space<hbm>> -> memref<16x128xf32, #tpu.memory_space<hbm>>
      %dma_wait3A_756 = arith.constant 0 : i32
      %dma_wait3A_757 = arith.constant 0 : i32
      %dma_wait3A_758 = tpu.memref_slice %arg6[%dma_wait3A_756, %dma_wait3A_757] : memref<16x1000000xf32, #tpu.memory_space<hbm>> -> memref<16x128xf32, #tpu.memory_space<hbm>>
      tpu.wait_dma2 semaphore(%arg60 : memref<!tpu.dma_semaphore, #tpu.memory_space<semaphore_mem>>) src(%dma_wait3A_758 : memref<16x128xf32, #tpu.memory_space<hbm>>) dst(%arg24 : memref<16x128xf32, #tpu.memory_space<vmem>>)
      %dma_wait3A_759 = arith.constant 0 : i32
      %dma_wait3A_760 = arith.constant 0 : i32
      %dma_wait3A_761 = tpu.memref_slice %arg5[%dma_wait3A_759, %dma_wait3A_760] : memref<16x1000000xf32, #tpu.memory_space<hbm>> -> memref<16x128xf32, #tpu.memory_space<hbm>>
      %dma_wait3A_762 = arith.constant 0 : i32
      %dma_wait3A_763 = arith.constant 0 : i32
      %dma_wait3A_764 = tpu.memref_slice %arg5[%dma_wait3A_762, %dma_wait3A_763] : memref<16x1000000xf32, #tpu.memory_space<hbm>> -> memref<16x128xf32, #tpu.memory_space<hbm>>
      tpu.wait_dma2 semaphore(%arg60 : memref<!tpu.dma_semaphore, #tpu.memory_space<semaphore_mem>>) src(%dma_wait3A_764 : memref<16x128xf32, #tpu.memory_space<hbm>>) dst(%arg17 : memref<16x128xf32, #tpu.memory_space<vmem>>)
      %dma_wait3A_765 = arith.constant 0 : i32
      %dma_wait3A_766 = arith.constant 0 : i32
      %dma_wait3A_767 = tpu.memref_slice %arg6[%dma_wait3A_765, %dma_wait3A_766] : memref<16x1000000xf32, #tpu.memory_space<hbm>> -> memref<16x128xf32, #tpu.memory_space<hbm>>
      %dma_wait3A_768 = arith.constant 0 : i32
      %dma_wait3A_769 = arith.constant 0 : i32
      %dma_wait3A_770 = tpu.memref_slice %arg6[%dma_wait3A_768, %dma_wait3A_769] : memref<16x1000000xf32, #tpu.memory_space<hbm>> -> memref<16x128xf32, #tpu.memory_space<hbm>>
      tpu.wait_dma2 semaphore(%arg60 : memref<!tpu.dma_semaphore, #tpu.memory_space<semaphore_mem>>) src(%dma_wait3A_770 : memref<16x128xf32, #tpu.memory_space<hbm>>) dst(%arg25 : memref<16x128xf32, #tpu.memory_space<vmem>>)
      %dma_wait3A_771 = arith.constant 0 : i32
      %dma_wait3A_772 = arith.constant 0 : i32
      %dma_wait3A_773 = tpu.memref_slice %arg5[%dma_wait3A_771, %dma_wait3A_772] : memref<16x1000000xf32, #tpu.memory_space<hbm>> -> memref<16x128xf32, #tpu.memory_space<hbm>>
      %dma_wait3A_774 = arith.constant 0 : i32
      %dma_wait3A_775 = arith.constant 0 : i32
      %dma_wait3A_776 = tpu.memref_slice %arg5[%dma_wait3A_774, %dma_wait3A_775] : memref<16x1000000xf32, #tpu.memory_space<hbm>> -> memref<16x128xf32, #tpu.memory_space<hbm>>
      tpu.wait_dma2 semaphore(%arg60 : memref<!tpu.dma_semaphore, #tpu.memory_space<semaphore_mem>>) src(%dma_wait3A_776 : memref<16x128xf32, #tpu.memory_space<hbm>>) dst(%arg18 : memref<16x128xf32, #tpu.memory_space<vmem>>)
      %dma_wait3A_777 = arith.constant 0 : i32
      %dma_wait3A_778 = arith.constant 0 : i32
      %dma_wait3A_779 = tpu.memref_slice %arg6[%dma_wait3A_777, %dma_wait3A_778] : memref<16x1000000xf32, #tpu.memory_space<hbm>> -> memref<16x128xf32, #tpu.memory_space<hbm>>
      %dma_wait3A_780 = arith.constant 0 : i32
      %dma_wait3A_781 = arith.constant 0 : i32
      %dma_wait3A_782 = tpu.memref_slice %arg6[%dma_wait3A_780, %dma_wait3A_781] : memref<16x1000000xf32, #tpu.memory_space<hbm>> -> memref<16x128xf32, #tpu.memory_space<hbm>>
      tpu.wait_dma2 semaphore(%arg60 : memref<!tpu.dma_semaphore, #tpu.memory_space<semaphore_mem>>) src(%dma_wait3A_782 : memref<16x128xf32, #tpu.memory_space<hbm>>) dst(%arg26 : memref<16x128xf32, #tpu.memory_space<vmem>>)
      %dma_wait3A_783 = arith.constant 0 : i32
      %dma_wait3A_784 = arith.constant 0 : i32
      %dma_wait3A_785 = tpu.memref_slice %arg5[%dma_wait3A_783, %dma_wait3A_784] : memref<16x1000000xf32, #tpu.memory_space<hbm>> -> memref<16x128xf32, #tpu.memory_space<hbm>>
      %dma_wait3A_786 = arith.constant 0 : i32
      %dma_wait3A_787 = arith.constant 0 : i32
      %dma_wait3A_788 = tpu.memref_slice %arg5[%dma_wait3A_786, %dma_wait3A_787] : memref<16x1000000xf32, #tpu.memory_space<hbm>> -> memref<16x128xf32, #tpu.memory_space<hbm>>
      tpu.wait_dma2 semaphore(%arg60 : memref<!tpu.dma_semaphore, #tpu.memory_space<semaphore_mem>>) src(%dma_wait3A_788 : memref<16x128xf32, #tpu.memory_space<hbm>>) dst(%arg19 : memref<16x128xf32, #tpu.memory_space<vmem>>)
      %dma_wait3A_789 = arith.constant 0 : i32
      %dma_wait3A_790 = arith.constant 0 : i32
      %dma_wait3A_791 = tpu.memref_slice %arg6[%dma_wait3A_789, %dma_wait3A_790] : memref<16x1000000xf32, #tpu.memory_space<hbm>> -> memref<16x128xf32, #tpu.memory_space<hbm>>
      %dma_wait3A_792 = arith.constant 0 : i32
      %dma_wait3A_793 = arith.constant 0 : i32
      %dma_wait3A_794 = tpu.memref_slice %arg6[%dma_wait3A_792, %dma_wait3A_793] : memref<16x1000000xf32, #tpu.memory_space<hbm>> -> memref<16x128xf32, #tpu.memory_space<hbm>>
      tpu.wait_dma2 semaphore(%arg60 : memref<!tpu.dma_semaphore, #tpu.memory_space<semaphore_mem>>) src(%dma_wait3A_794 : memref<16x128xf32, #tpu.memory_space<hbm>>) dst(%arg27 : memref<16x128xf32, #tpu.memory_space<vmem>>)
      %mul3A_795 = arith.constant 8 : i32
      %mul3A_796 = arith.muli %mul3A_561, %mul3A_795 : i32
      %add3A_797 = arith.constant 0 : i32
      %add3A_798 = arith.addi %mul3A_796, %add3A_797 : i32
      %broadcast_in_dim3A_799 = vector.broadcast %add3A_798 : i32 to vector<16xi32>
      %slice3A_800 = vector.extract_strided_slice %and3A_694 {offsets = [0], sizes = [1], strides = [1]} : vector<16xi32> to vector<1xi32>
      %squeeze3A_801 = vector.extract %slice3A_800[0] : i32 from vector<1xi32>
      %broadcast_in_dim3A_802 = vector.broadcast %squeeze3A_801 : i32 to vector<16xi32>
      %slice3A_803 = vector.extract_strided_slice %get3A_698 {offsets = [0], sizes = [1], strides = [1]} : vector<16xf32> to vector<1xf32>
      %squeeze3A_804 = vector.extract %slice3A_803[0] : f32 from vector<1xf32>
      %broadcast_in_dim3A_805 = vector.broadcast %squeeze3A_804 : f32 to vector<16xf32>
      %gather3A_806 = tpu.vector_load_idx %arg12[%iota3A, %broadcast_in_dim3A_802] : memref<16x128xf32, #tpu.memory_space<vmem>>[vector<16xi32>, vector<16xi32>], vector<16xf32>,
      %gather3A_807 = tpu.vector_load_idx %arg20[%iota3A, %broadcast_in_dim3A_802] : memref<16x128xf32, #tpu.memory_space<vmem>>[vector<16xi32>, vector<16xi32>], vector<16xf32>,
      %gather3A_808 = tpu.vector_load_idx %arg9[%iota3A, %broadcast_in_dim3A_799] : memref<16x512xf32, #tpu.memory_space<vmem>>[vector<16xi32>, vector<16xi32>], vector<16xf32>,
      %exp3A_809 = math.exp %gather3A_807 : vector<16xf32>
      %mul3A_810 = arith.mulf %exp3A_809, %gather3A_808 : vector<16xf32>
      %add3A_811 = arith.addf %gather3A_806, %mul3A_810 : vector<16xf32>
      %mul3A_812 = arith.mulf %add3A_811, %broadcast_in_dim3A_805 : vector<16xf32>
      tpu.vector_store_idx %arg11[%iota3A, %broadcast_in_dim3A_799], %mul3A_812 : memref<16x512xf32, #tpu.memory_space<vmem>>[vector<16xi32>, vector<16xi32>], vector<16xf32>,
      %mul3A_813 = arith.constant 8 : i32
      %mul3A_814 = arith.muli %mul3A_561, %mul3A_813 : i32
      %add3A_815 = arith.constant 1 : i32
      %add3A_816 = arith.addi %mul3A_814, %add3A_815 : i32
      %broadcast_in_dim3A_817 = vector.broadcast %add3A_816 : i32 to vector<16xi32>
      %slice3A_818 = vector.extract_strided_slice %and3A_694 {offsets = [1], sizes = [1], strides = [1]} : vector<16xi32> to vector<1xi32>
      %squeeze3A_819 = vector.extract %slice3A_818[0] : i32 from vector<1xi32>
      %broadcast_in_dim3A_820 = vector.broadcast %squeeze3A_819 : i32 to vector<16xi32>
      %slice3A_821 = vector.extract_strided_slice %get3A_698 {offsets = [1], sizes = [1], strides = [1]} : vector<16xf32> to vector<1xf32>
      %squeeze3A_822 = vector.extract %slice3A_821[0] : f32 from vector<1xf32>
      %broadcast_in_dim3A_823 = vector.broadcast %squeeze3A_822 : f32 to vector<16xf32>
      %gather3A_824 = tpu.vector_load_idx %arg13[%iota3A, %broadcast_in_dim3A_820] : memref<16x128xf32, #tpu.memory_space<vmem>>[vector<16xi32>, vector<16xi32>], vector<16xf32>,
      %gather3A_825 = tpu.vector_load_idx %arg21[%iota3A, %broadcast_in_dim3A_820] : memref<16x128xf32, #tpu.memory_space<vmem>>[vector<16xi32>, vector<16xi32>], vector<16xf32>,
      %gather3A_826 = tpu.vector_load_idx %arg9[%iota3A, %broadcast_in_dim3A_817] : memref<16x512xf32, #tpu.memory_space<vmem>>[vector<16xi32>, vector<16xi32>], vector<16xf32>,
      %exp3A_827 = math.exp %gather3A_825 : vector<16xf32>
      %mul3A_828 = arith.mulf %exp3A_827, %gather3A_826 : vector<16xf32>
      %add3A_829 = arith.addf %gather3A_824, %mul3A_828 : vector<16xf32>
      %mul3A_830 = arith.mulf %add3A_829, %broadcast_in_dim3A_823 : vector<16xf32>
      tpu.vector_store_idx %arg11[%iota3A, %broadcast_in_dim3A_817], %mul3A_830 : memref<16x512xf32, #tpu.memory_space<vmem>>[vector<16xi32>, vector<16xi32>], vector<16xf32>,
      %mul3A_831 = arith.constant 8 : i32
      %mul3A_832 = arith.muli %mul3A_561, %mul3A_831 : i32
      %add3A_833 = arith.constant 2 : i32
      %add3A_834 = arith.addi %mul3A_832, %add3A_833 : i32
      %broadcast_in_dim3A_835 = vector.broadcast %add3A_834 : i32 to vector<16xi32>
      %slice3A_836 = vector.extract_strided_slice %and3A_694 {offsets = [2], sizes = [1], strides = [1]} : vector<16xi32> to vector<1xi32>
      %squeeze3A_837 = vector.extract %slice3A_836[0] : i32 from vector<1xi32>
      %broadcast_in_dim3A_838 = vector.broadcast %squeeze3A_837 : i32 to vector<16xi32>
      %slice3A_839 = vector.extract_strided_slice %get3A_698 {offsets = [2], sizes = [1], strides = [1]} : vector<16xf32> to vector<1xf32>
      %squeeze3A_840 = vector.extract %slice3A_839[0] : f32 from vector<1xf32>
      %broadcast_in_dim3A_841 = vector.broadcast %squeeze3A_840 : f32 to vector<16xf32>
      %gather3A_842 = tpu.vector_load_idx %arg14[%iota3A, %broadcast_in_dim3A_838] : memref<16x128xf32, #tpu.memory_space<vmem>>[vector<16xi32>, vector<16xi32>], vector<16xf32>,
      %gather3A_843 = tpu.vector_load_idx %arg22[%iota3A, %broadcast_in_dim3A_838] : memref<16x128xf32, #tpu.memory_space<vmem>>[vector<16xi32>, vector<16xi32>], vector<16xf32>,
      %gather3A_844 = tpu.vector_load_idx %arg9[%iota3A, %broadcast_in_dim3A_835] : memref<16x512xf32, #tpu.memory_space<vmem>>[vector<16xi32>, vector<16xi32>], vector<16xf32>,
      %exp3A_845 = math.exp %gather3A_843 : vector<16xf32>
      %mul3A_846 = arith.mulf %exp3A_845, %gather3A_844 : vector<16xf32>
      %add3A_847 = arith.addf %gather3A_842, %mul3A_846 : vector<16xf32>
      %mul3A_848 = arith.mulf %add3A_847, %broadcast_in_dim3A_841 : vector<16xf32>
      tpu.vector_store_idx %arg11[%iota3A, %broadcast_in_dim3A_835], %mul3A_848 : memref<16x512xf32, #tpu.memory_space<vmem>>[vector<16xi32>, vector<16xi32>], vector<16xf32>,
      %mul3A_849 = arith.constant 8 : i32
      %mul3A_850 = arith.muli %mul3A_561, %mul3A_849 : i32
      %add3A_851 = arith.constant 3 : i32
      %add3A_852 = arith.addi %mul3A_850, %add3A_851 : i32
      %broadcast_in_dim3A_853 = vector.broadcast %add3A_852 : i32 to vector<16xi32>
      %slice3A_854 = vector.extract_strided_slice %and3A_694 {offsets = [3], sizes = [1], strides = [1]} : vector<16xi32> to vector<1xi32>
      %squeeze3A_855 = vector.extract %slice3A_854[0] : i32 from vector<1xi32>
      %broadcast_in_dim3A_856 = vector.broadcast %squeeze3A_855 : i32 to vector<16xi32>
      %slice3A_857 = vector.extract_strided_slice %get3A_698 {offsets = [3], sizes = [1], strides = [1]} : vector<16xf32> to vector<1xf32>
      %squeeze3A_858 = vector.extract %slice3A_857[0] : f32 from vector<1xf32>
      %broadcast_in_dim3A_859 = vector.broadcast %squeeze3A_858 : f32 to vector<16xf32>
      %gather3A_860 = tpu.vector_load_idx %arg15[%iota3A, %broadcast_in_dim3A_856] : memref<16x128xf32, #tpu.memory_space<vmem>>[vector<16xi32>, vector<16xi32>], vector<16xf32>,
      %gather3A_861 = tpu.vector_load_idx %arg23[%iota3A, %broadcast_in_dim3A_856] : memref<16x128xf32, #tpu.memory_space<vmem>>[vector<16xi32>, vector<16xi32>], vector<16xf32>,
      %gather3A_862 = tpu.vector_load_idx %arg9[%iota3A, %broadcast_in_dim3A_853] : memref<16x512xf32, #tpu.memory_space<vmem>>[vector<16xi32>, vector<16xi32>], vector<16xf32>,
      %exp3A_863 = math.exp %gather3A_861 : vector<16xf32>
      %mul3A_864 = arith.mulf %exp3A_863, %gather3A_862 : vector<16xf32>
      %add3A_865 = arith.addf %gather3A_860, %mul3A_864 : vector<16xf32>
      %mul3A_866 = arith.mulf %add3A_865, %broadcast_in_dim3A_859 : vector<16xf32>
      tpu.vector_store_idx %arg11[%iota3A, %broadcast_in_dim3A_853], %mul3A_866 : memref<16x512xf32, #tpu.memory_space<vmem>>[vector<16xi32>, vector<16xi32>], vector<16xf32>,
      %mul3A_867 = arith.constant 8 : i32
      %mul3A_868 = arith.muli %mul3A_561, %mul3A_867 : i32
      %add3A_869 = arith.constant 4 : i32
      %add3A_870 = arith.addi %mul3A_868, %add3A_869 : i32
      %broadcast_in_dim3A_871 = vector.broadcast %add3A_870 : i32 to vector<16xi32>
      %slice3A_872 = vector.extract_strided_slice %and3A_694 {offsets = [4], sizes = [1], strides = [1]} : vector<16xi32> to vector<1xi32>
      %squeeze3A_873 = vector.extract %slice3A_872[0] : i32 from vector<1xi32>
      %broadcast_in_dim3A_874 = vector.broadcast %squeeze3A_873 : i32 to vector<16xi32>
      %slice3A_875 = vector.extract_strided_slice %get3A_698 {offsets = [4], sizes = [1], strides = [1]} : vector<16xf32> to vector<1xf32>
      %squeeze3A_876 = vector.extract %slice3A_875[0] : f32 from vector<1xf32>
      %broadcast_in_dim3A_877 = vector.broadcast %squeeze3A_876 : f32 to vector<16xf32>
      %gather3A_878 = tpu.vector_load_idx %arg16[%iota3A, %broadcast_in_dim3A_874] : memref<16x128xf32, #tpu.memory_space<vmem>>[vector<16xi32>, vector<16xi32>], vector<16xf32>,
      %gather3A_879 = tpu.vector_load_idx %arg24[%iota3A, %broadcast_in_dim3A_874] : memref<16x128xf32, #tpu.memory_space<vmem>>[vector<16xi32>, vector<16xi32>], vector<16xf32>,
      %gather3A_880 = tpu.vector_load_idx %arg9[%iota3A, %broadcast_in_dim3A_871] : memref<16x512xf32, #tpu.memory_space<vmem>>[vector<16xi32>, vector<16xi32>], vector<16xf32>,
      %exp3A_881 = math.exp %gather3A_879 : vector<16xf32>
      %mul3A_882 = arith.mulf %exp3A_881, %gather3A_880 : vector<16xf32>
      %add3A_883 = arith.addf %gather3A_878, %mul3A_882 : vector<16xf32>
      %mul3A_884 = arith.mulf %add3A_883, %broadcast_in_dim3A_877 : vector<16xf32>
      tpu.vector_store_idx %arg11[%iota3A, %broadcast_in_dim3A_871], %mul3A_884 : memref<16x512xf32, #tpu.memory_space<vmem>>[vector<16xi32>, vector<16xi32>], vector<16xf32>,
      %mul3A_885 = arith.constant 8 : i32
      %mul3A_886 = arith.muli %mul3A_561, %mul3A_885 : i32
      %add3A_887 = arith.constant 5 : i32
      %add3A_888 = arith.addi %mul3A_886, %add3A_887 : i32
      %broadcast_in_dim3A_889 = vector.broadcast %add3A_888 : i32 to vector<16xi32>
      %slice3A_890 = vector.extract_strided_slice %and3A_694 {offsets = [5], sizes = [1], strides = [1]} : vector<16xi32> to vector<1xi32>
      %squeeze3A_891 = vector.extract %slice3A_890[0] : i32 from vector<1xi32>
      %broadcast_in_dim3A_892 = vector.broadcast %squeeze3A_891 : i32 to vector<16xi32>
      %slice3A_893 = vector.extract_strided_slice %get3A_698 {offsets = [5], sizes = [1], strides = [1]} : vector<16xf32> to vector<1xf32>
      %squeeze3A_894 = vector.extract %slice3A_893[0] : f32 from vector<1xf32>
      %broadcast_in_dim3A_895 = vector.broadcast %squeeze3A_894 : f32 to vector<16xf32>
      %gather3A_896 = tpu.vector_load_idx %arg17[%iota3A, %broadcast_in_dim3A_892] : memref<16x128xf32, #tpu.memory_space<vmem>>[vector<16xi32>, vector<16xi32>], vector<16xf32>,
      %gather3A_897 = tpu.vector_load_idx %arg25[%iota3A, %broadcast_in_dim3A_892] : memref<16x128xf32, #tpu.memory_space<vmem>>[vector<16xi32>, vector<16xi32>], vector<16xf32>,
      %gather3A_898 = tpu.vector_load_idx %arg9[%iota3A, %broadcast_in_dim3A_889] : memref<16x512xf32, #tpu.memory_space<vmem>>[vector<16xi32>, vector<16xi32>], vector<16xf32>,
      %exp3A_899 = math.exp %gather3A_897 : vector<16xf32>
      %mul3A_900 = arith.mulf %exp3A_899, %gather3A_898 : vector<16xf32>
      %add3A_901 = arith.addf %gather3A_896, %mul3A_900 : vector<16xf32>
      %mul3A_902 = arith.mulf %add3A_901, %broadcast_in_dim3A_895 : vector<16xf32>
      tpu.vector_store_idx %arg11[%iota3A, %broadcast_in_dim3A_889], %mul3A_902 : memref<16x512xf32, #tpu.memory_space<vmem>>[vector<16xi32>, vector<16xi32>], vector<16xf32>,
      %mul3A_903 = arith.constant 8 : i32
      %mul3A_904 = arith.muli %mul3A_561, %mul3A_903 : i32
      %add3A_905 = arith.constant 6 : i32
      %add3A_906 = arith.addi %mul3A_904, %add3A_905 : i32
      %broadcast_in_dim3A_907 = vector.broadcast %add3A_906 : i32 to vector<16xi32>
      %slice3A_908 = vector.extract_strided_slice %and3A_694 {offsets = [6], sizes = [1], strides = [1]} : vector<16xi32> to vector<1xi32>
      %squeeze3A_909 = vector.extract %slice3A_908[0] : i32 from vector<1xi32>
      %broadcast_in_dim3A_910 = vector.broadcast %squeeze3A_909 : i32 to vector<16xi32>
      %slice3A_911 = vector.extract_strided_slice %get3A_698 {offsets = [6], sizes = [1], strides = [1]} : vector<16xf32> to vector<1xf32>
      %squeeze3A_912 = vector.extract %slice3A_911[0] : f32 from vector<1xf32>
      %broadcast_in_dim3A_913 = vector.broadcast %squeeze3A_912 : f32 to vector<16xf32>
      %gather3A_914 = tpu.vector_load_idx %arg18[%iota3A, %broadcast_in_dim3A_910] : memref<16x128xf32, #tpu.memory_space<vmem>>[vector<16xi32>, vector<16xi32>], vector<16xf32>,
      %gather3A_915 = tpu.vector_load_idx %arg26[%iota3A, %broadcast_in_dim3A_910] : memref<16x128xf32, #tpu.memory_space<vmem>>[vector<16xi32>, vector<16xi32>], vector<16xf32>,
      %gather3A_916 = tpu.vector_load_idx %arg9[%iota3A, %broadcast_in_dim3A_907] : memref<16x512xf32, #tpu.memory_space<vmem>>[vector<16xi32>, vector<16xi32>], vector<16xf32>,
      %exp3A_917 = math.exp %gather3A_915 : vector<16xf32>
      %mul3A_918 = arith.mulf %exp3A_917, %gather3A_916 : vector<16xf32>
      %add3A_919 = arith.addf %gather3A_914, %mul3A_918 : vector<16xf32>
      %mul3A_920 = arith.mulf %add3A_919, %broadcast_in_dim3A_913 : vector<16xf32>
      tpu.vector_store_idx %arg11[%iota3A, %broadcast_in_dim3A_907], %mul3A_920 : memref<16x512xf32, #tpu.memory_space<vmem>>[vector<16xi32>, vector<16xi32>], vector<16xf32>,
      %mul3A_921 = arith.constant 8 : i32
      %mul3A_922 = arith.muli %mul3A_561, %mul3A_921 : i32
      %add3A_923 = arith.constant 7 : i32
      %add3A_924 = arith.addi %mul3A_922, %add3A_923 : i32
      %broadcast_in_dim3A_925 = vector.broadcast %add3A_924 : i32 to vector<16xi32>
      %slice3A_926 = vector.extract_strided_slice %and3A_694 {offsets = [7], sizes = [1], strides = [1]} : vector<16xi32> to vector<1xi32>
      %squeeze3A_927 = vector.extract %slice3A_926[0] : i32 from vector<1xi32>
      %broadcast_in_dim3A_928 = vector.broadcast %squeeze3A_927 : i32 to vector<16xi32>
      %slice3A_929 = vector.extract_strided_slice %get3A_698 {offsets = [7], sizes = [1], strides = [1]} : vector<16xf32> to vector<1xf32>
      %squeeze3A_930 = vector.extract %slice3A_929[0] : f32 from vector<1xf32>
      %broadcast_in_dim3A_931 = vector.broadcast %squeeze3A_930 : f32 to vector<16xf32>
      %gather3A_932 = tpu.vector_load_idx %arg19[%iota3A, %broadcast_in_dim3A_928] : memref<16x128xf32, #tpu.memory_space<vmem>>[vector<16xi32>, vector<16xi32>], vector<16xf32>,
      %gather3A_933 = tpu.vector_load_idx %arg27[%iota3A, %broadcast_in_dim3A_928] : memref<16x128xf32, #tpu.memory_space<vmem>>[vector<16xi32>, vector<16xi32>], vector<16xf32>,
      %gather3A_934 = tpu.vector_load_idx %arg9[%iota3A, %broadcast_in_dim3A_925] : memref<16x512xf32, #tpu.memory_space<vmem>>[vector<16xi32>, vector<16xi32>], vector<16xf32>,
      %exp3A_935 = math.exp %gather3A_933 : vector<16xf32>
      %mul3A_936 = arith.mulf %exp3A_935, %gather3A_934 : vector<16xf32>
      %add3A_937 = arith.addf %gather3A_932, %mul3A_936 : vector<16xf32>
      %mul3A_938 = arith.mulf %add3A_937, %broadcast_in_dim3A_931 : vector<16xf32>
      tpu.vector_store_idx %arg11[%iota3A, %broadcast_in_dim3A_925], %mul3A_938 : memref<16x512xf32, #tpu.memory_space<vmem>>[vector<16xi32>, vector<16xi32>], vector<16xf32>,
      %add3A_939 = arith.constant 3 : i32
      %add3A_940 = arith.addi %mul3A_561, %add3A_939 : i32
      %mul3A_941 = arith.constant 8 : i32
      %mul3A_942 = arith.muli %add3A_940, %mul3A_941 : i32
      %get3A_943 = arith.index_cast %mul3A_942 : i32 to index
      %get3A_944 = tpu.vector_load %arg8[%get3A_943] {strides = array<i32>} : memref<528xi32, #tpu.memory_space<vmem>>, vector<16xi32>,
      %slice3A_945 = vector.extract_strided_slice %get3A_944 {offsets = [0], sizes = [1], strides = [1]} : vector<16xi32> to vector<1xi32>
      %squeeze3A_946 = vector.extract %slice3A_945[0] : i32 from vector<1xi32>
      %shift_right_arithmetic3A_947 = arith.constant 7 : i32
      %shift_right_arithmetic3A_948 = arith.shrsi %squeeze3A_946, %shift_right_arithmetic3A_947 : i32
      %shift_left3A_949 = arith.constant 7 : i32
      %shift_left3A_950 = arith.shli %shift_right_arithmetic3A_948, %shift_left3A_949 : i32
      %multiple_of3A_951 = tpu.assume_multiple %shift_left3A_950, 128 : i32
      %dma_start3A_952 = arith.constant 0 : i32
      %dma_start3A_953 = tpu.memref_slice %arg5[%dma_start3A_952, %multiple_of3A_951] : memref<16x1000000xf32, #tpu.memory_space<hbm>> -> memref<16x128xf32, #tpu.memory_space<hbm>>
      %dma_start3A_954 = arith.constant 0 : i32
      %dma_start3A_955 = tpu.memref_slice %arg5[%dma_start3A_954, %multiple_of3A_951] : memref<16x1000000xf32, #tpu.memory_space<hbm>> -> memref<16x128xf32, #tpu.memory_space<hbm>>
      tpu.enqueue_dma source(%dma_start3A_955 : memref<16x128xf32, #tpu.memory_space<hbm>>) target(%arg12 : memref<16x128xf32, #tpu.memory_space<vmem>>) target_semaphore(%arg60 : memref<!tpu.dma_semaphore, #tpu.memory_space<semaphore_mem>>)
      %dma_start3A_956 = arith.constant 0 : i32
      %dma_start3A_957 = tpu.memref_slice %arg6[%dma_start3A_956, %multiple_of3A_951] : memref<16x1000000xf32, #tpu.memory_space<hbm>> -> memref<16x128xf32, #tpu.memory_space<hbm>>
      %dma_start3A_958 = arith.constant 0 : i32
      %dma_start3A_959 = tpu.memref_slice %arg6[%dma_start3A_958, %multiple_of3A_951] : memref<16x1000000xf32, #tpu.memory_space<hbm>> -> memref<16x128xf32, #tpu.memory_space<hbm>>
      tpu.enqueue_dma source(%dma_start3A_959 : memref<16x128xf32, #tpu.memory_space<hbm>>) target(%arg20 : memref<16x128xf32, #tpu.memory_space<vmem>>) target_semaphore(%arg60 : memref<!tpu.dma_semaphore, #tpu.memory_space<semaphore_mem>>)
      %slice3A_960 = vector.extract_strided_slice %get3A_944 {offsets = [1], sizes = [1], strides = [1]} : vector<16xi32> to vector<1xi32>
      %squeeze3A_961 = vector.extract %slice3A_960[0] : i32 from vector<1xi32>
      %shift_right_arithmetic3A_962 = arith.constant 7 : i32
      %shift_right_arithmetic3A_963 = arith.shrsi %squeeze3A_961, %shift_right_arithmetic3A_962 : i32
      %shift_left3A_964 = arith.constant 7 : i32
      %shift_left3A_965 = arith.shli %shift_right_arithmetic3A_963, %shift_left3A_964 : i32
      %multiple_of3A_966 = tpu.assume_multiple %shift_left3A_965, 128 : i32
      %dma_start3A_967 = arith.constant 0 : i32
      %dma_start3A_968 = tpu.memref_slice %arg5[%dma_start3A_967, %multiple_of3A_966] : memref<16x1000000xf32, #tpu.memory_space<hbm>> -> memref<16x128xf32, #tpu.memory_space<hbm>>
      %dma_start3A_969 = arith.constant 0 : i32
      %dma_start3A_970 = tpu.memref_slice %arg5[%dma_start3A_969, %multiple_of3A_966] : memref<16x1000000xf32, #tpu.memory_space<hbm>> -> memref<16x128xf32, #tpu.memory_space<hbm>>
      tpu.enqueue_dma source(%dma_start3A_970 : memref<16x128xf32, #tpu.memory_space<hbm>>) target(%arg13 : memref<16x128xf32, #tpu.memory_space<vmem>>) target_semaphore(%arg60 : memref<!tpu.dma_semaphore, #tpu.memory_space<semaphore_mem>>)
      %dma_start3A_971 = arith.constant 0 : i32
      %dma_start3A_972 = tpu.memref_slice %arg6[%dma_start3A_971, %multiple_of3A_966] : memref<16x1000000xf32, #tpu.memory_space<hbm>> -> memref<16x128xf32, #tpu.memory_space<hbm>>
      %dma_start3A_973 = arith.constant 0 : i32
      %dma_start3A_974 = tpu.memref_slice %arg6[%dma_start3A_973, %multiple_of3A_966] : memref<16x1000000xf32, #tpu.memory_space<hbm>> -> memref<16x128xf32, #tpu.memory_space<hbm>>
      tpu.enqueue_dma source(%dma_start3A_974 : memref<16x128xf32, #tpu.memory_space<hbm>>) target(%arg21 : memref<16x128xf32, #tpu.memory_space<vmem>>) target_semaphore(%arg60 : memref<!tpu.dma_semaphore, #tpu.memory_space<semaphore_mem>>)
      %slice3A_975 = vector.extract_strided_slice %get3A_944 {offsets = [2], sizes = [1], strides = [1]} : vector<16xi32> to vector<1xi32>
      %squeeze3A_976 = vector.extract %slice3A_975[0] : i32 from vector<1xi32>
      %shift_right_arithmetic3A_977 = arith.constant 7 : i32
      %shift_right_arithmetic3A_978 = arith.shrsi %squeeze3A_976, %shift_right_arithmetic3A_977 : i32
      %shift_left3A_979 = arith.constant 7 : i32
      %shift_left3A_980 = arith.shli %shift_right_arithmetic3A_978, %shift_left3A_979 : i32
      %multiple_of3A_981 = tpu.assume_multiple %shift_left3A_980, 128 : i32
      %dma_start3A_982 = arith.constant 0 : i32
      %dma_start3A_983 = tpu.memref_slice %arg5[%dma_start3A_982, %multiple_of3A_981] : memref<16x1000000xf32, #tpu.memory_space<hbm>> -> memref<16x128xf32, #tpu.memory_space<hbm>>
      %dma_start3A_984 = arith.constant 0 : i32
      %dma_start3A_985 = tpu.memref_slice %arg5[%dma_start3A_984, %multiple_of3A_981] : memref<16x1000000xf32, #tpu.memory_space<hbm>> -> memref<16x128xf32, #tpu.memory_space<hbm>>
      tpu.enqueue_dma source(%dma_start3A_985 : memref<16x128xf32, #tpu.memory_space<hbm>>) target(%arg14 : memref<16x128xf32, #tpu.memory_space<vmem>>) target_semaphore(%arg60 : memref<!tpu.dma_semaphore, #tpu.memory_space<semaphore_mem>>)
      %dma_start3A_986 = arith.constant 0 : i32
      %dma_start3A_987 = tpu.memref_slice %arg6[%dma_start3A_986, %multiple_of3A_981] : memref<16x1000000xf32, #tpu.memory_space<hbm>> -> memref<16x128xf32, #tpu.memory_space<hbm>>
      %dma_start3A_988 = arith.constant 0 : i32
      %dma_start3A_989 = tpu.memref_slice %arg6[%dma_start3A_988, %multiple_of3A_981] : memref<16x1000000xf32, #tpu.memory_space<hbm>> -> memref<16x128xf32, #tpu.memory_space<hbm>>
      tpu.enqueue_dma source(%dma_start3A_989 : memref<16x128xf32, #tpu.memory_space<hbm>>) target(%arg22 : memref<16x128xf32, #tpu.memory_space<vmem>>) target_semaphore(%arg60 : memref<!tpu.dma_semaphore, #tpu.memory_space<semaphore_mem>>)
      %slice3A_990 = vector.extract_strided_slice %get3A_944 {offsets = [3], sizes = [1], strides = [1]} : vector<16xi32> to vector<1xi32>
      %squeeze3A_991 = vector.extract %slice3A_990[0] : i32 from vector<1xi32>
      %shift_right_arithmetic3A_992 = arith.constant 7 : i32
      %shift_right_arithmetic3A_993 = arith.shrsi %squeeze3A_991, %shift_right_arithmetic3A_992 : i32
      %shift_left3A_994 = arith.constant 7 : i32
      %shift_left3A_995 = arith.shli %shift_right_arithmetic3A_993, %shift_left3A_994 : i32
      %multiple_of3A_996 = tpu.assume_multiple %shift_left3A_995, 128 : i32
      %dma_start3A_997 = arith.constant 0 : i32
      %dma_start3A_998 = tpu.memref_slice %arg5[%dma_start3A_997, %multiple_of3A_996] : memref<16x1000000xf32, #tpu.memory_space<hbm>> -> memref<16x128xf32, #tpu.memory_space<hbm>>
      %dma_start3A_999 = arith.constant 0 : i32
      %dma_start3A_1000 = tpu.memref_slice %arg5[%dma_start3A_999, %multiple_of3A_996] : memref<16x1000000xf32, #tpu.memory_space<hbm>> -> memref<16x128xf32, #tpu.memory_space<hbm>>
      tpu.enqueue_dma source(%dma_start3A_1000 : memref<16x128xf32, #tpu.memory_space<hbm>>) target(%arg15 : memref<16x128xf32, #tpu.memory_space<vmem>>) target_semaphore(%arg60 : memref<!tpu.dma_semaphore, #tpu.memory_space<semaphore_mem>>)
      %dma_start3A_1001 = arith.constant 0 : i32
      %dma_start3A_1002 = tpu.memref_slice %arg6[%dma_start3A_1001, %multiple_of3A_996] : memref<16x1000000xf32, #tpu.memory_space<hbm>> -> memref<16x128xf32, #tpu.memory_space<hbm>>
      %dma_start3A_1003 = arith.constant 0 : i32
      %dma_start3A_1004 = tpu.memref_slice %arg6[%dma_start3A_1003, %multiple_of3A_996] : memref<16x1000000xf32, #tpu.memory_space<hbm>> -> memref<16x128xf32, #tpu.memory_space<hbm>>
      tpu.enqueue_dma source(%dma_start3A_1004 : memref<16x128xf32, #tpu.memory_space<hbm>>) target(%arg23 : memref<16x128xf32, #tpu.memory_space<vmem>>) target_semaphore(%arg60 : memref<!tpu.dma_semaphore, #tpu.memory_space<semaphore_mem>>)
      %slice3A_1005 = vector.extract_strided_slice %get3A_944 {offsets = [4], sizes = [1], strides = [1]} : vector<16xi32> to vector<1xi32>
      %squeeze3A_1006 = vector.extract %slice3A_1005[0] : i32 from vector<1xi32>
      %shift_right_arithmetic3A_1007 = arith.constant 7 : i32
      %shift_right_arithmetic3A_1008 = arith.shrsi %squeeze3A_1006, %shift_right_arithmetic3A_1007 : i32
      %shift_left3A_1009 = arith.constant 7 : i32
      %shift_left3A_1010 = arith.shli %shift_right_arithmetic3A_1008, %shift_left3A_1009 : i32
      %multiple_of3A_1011 = tpu.assume_multiple %shift_left3A_1010, 128 : i32
      %dma_start3A_1012 = arith.constant 0 : i32
      %dma_start3A_1013 = tpu.memref_slice %arg5[%dma_start3A_1012, %multiple_of3A_1011] : memref<16x1000000xf32, #tpu.memory_space<hbm>> -> memref<16x128xf32, #tpu.memory_space<hbm>>
      %dma_start3A_1014 = arith.constant 0 : i32
      %dma_start3A_1015 = tpu.memref_slice %arg5[%dma_start3A_1014, %multiple_of3A_1011] : memref<16x1000000xf32, #tpu.memory_space<hbm>> -> memref<16x128xf32, #tpu.memory_space<hbm>>
      tpu.enqueue_dma source(%dma_start3A_1015 : memref<16x128xf32, #tpu.memory_space<hbm>>) target(%arg16 : memref<16x128xf32, #tpu.memory_space<vmem>>) target_semaphore(%arg60 : memref<!tpu.dma_semaphore, #tpu.memory_space<semaphore_mem>>)
      %dma_start3A_1016 = arith.constant 0 : i32
      %dma_start3A_1017 = tpu.memref_slice %arg6[%dma_start3A_1016, %multiple_of3A_1011] : memref<16x1000000xf32, #tpu.memory_space<hbm>> -> memref<16x128xf32, #tpu.memory_space<hbm>>
      %dma_start3A_1018 = arith.constant 0 : i32
      %dma_start3A_1019 = tpu.memref_slice %arg6[%dma_start3A_1018, %multiple_of3A_1011] : memref<16x1000000xf32, #tpu.memory_space<hbm>> -> memref<16x128xf32, #tpu.memory_space<hbm>>
      tpu.enqueue_dma source(%dma_start3A_1019 : memref<16x128xf32, #tpu.memory_space<hbm>>) target(%arg24 : memref<16x128xf32, #tpu.memory_space<vmem>>) target_semaphore(%arg60 : memref<!tpu.dma_semaphore, #tpu.memory_space<semaphore_mem>>)
      %slice3A_1020 = vector.extract_strided_slice %get3A_944 {offsets = [5], sizes = [1], strides = [1]} : vector<16xi32> to vector<1xi32>
      %squeeze3A_1021 = vector.extract %slice3A_1020[0] : i32 from vector<1xi32>
      %shift_right_arithmetic3A_1022 = arith.constant 7 : i32
      %shift_right_arithmetic3A_1023 = arith.shrsi %squeeze3A_1021, %shift_right_arithmetic3A_1022 : i32
      %shift_left3A_1024 = arith.constant 7 : i32
      %shift_left3A_1025 = arith.shli %shift_right_arithmetic3A_1023, %shift_left3A_1024 : i32
      %multiple_of3A_1026 = tpu.assume_multiple %shift_left3A_1025, 128 : i32
      %dma_start3A_1027 = arith.constant 0 : i32
      %dma_start3A_1028 = tpu.memref_slice %arg5[%dma_start3A_1027, %multiple_of3A_1026] : memref<16x1000000xf32, #tpu.memory_space<hbm>> -> memref<16x128xf32, #tpu.memory_space<hbm>>
      %dma_start3A_1029 = arith.constant 0 : i32
      %dma_start3A_1030 = tpu.memref_slice %arg5[%dma_start3A_1029, %multiple_of3A_1026] : memref<16x1000000xf32, #tpu.memory_space<hbm>> -> memref<16x128xf32, #tpu.memory_space<hbm>>
      tpu.enqueue_dma source(%dma_start3A_1030 : memref<16x128xf32, #tpu.memory_space<hbm>>) target(%arg17 : memref<16x128xf32, #tpu.memory_space<vmem>>) target_semaphore(%arg60 : memref<!tpu.dma_semaphore, #tpu.memory_space<semaphore_mem>>)
      %dma_start3A_1031 = arith.constant 0 : i32
      %dma_start3A_1032 = tpu.memref_slice %arg6[%dma_start3A_1031, %multiple_of3A_1026] : memref<16x1000000xf32, #tpu.memory_space<hbm>> -> memref<16x128xf32, #tpu.memory_space<hbm>>
      %dma_start3A_1033 = arith.constant 0 : i32
      %dma_start3A_1034 = tpu.memref_slice %arg6[%dma_start3A_1033, %multiple_of3A_1026] : memref<16x1000000xf32, #tpu.memory_space<hbm>> -> memref<16x128xf32, #tpu.memory_space<hbm>>
      tpu.enqueue_dma source(%dma_start3A_1034 : memref<16x128xf32, #tpu.memory_space<hbm>>) target(%arg25 : memref<16x128xf32, #tpu.memory_space<vmem>>) target_semaphore(%arg60 : memref<!tpu.dma_semaphore, #tpu.memory_space<semaphore_mem>>)
      %slice3A_1035 = vector.extract_strided_slice %get3A_944 {offsets = [6], sizes = [1], strides = [1]} : vector<16xi32> to vector<1xi32>
      %squeeze3A_1036 = vector.extract %slice3A_1035[0] : i32 from vector<1xi32>
      %shift_right_arithmetic3A_1037 = arith.constant 7 : i32
      %shift_right_arithmetic3A_1038 = arith.shrsi %squeeze3A_1036, %shift_right_arithmetic3A_1037 : i32
      %shift_left3A_1039 = arith.constant 7 : i32
      %shift_left3A_1040 = arith.shli %shift_right_arithmetic3A_1038, %shift_left3A_1039 : i32
      %multiple_of3A_1041 = tpu.assume_multiple %shift_left3A_1040, 128 : i32
      %dma_start3A_1042 = arith.constant 0 : i32
      %dma_start3A_1043 = tpu.memref_slice %arg5[%dma_start3A_1042, %multiple_of3A_1041] : memref<16x1000000xf32, #tpu.memory_space<hbm>> -> memref<16x128xf32, #tpu.memory_space<hbm>>
      %dma_start3A_1044 = arith.constant 0 : i32
      %dma_start3A_1045 = tpu.memref_slice %arg5[%dma_start3A_1044, %multiple_of3A_1041] : memref<16x1000000xf32, #tpu.memory_space<hbm>> -> memref<16x128xf32, #tpu.memory_space<hbm>>
      tpu.enqueue_dma source(%dma_start3A_1045 : memref<16x128xf32, #tpu.memory_space<hbm>>) target(%arg18 : memref<16x128xf32, #tpu.memory_space<vmem>>) target_semaphore(%arg60 : memref<!tpu.dma_semaphore, #tpu.memory_space<semaphore_mem>>)
      %dma_start3A_1046 = arith.constant 0 : i32
      %dma_start3A_1047 = tpu.memref_slice %arg6[%dma_start3A_1046, %multiple_of3A_1041] : memref<16x1000000xf32, #tpu.memory_space<hbm>> -> memref<16x128xf32, #tpu.memory_space<hbm>>
      %dma_start3A_1048 = arith.constant 0 : i32
      %dma_start3A_1049 = tpu.memref_slice %arg6[%dma_start3A_1048, %multiple_of3A_1041] : memref<16x1000000xf32, #tpu.memory_space<hbm>> -> memref<16x128xf32, #tpu.memory_space<hbm>>
      tpu.enqueue_dma source(%dma_start3A_1049 : memref<16x128xf32, #tpu.memory_space<hbm>>) target(%arg26 : memref<16x128xf32, #tpu.memory_space<vmem>>) target_semaphore(%arg60 : memref<!tpu.dma_semaphore, #tpu.memory_space<semaphore_mem>>)
      %slice3A_1050 = vector.extract_strided_slice %get3A_944 {offsets = [7], sizes = [1], strides = [1]} : vector<16xi32> to vector<1xi32>
      %squeeze3A_1051 = vector.extract %slice3A_1050[0] : i32 from vector<1xi32>
      %shift_right_arithmetic3A_1052 = arith.constant 7 : i32
      %shift_right_arithmetic3A_1053 = arith.shrsi %squeeze3A_1051, %shift_right_arithmetic3A_1052 : i32
      %shift_left3A_1054 = arith.constant 7 : i32
      %shift_left3A_1055 = arith.shli %shift_right_arithmetic3A_1053, %shift_left3A_1054 : i32
      %multiple_of3A_1056 = tpu.assume_multiple %shift_left3A_1055, 128 : i32
      %dma_start3A_1057 = arith.constant 0 : i32
      %dma_start3A_1058 = tpu.memref_slice %arg5[%dma_start3A_1057, %multiple_of3A_1056] : memref<16x1000000xf32, #tpu.memory_space<hbm>> -> memref<16x128xf32, #tpu.memory_space<hbm>>
      %dma_start3A_1059 = arith.constant 0 : i32
      %dma_start3A_1060 = tpu.memref_slice %arg5[%dma_start3A_1059, %multiple_of3A_1056] : memref<16x1000000xf32, #tpu.memory_space<hbm>> -> memref<16x128xf32, #tpu.memory_space<hbm>>
      tpu.enqueue_dma source(%dma_start3A_1060 : memref<16x128xf32, #tpu.memory_space<hbm>>) target(%arg19 : memref<16x128xf32, #tpu.memory_space<vmem>>) target_semaphore(%arg60 : memref<!tpu.dma_semaphore, #tpu.memory_space<semaphore_mem>>)
      %dma_start3A_1061 = arith.constant 0 : i32
      %dma_start3A_1062 = tpu.memref_slice %arg6[%dma_start3A_1061, %multiple_of3A_1056] : memref<16x1000000xf32, #tpu.memory_space<hbm>> -> memref<16x128xf32, #tpu.memory_space<hbm>>
      %dma_start3A_1063 = arith.constant 0 : i32
      %dma_start3A_1064 = tpu.memref_slice %arg6[%dma_start3A_1063, %multiple_of3A_1056] : memref<16x1000000xf32, #tpu.memory_space<hbm>> -> memref<16x128xf32, #tpu.memory_space<hbm>>
      tpu.enqueue_dma source(%dma_start3A_1064 : memref<16x128xf32, #tpu.memory_space<hbm>>) target(%arg27 : memref<16x128xf32, #tpu.memory_space<vmem>>) target_semaphore(%arg60 : memref<!tpu.dma_semaphore, #tpu.memory_space<semaphore_mem>>)
      %add3A_1065 = arith.constant 1 : i32
      %add3A_1066 = arith.addi %mul3A_561, %add3A_1065 : i32
      %mul3A_1067 = arith.constant 8 : i32
      %mul3A_1068 = arith.muli %add3A_1066, %mul3A_1067 : i32
      %get3A_1069 = arith.index_cast %mul3A_1068 : i32 to index
      %get3A_1070 = tpu.vector_load %arg8[%get3A_1069] {strides = array<i32>} : memref<528xi32, #tpu.memory_space<vmem>>, vector<16xi32>,
      %and3A_1071 = arith.constant 127 : i32
      %and3A_1072 = vector.broadcast %and3A_1071 : i32 to vector<16xi32>
      %and3A_1073 = arith.andi %get3A_1070, %and3A_1072 : vector<16xi32>
      %mul3A_1074 = arith.constant 8 : i32
      %mul3A_1075 = arith.muli %add3A_1066, %mul3A_1074 : i32
      %get3A_1076 = arith.index_cast %mul3A_1075 : i32 to index
      %get3A_1077 = tpu.vector_load %arg10[%get3A_1076] {strides = array<i32>} : memref<528xf32, #tpu.memory_space<vmem>>, vector<16xf32>,
      %dma_wait3A_1078 = arith.constant 0 : i32
      %dma_wait3A_1079 = arith.constant 0 : i32
      %dma_wait3A_1080 = tpu.memref_slice %arg5[%dma_wait3A_1078, %dma_wait3A_1079] : memref<16x1000000xf32, #tpu.memory_space<hbm>> -> memref<16x128xf32, #tpu.memory_space<hbm>>
      %dma_wait3A_1081 = arith.constant 0 : i32
      %dma_wait3A_1082 = arith.constant 0 : i32
      %dma_wait3A_1083 = tpu.memref_slice %arg5[%dma_wait3A_1081, %dma_wait3A_1082] : memref<16x1000000xf32, #tpu.memory_space<hbm>> -> memref<16x128xf32, #tpu.memory_space<hbm>>
      tpu.wait_dma2 semaphore(%arg61 : memref<!tpu.dma_semaphore, #tpu.memory_space<semaphore_mem>>) src(%dma_wait3A_1083 : memref<16x128xf32, #tpu.memory_space<hbm>>) dst(%arg28 : memref<16x128xf32, #tpu.memory_space<vmem>>)
      %dma_wait3A_1084 = arith.constant 0 : i32
      %dma_wait3A_1085 = arith.constant 0 : i32
      %dma_wait3A_1086 = tpu.memref_slice %arg6[%dma_wait3A_1084, %dma_wait3A_1085] : memref<16x1000000xf32, #tpu.memory_space<hbm>> -> memref<16x128xf32, #tpu.memory_space<hbm>>
      %dma_wait3A_1087 = arith.constant 0 : i32
      %dma_wait3A_1088 = arith.constant 0 : i32
      %dma_wait3A_1089 = tpu.memref_slice %arg6[%dma_wait3A_1087, %dma_wait3A_1088] : memref<16x1000000xf32, #tpu.memory_space<hbm>> -> memref<16x128xf32, #tpu.memory_space<hbm>>
      tpu.wait_dma2 semaphore(%arg61 : memref<!tpu.dma_semaphore, #tpu.memory_space<semaphore_mem>>) src(%dma_wait3A_1089 : memref<16x128xf32, #tpu.memory_space<hbm>>) dst(%arg36 : memref<16x128xf32, #tpu.memory_space<vmem>>)
      %dma_wait3A_1090 = arith.constant 0 : i32
      %dma_wait3A_1091 = arith.constant 0 : i32
      %dma_wait3A_1092 = tpu.memref_slice %arg5[%dma_wait3A_1090, %dma_wait3A_1091] : memref<16x1000000xf32, #tpu.memory_space<hbm>> -> memref<16x128xf32, #tpu.memory_space<hbm>>
      %dma_wait3A_1093 = arith.constant 0 : i32
      %dma_wait3A_1094 = arith.constant 0 : i32
      %dma_wait3A_1095 = tpu.memref_slice %arg5[%dma_wait3A_1093, %dma_wait3A_1094] : memref<16x1000000xf32, #tpu.memory_space<hbm>> -> memref<16x128xf32, #tpu.memory_space<hbm>>
      tpu.wait_dma2 semaphore(%arg61 : memref<!tpu.dma_semaphore, #tpu.memory_space<semaphore_mem>>) src(%dma_wait3A_1095 : memref<16x128xf32, #tpu.memory_space<hbm>>) dst(%arg29 : memref<16x128xf32, #tpu.memory_space<vmem>>)
      %dma_wait3A_1096 = arith.constant 0 : i32
      %dma_wait3A_1097 = arith.constant 0 : i32
      %dma_wait3A_1098 = tpu.memref_slice %arg6[%dma_wait3A_1096, %dma_wait3A_1097] : memref<16x1000000xf32, #tpu.memory_space<hbm>> -> memref<16x128xf32, #tpu.memory_space<hbm>>
      %dma_wait3A_1099 = arith.constant 0 : i32
      %dma_wait3A_1100 = arith.constant 0 : i32
      %dma_wait3A_1101 = tpu.memref_slice %arg6[%dma_wait3A_1099, %dma_wait3A_1100] : memref<16x1000000xf32, #tpu.memory_space<hbm>> -> memref<16x128xf32, #tpu.memory_space<hbm>>
      tpu.wait_dma2 semaphore(%arg61 : memref<!tpu.dma_semaphore, #tpu.memory_space<semaphore_mem>>) src(%dma_wait3A_1101 : memref<16x128xf32, #tpu.memory_space<hbm>>) dst(%arg37 : memref<16x128xf32, #tpu.memory_space<vmem>>)
      %dma_wait3A_1102 = arith.constant 0 : i32
      %dma_wait3A_1103 = arith.constant 0 : i32
      %dma_wait3A_1104 = tpu.memref_slice %arg5[%dma_wait3A_1102, %dma_wait3A_1103] : memref<16x1000000xf32, #tpu.memory_space<hbm>> -> memref<16x128xf32, #tpu.memory_space<hbm>>
      %dma_wait3A_1105 = arith.constant 0 : i32
      %dma_wait3A_1106 = arith.constant 0 : i32
      %dma_wait3A_1107 = tpu.memref_slice %arg5[%dma_wait3A_1105, %dma_wait3A_1106] : memref<16x1000000xf32, #tpu.memory_space<hbm>> -> memref<16x128xf32, #tpu.memory_space<hbm>>
      tpu.wait_dma2 semaphore(%arg61 : memref<!tpu.dma_semaphore, #tpu.memory_space<semaphore_mem>>) src(%dma_wait3A_1107 : memref<16x128xf32, #tpu.memory_space<hbm>>) dst(%arg30 : memref<16x128xf32, #tpu.memory_space<vmem>>)
      %dma_wait3A_1108 = arith.constant 0 : i32
      %dma_wait3A_1109 = arith.constant 0 : i32
      %dma_wait3A_1110 = tpu.memref_slice %arg6[%dma_wait3A_1108, %dma_wait3A_1109] : memref<16x1000000xf32, #tpu.memory_space<hbm>> -> memref<16x128xf32, #tpu.memory_space<hbm>>
      %dma_wait3A_1111 = arith.constant 0 : i32
      %dma_wait3A_1112 = arith.constant 0 : i32
      %dma_wait3A_1113 = tpu.memref_slice %arg6[%dma_wait3A_1111, %dma_wait3A_1112] : memref<16x1000000xf32, #tpu.memory_space<hbm>> -> memref<16x128xf32, #tpu.memory_space<hbm>>
      tpu.wait_dma2 semaphore(%arg61 : memref<!tpu.dma_semaphore, #tpu.memory_space<semaphore_mem>>) src(%dma_wait3A_1113 : memref<16x128xf32, #tpu.memory_space<hbm>>) dst(%arg38 : memref<16x128xf32, #tpu.memory_space<vmem>>)
      %dma_wait3A_1114 = arith.constant 0 : i32
      %dma_wait3A_1115 = arith.constant 0 : i32
      %dma_wait3A_1116 = tpu.memref_slice %arg5[%dma_wait3A_1114, %dma_wait3A_1115] : memref<16x1000000xf32, #tpu.memory_space<hbm>> -> memref<16x128xf32, #tpu.memory_space<hbm>>
      %dma_wait3A_1117 = arith.constant 0 : i32
      %dma_wait3A_1118 = arith.constant 0 : i32
      %dma_wait3A_1119 = tpu.memref_slice %arg5[%dma_wait3A_1117, %dma_wait3A_1118] : memref<16x1000000xf32, #tpu.memory_space<hbm>> -> memref<16x128xf32, #tpu.memory_space<hbm>>
      tpu.wait_dma2 semaphore(%arg61 : memref<!tpu.dma_semaphore, #tpu.memory_space<semaphore_mem>>) src(%dma_wait3A_1119 : memref<16x128xf32, #tpu.memory_space<hbm>>) dst(%arg31 : memref<16x128xf32, #tpu.memory_space<vmem>>)
      %dma_wait3A_1120 = arith.constant 0 : i32
      %dma_wait3A_1121 = arith.constant 0 : i32
      %dma_wait3A_1122 = tpu.memref_slice %arg6[%dma_wait3A_1120, %dma_wait3A_1121] : memref<16x1000000xf32, #tpu.memory_space<hbm>> -> memref<16x128xf32, #tpu.memory_space<hbm>>
      %dma_wait3A_1123 = arith.constant 0 : i32
      %dma_wait3A_1124 = arith.constant 0 : i32
      %dma_wait3A_1125 = tpu.memref_slice %arg6[%dma_wait3A_1123, %dma_wait3A_1124] : memref<16x1000000xf32, #tpu.memory_space<hbm>> -> memref<16x128xf32, #tpu.memory_space<hbm>>
      tpu.wait_dma2 semaphore(%arg61 : memref<!tpu.dma_semaphore, #tpu.memory_space<semaphore_mem>>) src(%dma_wait3A_1125 : memref<16x128xf32, #tpu.memory_space<hbm>>) dst(%arg39 : memref<16x128xf32, #tpu.memory_space<vmem>>)
      %dma_wait3A_1126 = arith.constant 0 : i32
      %dma_wait3A_1127 = arith.constant 0 : i32
      %dma_wait3A_1128 = tpu.memref_slice %arg5[%dma_wait3A_1126, %dma_wait3A_1127] : memref<16x1000000xf32, #tpu.memory_space<hbm>> -> memref<16x128xf32, #tpu.memory_space<hbm>>
      %dma_wait3A_1129 = arith.constant 0 : i32
      %dma_wait3A_1130 = arith.constant 0 : i32
      %dma_wait3A_1131 = tpu.memref_slice %arg5[%dma_wait3A_1129, %dma_wait3A_1130] : memref<16x1000000xf32, #tpu.memory_space<hbm>> -> memref<16x128xf32, #tpu.memory_space<hbm>>
      tpu.wait_dma2 semaphore(%arg61 : memref<!tpu.dma_semaphore, #tpu.memory_space<semaphore_mem>>) src(%dma_wait3A_1131 : memref<16x128xf32, #tpu.memory_space<hbm>>) dst(%arg32 : memref<16x128xf32, #tpu.memory_space<vmem>>)
      %dma_wait3A_1132 = arith.constant 0 : i32
      %dma_wait3A_1133 = arith.constant 0 : i32
      %dma_wait3A_1134 = tpu.memref_slice %arg6[%dma_wait3A_1132, %dma_wait3A_1133] : memref<16x1000000xf32, #tpu.memory_space<hbm>> -> memref<16x128xf32, #tpu.memory_space<hbm>>
      %dma_wait3A_1135 = arith.constant 0 : i32
      %dma_wait3A_1136 = arith.constant 0 : i32
      %dma_wait3A_1137 = tpu.memref_slice %arg6[%dma_wait3A_1135, %dma_wait3A_1136] : memref<16x1000000xf32, #tpu.memory_space<hbm>> -> memref<16x128xf32, #tpu.memory_space<hbm>>
      tpu.wait_dma2 semaphore(%arg61 : memref<!tpu.dma_semaphore, #tpu.memory_space<semaphore_mem>>) src(%dma_wait3A_1137 : memref<16x128xf32, #tpu.memory_space<hbm>>) dst(%arg40 : memref<16x128xf32, #tpu.memory_space<vmem>>)
      %dma_wait3A_1138 = arith.constant 0 : i32
      %dma_wait3A_1139 = arith.constant 0 : i32
      %dma_wait3A_1140 = tpu.memref_slice %arg5[%dma_wait3A_1138, %dma_wait3A_1139] : memref<16x1000000xf32, #tpu.memory_space<hbm>> -> memref<16x128xf32, #tpu.memory_space<hbm>>
      %dma_wait3A_1141 = arith.constant 0 : i32
      %dma_wait3A_1142 = arith.constant 0 : i32
      %dma_wait3A_1143 = tpu.memref_slice %arg5[%dma_wait3A_1141, %dma_wait3A_1142] : memref<16x1000000xf32, #tpu.memory_space<hbm>> -> memref<16x128xf32, #tpu.memory_space<hbm>>
      tpu.wait_dma2 semaphore(%arg61 : memref<!tpu.dma_semaphore, #tpu.memory_space<semaphore_mem>>) src(%dma_wait3A_1143 : memref<16x128xf32, #tpu.memory_space<hbm>>) dst(%arg33 : memref<16x128xf32, #tpu.memory_space<vmem>>)
      %dma_wait3A_1144 = arith.constant 0 : i32
      %dma_wait3A_1145 = arith.constant 0 : i32
      %dma_wait3A_1146 = tpu.memref_slice %arg6[%dma_wait3A_1144, %dma_wait3A_1145] : memref<16x1000000xf32, #tpu.memory_space<hbm>> -> memref<16x128xf32, #tpu.memory_space<hbm>>
      %dma_wait3A_1147 = arith.constant 0 : i32
      %dma_wait3A_1148 = arith.constant 0 : i32
      %dma_wait3A_1149 = tpu.memref_slice %arg6[%dma_wait3A_1147, %dma_wait3A_1148] : memref<16x1000000xf32, #tpu.memory_space<hbm>> -> memref<16x128xf32, #tpu.memory_space<hbm>>
      tpu.wait_dma2 semaphore(%arg61 : memref<!tpu.dma_semaphore, #tpu.memory_space<semaphore_mem>>) src(%dma_wait3A_1149 : memref<16x128xf32, #tpu.memory_space<hbm>>) dst(%arg41 : memref<16x128xf32, #tpu.memory_space<vmem>>)
      %dma_wait3A_1150 = arith.constant 0 : i32
      %dma_wait3A_1151 = arith.constant 0 : i32
      %dma_wait3A_1152 = tpu.memref_slice %arg5[%dma_wait3A_1150, %dma_wait3A_1151] : memref<16x1000000xf32, #tpu.memory_space<hbm>> -> memref<16x128xf32, #tpu.memory_space<hbm>>
      %dma_wait3A_1153 = arith.constant 0 : i32
      %dma_wait3A_1154 = arith.constant 0 : i32
      %dma_wait3A_1155 = tpu.memref_slice %arg5[%dma_wait3A_1153, %dma_wait3A_1154] : memref<16x1000000xf32, #tpu.memory_space<hbm>> -> memref<16x128xf32, #tpu.memory_space<hbm>>
      tpu.wait_dma2 semaphore(%arg61 : memref<!tpu.dma_semaphore, #tpu.memory_space<semaphore_mem>>) src(%dma_wait3A_1155 : memref<16x128xf32, #tpu.memory_space<hbm>>) dst(%arg34 : memref<16x128xf32, #tpu.memory_space<vmem>>)
      %dma_wait3A_1156 = arith.constant 0 : i32
      %dma_wait3A_1157 = arith.constant 0 : i32
      %dma_wait3A_1158 = tpu.memref_slice %arg6[%dma_wait3A_1156, %dma_wait3A_1157] : memref<16x1000000xf32, #tpu.memory_space<hbm>> -> memref<16x128xf32, #tpu.memory_space<hbm>>
      %dma_wait3A_1159 = arith.constant 0 : i32
      %dma_wait3A_1160 = arith.constant 0 : i32
      %dma_wait3A_1161 = tpu.memref_slice %arg6[%dma_wait3A_1159, %dma_wait3A_1160] : memref<16x1000000xf32, #tpu.memory_space<hbm>> -> memref<16x128xf32, #tpu.memory_space<hbm>>
      tpu.wait_dma2 semaphore(%arg61 : memref<!tpu.dma_semaphore, #tpu.memory_space<semaphore_mem>>) src(%dma_wait3A_1161 : memref<16x128xf32, #tpu.memory_space<hbm>>) dst(%arg42 : memref<16x128xf32, #tpu.memory_space<vmem>>)
      %dma_wait3A_1162 = arith.constant 0 : i32
      %dma_wait3A_1163 = arith.constant 0 : i32
      %dma_wait3A_1164 = tpu.memref_slice %arg5[%dma_wait3A_1162, %dma_wait3A_1163] : memref<16x1000000xf32, #tpu.memory_space<hbm>> -> memref<16x128xf32, #tpu.memory_space<hbm>>
      %dma_wait3A_1165 = arith.constant 0 : i32
      %dma_wait3A_1166 = arith.constant 0 : i32
      %dma_wait3A_1167 = tpu.memref_slice %arg5[%dma_wait3A_1165, %dma_wait3A_1166] : memref<16x1000000xf32, #tpu.memory_space<hbm>> -> memref<16x128xf32, #tpu.memory_space<hbm>>
      tpu.wait_dma2 semaphore(%arg61 : memref<!tpu.dma_semaphore, #tpu.memory_space<semaphore_mem>>) src(%dma_wait3A_1167 : memref<16x128xf32, #tpu.memory_space<hbm>>) dst(%arg35 : memref<16x128xf32, #tpu.memory_space<vmem>>)
      %dma_wait3A_1168 = arith.constant 0 : i32
      %dma_wait3A_1169 = arith.constant 0 : i32
      %dma_wait3A_1170 = tpu.memref_slice %arg6[%dma_wait3A_1168, %dma_wait3A_1169] : memref<16x1000000xf32, #tpu.memory_space<hbm>> -> memref<16x128xf32, #tpu.memory_space<hbm>>
      %dma_wait3A_1171 = arith.constant 0 : i32
      %dma_wait3A_1172 = arith.constant 0 : i32
      %dma_wait3A_1173 = tpu.memref_slice %arg6[%dma_wait3A_1171, %dma_wait3A_1172] : memref<16x1000000xf32, #tpu.memory_space<hbm>> -> memref<16x128xf32, #tpu.memory_space<hbm>>
      tpu.wait_dma2 semaphore(%arg61 : memref<!tpu.dma_semaphore, #tpu.memory_space<semaphore_mem>>) src(%dma_wait3A_1173 : memref<16x128xf32, #tpu.memory_space<hbm>>) dst(%arg43 : memref<16x128xf32, #tpu.memory_space<vmem>>)
      %mul3A_1174 = arith.constant 8 : i32
      %mul3A_1175 = arith.muli %add3A_1066, %mul3A_1174 : i32
      %add3A_1176 = arith.constant 0 : i32
      %add3A_1177 = arith.addi %mul3A_1175, %add3A_1176 : i32
      %broadcast_in_dim3A_1178 = vector.broadcast %add3A_1177 : i32 to vector<16xi32>
      %slice3A_1179 = vector.extract_strided_slice %and3A_1073 {offsets = [0], sizes = [1], strides = [1]} : vector<16xi32> to vector<1xi32>
      %squeeze3A_1180 = vector.extract %slice3A_1179[0] : i32 from vector<1xi32>
      %broadcast_in_dim3A_1181 = vector.broadcast %squeeze3A_1180 : i32 to vector<16xi32>
      %slice3A_1182 = vector.extract_strided_slice %get3A_1077 {offsets = [0], sizes = [1], strides = [1]} : vector<16xf32> to vector<1xf32>
      %squeeze3A_1183 = vector.extract %slice3A_1182[0] : f32 from vector<1xf32>
      %broadcast_in_dim3A_1184 = vector.broadcast %squeeze3A_1183 : f32 to vector<16xf32>
      %gather3A_1185 = tpu.vector_load_idx %arg28[%iota3A, %broadcast_in_dim3A_1181] : memref<16x128xf32, #tpu.memory_space<vmem>>[vector<16xi32>, vector<16xi32>], vector<16xf32>,
      %gather3A_1186 = tpu.vector_load_idx %arg36[%iota3A, %broadcast_in_dim3A_1181] : memref<16x128xf32, #tpu.memory_space<vmem>>[vector<16xi32>, vector<16xi32>], vector<16xf32>,
      %gather3A_1187 = tpu.vector_load_idx %arg9[%iota3A, %broadcast_in_dim3A_1178] : memref<16x512xf32, #tpu.memory_space<vmem>>[vector<16xi32>, vector<16xi32>], vector<16xf32>,
      %exp3A_1188 = math.exp %gather3A_1186 : vector<16xf32>
      %mul3A_1189 = arith.mulf %exp3A_1188, %gather3A_1187 : vector<16xf32>
      %add3A_1190 = arith.addf %gather3A_1185, %mul3A_1189 : vector<16xf32>
      %mul3A_1191 = arith.mulf %add3A_1190, %broadcast_in_dim3A_1184 : vector<16xf32>
      tpu.vector_store_idx %arg11[%iota3A, %broadcast_in_dim3A_1178], %mul3A_1191 : memref<16x512xf32, #tpu.memory_space<vmem>>[vector<16xi32>, vector<16xi32>], vector<16xf32>,
      %mul3A_1192 = arith.constant 8 : i32
      %mul3A_1193 = arith.muli %add3A_1066, %mul3A_1192 : i32
      %add3A_1194 = arith.constant 1 : i32
      %add3A_1195 = arith.addi %mul3A_1193, %add3A_1194 : i32
      %broadcast_in_dim3A_1196 = vector.broadcast %add3A_1195 : i32 to vector<16xi32>
      %slice3A_1197 = vector.extract_strided_slice %and3A_1073 {offsets = [1], sizes = [1], strides = [1]} : vector<16xi32> to vector<1xi32>
      %squeeze3A_1198 = vector.extract %slice3A_1197[0] : i32 from vector<1xi32>
      %broadcast_in_dim3A_1199 = vector.broadcast %squeeze3A_1198 : i32 to vector<16xi32>
      %slice3A_1200 = vector.extract_strided_slice %get3A_1077 {offsets = [1], sizes = [1], strides = [1]} : vector<16xf32> to vector<1xf32>
      %squeeze3A_1201 = vector.extract %slice3A_1200[0] : f32 from vector<1xf32>
      %broadcast_in_dim3A_1202 = vector.broadcast %squeeze3A_1201 : f32 to vector<16xf32>
      %gather3A_1203 = tpu.vector_load_idx %arg29[%iota3A, %broadcast_in_dim3A_1199] : memref<16x128xf32, #tpu.memory_space<vmem>>[vector<16xi32>, vector<16xi32>], vector<16xf32>,
      %gather3A_1204 = tpu.vector_load_idx %arg37[%iota3A, %broadcast_in_dim3A_1199] : memref<16x128xf32, #tpu.memory_space<vmem>>[vector<16xi32>, vector<16xi32>], vector<16xf32>,
      %gather3A_1205 = tpu.vector_load_idx %arg9[%iota3A, %broadcast_in_dim3A_1196] : memref<16x512xf32, #tpu.memory_space<vmem>>[vector<16xi32>, vector<16xi32>], vector<16xf32>,
      %exp3A_1206 = math.exp %gather3A_1204 : vector<16xf32>
      %mul3A_1207 = arith.mulf %exp3A_1206, %gather3A_1205 : vector<16xf32>
      %add3A_1208 = arith.addf %gather3A_1203, %mul3A_1207 : vector<16xf32>
      %mul3A_1209 = arith.mulf %add3A_1208, %broadcast_in_dim3A_1202 : vector<16xf32>
      tpu.vector_store_idx %arg11[%iota3A, %broadcast_in_dim3A_1196], %mul3A_1209 : memref<16x512xf32, #tpu.memory_space<vmem>>[vector<16xi32>, vector<16xi32>], vector<16xf32>,
      %mul3A_1210 = arith.constant 8 : i32
      %mul3A_1211 = arith.muli %add3A_1066, %mul3A_1210 : i32
      %add3A_1212 = arith.constant 2 : i32
      %add3A_1213 = arith.addi %mul3A_1211, %add3A_1212 : i32
      %broadcast_in_dim3A_1214 = vector.broadcast %add3A_1213 : i32 to vector<16xi32>
      %slice3A_1215 = vector.extract_strided_slice %and3A_1073 {offsets = [2], sizes = [1], strides = [1]} : vector<16xi32> to vector<1xi32>
      %squeeze3A_1216 = vector.extract %slice3A_1215[0] : i32 from vector<1xi32>
      %broadcast_in_dim3A_1217 = vector.broadcast %squeeze3A_1216 : i32 to vector<16xi32>
      %slice3A_1218 = vector.extract_strided_slice %get3A_1077 {offsets = [2], sizes = [1], strides = [1]} : vector<16xf32> to vector<1xf32>
      %squeeze3A_1219 = vector.extract %slice3A_1218[0] : f32 from vector<1xf32>
      %broadcast_in_dim3A_1220 = vector.broadcast %squeeze3A_1219 : f32 to vector<16xf32>
      %gather3A_1221 = tpu.vector_load_idx %arg30[%iota3A, %broadcast_in_dim3A_1217] : memref<16x128xf32, #tpu.memory_space<vmem>>[vector<16xi32>, vector<16xi32>], vector<16xf32>,
      %gather3A_1222 = tpu.vector_load_idx %arg38[%iota3A, %broadcast_in_dim3A_1217] : memref<16x128xf32, #tpu.memory_space<vmem>>[vector<16xi32>, vector<16xi32>], vector<16xf32>,
      %gather3A_1223 = tpu.vector_load_idx %arg9[%iota3A, %broadcast_in_dim3A_1214] : memref<16x512xf32, #tpu.memory_space<vmem>>[vector<16xi32>, vector<16xi32>], vector<16xf32>,
      %exp3A_1224 = math.exp %gather3A_1222 : vector<16xf32>
      %mul3A_1225 = arith.mulf %exp3A_1224, %gather3A_1223 : vector<16xf32>
      %add3A_1226 = arith.addf %gather3A_1221, %mul3A_1225 : vector<16xf32>
      %mul3A_1227 = arith.mulf %add3A_1226, %broadcast_in_dim3A_1220 : vector<16xf32>
      tpu.vector_store_idx %arg11[%iota3A, %broadcast_in_dim3A_1214], %mul3A_1227 : memref<16x512xf32, #tpu.memory_space<vmem>>[vector<16xi32>, vector<16xi32>], vector<16xf32>,
      %mul3A_1228 = arith.constant 8 : i32
      %mul3A_1229 = arith.muli %add3A_1066, %mul3A_1228 : i32
      %add3A_1230 = arith.constant 3 : i32
      %add3A_1231 = arith.addi %mul3A_1229, %add3A_1230 : i32
      %broadcast_in_dim3A_1232 = vector.broadcast %add3A_1231 : i32 to vector<16xi32>
      %slice3A_1233 = vector.extract_strided_slice %and3A_1073 {offsets = [3], sizes = [1], strides = [1]} : vector<16xi32> to vector<1xi32>
      %squeeze3A_1234 = vector.extract %slice3A_1233[0] : i32 from vector<1xi32>
      %broadcast_in_dim3A_1235 = vector.broadcast %squeeze3A_1234 : i32 to vector<16xi32>
      %slice3A_1236 = vector.extract_strided_slice %get3A_1077 {offsets = [3], sizes = [1], strides = [1]} : vector<16xf32> to vector<1xf32>
      %squeeze3A_1237 = vector.extract %slice3A_1236[0] : f32 from vector<1xf32>
      %broadcast_in_dim3A_1238 = vector.broadcast %squeeze3A_1237 : f32 to vector<16xf32>
      %gather3A_1239 = tpu.vector_load_idx %arg31[%iota3A, %broadcast_in_dim3A_1235] : memref<16x128xf32, #tpu.memory_space<vmem>>[vector<16xi32>, vector<16xi32>], vector<16xf32>,
      %gather3A_1240 = tpu.vector_load_idx %arg39[%iota3A, %broadcast_in_dim3A_1235] : memref<16x128xf32, #tpu.memory_space<vmem>>[vector<16xi32>, vector<16xi32>], vector<16xf32>,
      %gather3A_1241 = tpu.vector_load_idx %arg9[%iota3A, %broadcast_in_dim3A_1232] : memref<16x512xf32, #tpu.memory_space<vmem>>[vector<16xi32>, vector<16xi32>], vector<16xf32>,
      %exp3A_1242 = math.exp %gather3A_1240 : vector<16xf32>
      %mul3A_1243 = arith.mulf %exp3A_1242, %gather3A_1241 : vector<16xf32>
      %add3A_1244 = arith.addf %gather3A_1239, %mul3A_1243 : vector<16xf32>
      %mul3A_1245 = arith.mulf %add3A_1244, %broadcast_in_dim3A_1238 : vector<16xf32>
      tpu.vector_store_idx %arg11[%iota3A, %broadcast_in_dim3A_1232], %mul3A_1245 : memref<16x512xf32, #tpu.memory_space<vmem>>[vector<16xi32>, vector<16xi32>], vector<16xf32>,
      %mul3A_1246 = arith.constant 8 : i32
      %mul3A_1247 = arith.muli %add3A_1066, %mul3A_1246 : i32
      %add3A_1248 = arith.constant 4 : i32
      %add3A_1249 = arith.addi %mul3A_1247, %add3A_1248 : i32
      %broadcast_in_dim3A_1250 = vector.broadcast %add3A_1249 : i32 to vector<16xi32>
      %slice3A_1251 = vector.extract_strided_slice %and3A_1073 {offsets = [4], sizes = [1], strides = [1]} : vector<16xi32> to vector<1xi32>
      %squeeze3A_1252 = vector.extract %slice3A_1251[0] : i32 from vector<1xi32>
      %broadcast_in_dim3A_1253 = vector.broadcast %squeeze3A_1252 : i32 to vector<16xi32>
      %slice3A_1254 = vector.extract_strided_slice %get3A_1077 {offsets = [4], sizes = [1], strides = [1]} : vector<16xf32> to vector<1xf32>
      %squeeze3A_1255 = vector.extract %slice3A_1254[0] : f32 from vector<1xf32>
      %broadcast_in_dim3A_1256 = vector.broadcast %squeeze3A_1255 : f32 to vector<16xf32>
      %gather3A_1257 = tpu.vector_load_idx %arg32[%iota3A, %broadcast_in_dim3A_1253] : memref<16x128xf32, #tpu.memory_space<vmem>>[vector<16xi32>, vector<16xi32>], vector<16xf32>,
      %gather3A_1258 = tpu.vector_load_idx %arg40[%iota3A, %broadcast_in_dim3A_1253] : memref<16x128xf32, #tpu.memory_space<vmem>>[vector<16xi32>, vector<16xi32>], vector<16xf32>,
      %gather3A_1259 = tpu.vector_load_idx %arg9[%iota3A, %broadcast_in_dim3A_1250] : memref<16x512xf32, #tpu.memory_space<vmem>>[vector<16xi32>, vector<16xi32>], vector<16xf32>,
      %exp3A_1260 = math.exp %gather3A_1258 : vector<16xf32>
      %mul3A_1261 = arith.mulf %exp3A_1260, %gather3A_1259 : vector<16xf32>
      %add3A_1262 = arith.addf %gather3A_1257, %mul3A_1261 : vector<16xf32>
      %mul3A_1263 = arith.mulf %add3A_1262, %broadcast_in_dim3A_1256 : vector<16xf32>
      tpu.vector_store_idx %arg11[%iota3A, %broadcast_in_dim3A_1250], %mul3A_1263 : memref<16x512xf32, #tpu.memory_space<vmem>>[vector<16xi32>, vector<16xi32>], vector<16xf32>,
      %mul3A_1264 = arith.constant 8 : i32
      %mul3A_1265 = arith.muli %add3A_1066, %mul3A_1264 : i32
      %add3A_1266 = arith.constant 5 : i32
      %add3A_1267 = arith.addi %mul3A_1265, %add3A_1266 : i32
      %broadcast_in_dim3A_1268 = vector.broadcast %add3A_1267 : i32 to vector<16xi32>
      %slice3A_1269 = vector.extract_strided_slice %and3A_1073 {offsets = [5], sizes = [1], strides = [1]} : vector<16xi32> to vector<1xi32>
      %squeeze3A_1270 = vector.extract %slice3A_1269[0] : i32 from vector<1xi32>
      %broadcast_in_dim3A_1271 = vector.broadcast %squeeze3A_1270 : i32 to vector<16xi32>
      %slice3A_1272 = vector.extract_strided_slice %get3A_1077 {offsets = [5], sizes = [1], strides = [1]} : vector<16xf32> to vector<1xf32>
      %squeeze3A_1273 = vector.extract %slice3A_1272[0] : f32 from vector<1xf32>
      %broadcast_in_dim3A_1274 = vector.broadcast %squeeze3A_1273 : f32 to vector<16xf32>
      %gather3A_1275 = tpu.vector_load_idx %arg33[%iota3A, %broadcast_in_dim3A_1271] : memref<16x128xf32, #tpu.memory_space<vmem>>[vector<16xi32>, vector<16xi32>], vector<16xf32>,
      %gather3A_1276 = tpu.vector_load_idx %arg41[%iota3A, %broadcast_in_dim3A_1271] : memref<16x128xf32, #tpu.memory_space<vmem>>[vector<16xi32>, vector<16xi32>], vector<16xf32>,
      %gather3A_1277 = tpu.vector_load_idx %arg9[%iota3A, %broadcast_in_dim3A_1268] : memref<16x512xf32, #tpu.memory_space<vmem>>[vector<16xi32>, vector<16xi32>], vector<16xf32>,
      %exp3A_1278 = math.exp %gather3A_1276 : vector<16xf32>
      %mul3A_1279 = arith.mulf %exp3A_1278, %gather3A_1277 : vector<16xf32>
      %add3A_1280 = arith.addf %gather3A_1275, %mul3A_1279 : vector<16xf32>
      %mul3A_1281 = arith.mulf %add3A_1280, %broadcast_in_dim3A_1274 : vector<16xf32>
      tpu.vector_store_idx %arg11[%iota3A, %broadcast_in_dim3A_1268], %mul3A_1281 : memref<16x512xf32, #tpu.memory_space<vmem>>[vector<16xi32>, vector<16xi32>], vector<16xf32>,
      %mul3A_1282 = arith.constant 8 : i32
      %mul3A_1283 = arith.muli %add3A_1066, %mul3A_1282 : i32
      %add3A_1284 = arith.constant 6 : i32
      %add3A_1285 = arith.addi %mul3A_1283, %add3A_1284 : i32
      %broadcast_in_dim3A_1286 = vector.broadcast %add3A_1285 : i32 to vector<16xi32>
      %slice3A_1287 = vector.extract_strided_slice %and3A_1073 {offsets = [6], sizes = [1], strides = [1]} : vector<16xi32> to vector<1xi32>
      %squeeze3A_1288 = vector.extract %slice3A_1287[0] : i32 from vector<1xi32>
      %broadcast_in_dim3A_1289 = vector.broadcast %squeeze3A_1288 : i32 to vector<16xi32>
      %slice3A_1290 = vector.extract_strided_slice %get3A_1077 {offsets = [6], sizes = [1], strides = [1]} : vector<16xf32> to vector<1xf32>
      %squeeze3A_1291 = vector.extract %slice3A_1290[0] : f32 from vector<1xf32>
      %broadcast_in_dim3A_1292 = vector.broadcast %squeeze3A_1291 : f32 to vector<16xf32>
      %gather3A_1293 = tpu.vector_load_idx %arg34[%iota3A, %broadcast_in_dim3A_1289] : memref<16x128xf32, #tpu.memory_space<vmem>>[vector<16xi32>, vector<16xi32>], vector<16xf32>,
      %gather3A_1294 = tpu.vector_load_idx %arg42[%iota3A, %broadcast_in_dim3A_1289] : memref<16x128xf32, #tpu.memory_space<vmem>>[vector<16xi32>, vector<16xi32>], vector<16xf32>,
      %gather3A_1295 = tpu.vector_load_idx %arg9[%iota3A, %broadcast_in_dim3A_1286] : memref<16x512xf32, #tpu.memory_space<vmem>>[vector<16xi32>, vector<16xi32>], vector<16xf32>,
      %exp3A_1296 = math.exp %gather3A_1294 : vector<16xf32>
      %mul3A_1297 = arith.mulf %exp3A_1296, %gather3A_1295 : vector<16xf32>
      %add3A_1298 = arith.addf %gather3A_1293, %mul3A_1297 : vector<16xf32>
      %mul3A_1299 = arith.mulf %add3A_1298, %broadcast_in_dim3A_1292 : vector<16xf32>
      tpu.vector_store_idx %arg11[%iota3A, %broadcast_in_dim3A_1286], %mul3A_1299 : memref<16x512xf32, #tpu.memory_space<vmem>>[vector<16xi32>, vector<16xi32>], vector<16xf32>,
      %mul3A_1300 = arith.constant 8 : i32
      %mul3A_1301 = arith.muli %add3A_1066, %mul3A_1300 : i32
      %add3A_1302 = arith.constant 7 : i32
      %add3A_1303 = arith.addi %mul3A_1301, %add3A_1302 : i32
      %broadcast_in_dim3A_1304 = vector.broadcast %add3A_1303 : i32 to vector<16xi32>
      %slice3A_1305 = vector.extract_strided_slice %and3A_1073 {offsets = [7], sizes = [1], strides = [1]} : vector<16xi32> to vector<1xi32>
      %squeeze3A_1306 = vector.extract %slice3A_1305[0] : i32 from vector<1xi32>
      %broadcast_in_dim3A_1307 = vector.broadcast %squeeze3A_1306 : i32 to vector<16xi32>
      %slice3A_1308 = vector.extract_strided_slice %get3A_1077 {offsets = [7], sizes = [1], strides = [1]} : vector<16xf32> to vector<1xf32>
      %squeeze3A_1309 = vector.extract %slice3A_1308[0] : f32 from vector<1xf32>
      %broadcast_in_dim3A_1310 = vector.broadcast %squeeze3A_1309 : f32 to vector<16xf32>
      %gather3A_1311 = tpu.vector_load_idx %arg35[%iota3A, %broadcast_in_dim3A_1307] : memref<16x128xf32, #tpu.memory_space<vmem>>[vector<16xi32>, vector<16xi32>], vector<16xf32>,
      %gather3A_1312 = tpu.vector_load_idx %arg43[%iota3A, %broadcast_in_dim3A_1307] : memref<16x128xf32, #tpu.memory_space<vmem>>[vector<16xi32>, vector<16xi32>], vector<16xf32>,
      %gather3A_1313 = tpu.vector_load_idx %arg9[%iota3A, %broadcast_in_dim3A_1304] : memref<16x512xf32, #tpu.memory_space<vmem>>[vector<16xi32>, vector<16xi32>], vector<16xf32>,
      %exp3A_1314 = math.exp %gather3A_1312 : vector<16xf32>
      %mul3A_1315 = arith.mulf %exp3A_1314, %gather3A_1313 : vector<16xf32>
      %add3A_1316 = arith.addf %gather3A_1311, %mul3A_1315 : vector<16xf32>
      %mul3A_1317 = arith.mulf %add3A_1316, %broadcast_in_dim3A_1310 : vector<16xf32>
      tpu.vector_store_idx %arg11[%iota3A, %broadcast_in_dim3A_1304], %mul3A_1317 : memref<16x512xf32, #tpu.memory_space<vmem>>[vector<16xi32>, vector<16xi32>], vector<16xf32>,
      %add3A_1318 = arith.constant 4 : i32
      %add3A_1319 = arith.addi %mul3A_561, %add3A_1318 : i32
      %min3A = arith.constant 63 : i32
      %min3A_1320 = arith.minsi %add3A_1319, %min3A : i32
      %mul3A_1321 = arith.constant 8 : i32
      %mul3A_1322 = arith.muli %min3A_1320, %mul3A_1321 : i32
      %get3A_1323 = arith.index_cast %mul3A_1322 : i32 to index
      %get3A_1324 = tpu.vector_load %arg8[%get3A_1323] {strides = array<i32>} : memref<528xi32, #tpu.memory_space<vmem>>, vector<16xi32>,
      %slice3A_1325 = vector.extract_strided_slice %get3A_1324 {offsets = [0], sizes = [1], strides = [1]} : vector<16xi32> to vector<1xi32>
      %squeeze3A_1326 = vector.extract %slice3A_1325[0] : i32 from vector<1xi32>
      %shift_right_arithmetic3A_1327 = arith.constant 7 : i32
      %shift_right_arithmetic3A_1328 = arith.shrsi %squeeze3A_1326, %shift_right_arithmetic3A_1327 : i32
      %shift_left3A_1329 = arith.constant 7 : i32
      %shift_left3A_1330 = arith.shli %shift_right_arithmetic3A_1328, %shift_left3A_1329 : i32
      %multiple_of3A_1331 = tpu.assume_multiple %shift_left3A_1330, 128 : i32
      %dma_start3A_1332 = arith.constant 0 : i32
      %dma_start3A_1333 = tpu.memref_slice %arg5[%dma_start3A_1332, %multiple_of3A_1331] : memref<16x1000000xf32, #tpu.memory_space<hbm>> -> memref<16x128xf32, #tpu.memory_space<hbm>>
      %dma_start3A_1334 = arith.constant 0 : i32
      %dma_start3A_1335 = tpu.memref_slice %arg5[%dma_start3A_1334, %multiple_of3A_1331] : memref<16x1000000xf32, #tpu.memory_space<hbm>> -> memref<16x128xf32, #tpu.memory_space<hbm>>
      tpu.enqueue_dma source(%dma_start3A_1335 : memref<16x128xf32, #tpu.memory_space<hbm>>) target(%arg28 : memref<16x128xf32, #tpu.memory_space<vmem>>) target_semaphore(%arg61 : memref<!tpu.dma_semaphore, #tpu.memory_space<semaphore_mem>>)
      %dma_start3A_1336 = arith.constant 0 : i32
      %dma_start3A_1337 = tpu.memref_slice %arg6[%dma_start3A_1336, %multiple_of3A_1331] : memref<16x1000000xf32, #tpu.memory_space<hbm>> -> memref<16x128xf32, #tpu.memory_space<hbm>>
      %dma_start3A_1338 = arith.constant 0 : i32
      %dma_start3A_1339 = tpu.memref_slice %arg6[%dma_start3A_1338, %multiple_of3A_1331] : memref<16x1000000xf32, #tpu.memory_space<hbm>> -> memref<16x128xf32, #tpu.memory_space<hbm>>
      tpu.enqueue_dma source(%dma_start3A_1339 : memref<16x128xf32, #tpu.memory_space<hbm>>) target(%arg36 : memref<16x128xf32, #tpu.memory_space<vmem>>) target_semaphore(%arg61 : memref<!tpu.dma_semaphore, #tpu.memory_space<semaphore_mem>>)
      %slice3A_1340 = vector.extract_strided_slice %get3A_1324 {offsets = [1], sizes = [1], strides = [1]} : vector<16xi32> to vector<1xi32>
      %squeeze3A_1341 = vector.extract %slice3A_1340[0] : i32 from vector<1xi32>
      %shift_right_arithmetic3A_1342 = arith.constant 7 : i32
      %shift_right_arithmetic3A_1343 = arith.shrsi %squeeze3A_1341, %shift_right_arithmetic3A_1342 : i32
      %shift_left3A_1344 = arith.constant 7 : i32
      %shift_left3A_1345 = arith.shli %shift_right_arithmetic3A_1343, %shift_left3A_1344 : i32
      %multiple_of3A_1346 = tpu.assume_multiple %shift_left3A_1345, 128 : i32
      %dma_start3A_1347 = arith.constant 0 : i32
      %dma_start3A_1348 = tpu.memref_slice %arg5[%dma_start3A_1347, %multiple_of3A_1346] : memref<16x1000000xf32, #tpu.memory_space<hbm>> -> memref<16x128xf32, #tpu.memory_space<hbm>>
      %dma_start3A_1349 = arith.constant 0 : i32
      %dma_start3A_1350 = tpu.memref_slice %arg5[%dma_start3A_1349, %multiple_of3A_1346] : memref<16x1000000xf32, #tpu.memory_space<hbm>> -> memref<16x128xf32, #tpu.memory_space<hbm>>
      tpu.enqueue_dma source(%dma_start3A_1350 : memref<16x128xf32, #tpu.memory_space<hbm>>) target(%arg29 : memref<16x128xf32, #tpu.memory_space<vmem>>) target_semaphore(%arg61 : memref<!tpu.dma_semaphore, #tpu.memory_space<semaphore_mem>>)
      %dma_start3A_1351 = arith.constant 0 : i32
      %dma_start3A_1352 = tpu.memref_slice %arg6[%dma_start3A_1351, %multiple_of3A_1346] : memref<16x1000000xf32, #tpu.memory_space<hbm>> -> memref<16x128xf32, #tpu.memory_space<hbm>>
      %dma_start3A_1353 = arith.constant 0 : i32
      %dma_start3A_1354 = tpu.memref_slice %arg6[%dma_start3A_1353, %multiple_of3A_1346] : memref<16x1000000xf32, #tpu.memory_space<hbm>> -> memref<16x128xf32, #tpu.memory_space<hbm>>
      tpu.enqueue_dma source(%dma_start3A_1354 : memref<16x128xf32, #tpu.memory_space<hbm>>) target(%arg37 : memref<16x128xf32, #tpu.memory_space<vmem>>) target_semaphore(%arg61 : memref<!tpu.dma_semaphore, #tpu.memory_space<semaphore_mem>>)
      %slice3A_1355 = vector.extract_strided_slice %get3A_1324 {offsets = [2], sizes = [1], strides = [1]} : vector<16xi32> to vector<1xi32>
      %squeeze3A_1356 = vector.extract %slice3A_1355[0] : i32 from vector<1xi32>
      %shift_right_arithmetic3A_1357 = arith.constant 7 : i32
      %shift_right_arithmetic3A_1358 = arith.shrsi %squeeze3A_1356, %shift_right_arithmetic3A_1357 : i32
      %shift_left3A_1359 = arith.constant 7 : i32
      %shift_left3A_1360 = arith.shli %shift_right_arithmetic3A_1358, %shift_left3A_1359 : i32
      %multiple_of3A_1361 = tpu.assume_multiple %shift_left3A_1360, 128 : i32
      %dma_start3A_1362 = arith.constant 0 : i32
      %dma_start3A_1363 = tpu.memref_slice %arg5[%dma_start3A_1362, %multiple_of3A_1361] : memref<16x1000000xf32, #tpu.memory_space<hbm>> -> memref<16x128xf32, #tpu.memory_space<hbm>>
      %dma_start3A_1364 = arith.constant 0 : i32
      %dma_start3A_1365 = tpu.memref_slice %arg5[%dma_start3A_1364, %multiple_of3A_1361] : memref<16x1000000xf32, #tpu.memory_space<hbm>> -> memref<16x128xf32, #tpu.memory_space<hbm>>
      tpu.enqueue_dma source(%dma_start3A_1365 : memref<16x128xf32, #tpu.memory_space<hbm>>) target(%arg30 : memref<16x128xf32, #tpu.memory_space<vmem>>) target_semaphore(%arg61 : memref<!tpu.dma_semaphore, #tpu.memory_space<semaphore_mem>>)
      %dma_start3A_1366 = arith.constant 0 : i32
      %dma_start3A_1367 = tpu.memref_slice %arg6[%dma_start3A_1366, %multiple_of3A_1361] : memref<16x1000000xf32, #tpu.memory_space<hbm>> -> memref<16x128xf32, #tpu.memory_space<hbm>>
      %dma_start3A_1368 = arith.constant 0 : i32
      %dma_start3A_1369 = tpu.memref_slice %arg6[%dma_start3A_1368, %multiple_of3A_1361] : memref<16x1000000xf32, #tpu.memory_space<hbm>> -> memref<16x128xf32, #tpu.memory_space<hbm>>
      tpu.enqueue_dma source(%dma_start3A_1369 : memref<16x128xf32, #tpu.memory_space<hbm>>) target(%arg38 : memref<16x128xf32, #tpu.memory_space<vmem>>) target_semaphore(%arg61 : memref<!tpu.dma_semaphore, #tpu.memory_space<semaphore_mem>>)
      %slice3A_1370 = vector.extract_strided_slice %get3A_1324 {offsets = [3], sizes = [1], strides = [1]} : vector<16xi32> to vector<1xi32>
      %squeeze3A_1371 = vector.extract %slice3A_1370[0] : i32 from vector<1xi32>
      %shift_right_arithmetic3A_1372 = arith.constant 7 : i32
      %shift_right_arithmetic3A_1373 = arith.shrsi %squeeze3A_1371, %shift_right_arithmetic3A_1372 : i32
      %shift_left3A_1374 = arith.constant 7 : i32
      %shift_left3A_1375 = arith.shli %shift_right_arithmetic3A_1373, %shift_left3A_1374 : i32
      %multiple_of3A_1376 = tpu.assume_multiple %shift_left3A_1375, 128 : i32
      %dma_start3A_1377 = arith.constant 0 : i32
      %dma_start3A_1378 = tpu.memref_slice %arg5[%dma_start3A_1377, %multiple_of3A_1376] : memref<16x1000000xf32, #tpu.memory_space<hbm>> -> memref<16x128xf32, #tpu.memory_space<hbm>>
      %dma_start3A_1379 = arith.constant 0 : i32
      %dma_start3A_1380 = tpu.memref_slice %arg5[%dma_start3A_1379, %multiple_of3A_1376] : memref<16x1000000xf32, #tpu.memory_space<hbm>> -> memref<16x128xf32, #tpu.memory_space<hbm>>
      tpu.enqueue_dma source(%dma_start3A_1380 : memref<16x128xf32, #tpu.memory_space<hbm>>) target(%arg31 : memref<16x128xf32, #tpu.memory_space<vmem>>) target_semaphore(%arg61 : memref<!tpu.dma_semaphore, #tpu.memory_space<semaphore_mem>>)
      %dma_start3A_1381 = arith.constant 0 : i32
      %dma_start3A_1382 = tpu.memref_slice %arg6[%dma_start3A_1381, %multiple_of3A_1376] : memref<16x1000000xf32, #tpu.memory_space<hbm>> -> memref<16x128xf32, #tpu.memory_space<hbm>>
      %dma_start3A_1383 = arith.constant 0 : i32
      %dma_start3A_1384 = tpu.memref_slice %arg6[%dma_start3A_1383, %multiple_of3A_1376] : memref<16x1000000xf32, #tpu.memory_space<hbm>> -> memref<16x128xf32, #tpu.memory_space<hbm>>
      tpu.enqueue_dma source(%dma_start3A_1384 : memref<16x128xf32, #tpu.memory_space<hbm>>) target(%arg39 : memref<16x128xf32, #tpu.memory_space<vmem>>) target_semaphore(%arg61 : memref<!tpu.dma_semaphore, #tpu.memory_space<semaphore_mem>>)
      %slice3A_1385 = vector.extract_strided_slice %get3A_1324 {offsets = [4], sizes = [1], strides = [1]} : vector<16xi32> to vector<1xi32>
      %squeeze3A_1386 = vector.extract %slice3A_1385[0] : i32 from vector<1xi32>
      %shift_right_arithmetic3A_1387 = arith.constant 7 : i32
      %shift_right_arithmetic3A_1388 = arith.shrsi %squeeze3A_1386, %shift_right_arithmetic3A_1387 : i32
      %shift_left3A_1389 = arith.constant 7 : i32
      %shift_left3A_1390 = arith.shli %shift_right_arithmetic3A_1388, %shift_left3A_1389 : i32
      %multiple_of3A_1391 = tpu.assume_multiple %shift_left3A_1390, 128 : i32
      %dma_start3A_1392 = arith.constant 0 : i32
      %dma_start3A_1393 = tpu.memref_slice %arg5[%dma_start3A_1392, %multiple_of3A_1391] : memref<16x1000000xf32, #tpu.memory_space<hbm>> -> memref<16x128xf32, #tpu.memory_space<hbm>>
      %dma_start3A_1394 = arith.constant 0 : i32
      %dma_start3A_1395 = tpu.memref_slice %arg5[%dma_start3A_1394, %multiple_of3A_1391] : memref<16x1000000xf32, #tpu.memory_space<hbm>> -> memref<16x128xf32, #tpu.memory_space<hbm>>
      tpu.enqueue_dma source(%dma_start3A_1395 : memref<16x128xf32, #tpu.memory_space<hbm>>) target(%arg32 : memref<16x128xf32, #tpu.memory_space<vmem>>) target_semaphore(%arg61 : memref<!tpu.dma_semaphore, #tpu.memory_space<semaphore_mem>>)
      %dma_start3A_1396 = arith.constant 0 : i32
      %dma_start3A_1397 = tpu.memref_slice %arg6[%dma_start3A_1396, %multiple_of3A_1391] : memref<16x1000000xf32, #tpu.memory_space<hbm>> -> memref<16x128xf32, #tpu.memory_space<hbm>>
      %dma_start3A_1398 = arith.constant 0 : i32
      %dma_start3A_1399 = tpu.memref_slice %arg6[%dma_start3A_1398, %multiple_of3A_1391] : memref<16x1000000xf32, #tpu.memory_space<hbm>> -> memref<16x128xf32, #tpu.memory_space<hbm>>
      tpu.enqueue_dma source(%dma_start3A_1399 : memref<16x128xf32, #tpu.memory_space<hbm>>) target(%arg40 : memref<16x128xf32, #tpu.memory_space<vmem>>) target_semaphore(%arg61 : memref<!tpu.dma_semaphore, #tpu.memory_space<semaphore_mem>>)
      %slice3A_1400 = vector.extract_strided_slice %get3A_1324 {offsets = [5], sizes = [1], strides = [1]} : vector<16xi32> to vector<1xi32>
      %squeeze3A_1401 = vector.extract %slice3A_1400[0] : i32 from vector<1xi32>
      %shift_right_arithmetic3A_1402 = arith.constant 7 : i32
      %shift_right_arithmetic3A_1403 = arith.shrsi %squeeze3A_1401, %shift_right_arithmetic3A_1402 : i32
      %shift_left3A_1404 = arith.constant 7 : i32
      %shift_left3A_1405 = arith.shli %shift_right_arithmetic3A_1403, %shift_left3A_1404 : i32
      %multiple_of3A_1406 = tpu.assume_multiple %shift_left3A_1405, 128 : i32
      %dma_start3A_1407 = arith.constant 0 : i32
      %dma_start3A_1408 = tpu.memref_slice %arg5[%dma_start3A_1407, %multiple_of3A_1406] : memref<16x1000000xf32, #tpu.memory_space<hbm>> -> memref<16x128xf32, #tpu.memory_space<hbm>>
      %dma_start3A_1409 = arith.constant 0 : i32
      %dma_start3A_1410 = tpu.memref_slice %arg5[%dma_start3A_1409, %multiple_of3A_1406] : memref<16x1000000xf32, #tpu.memory_space<hbm>> -> memref<16x128xf32, #tpu.memory_space<hbm>>
      tpu.enqueue_dma source(%dma_start3A_1410 : memref<16x128xf32, #tpu.memory_space<hbm>>) target(%arg33 : memref<16x128xf32, #tpu.memory_space<vmem>>) target_semaphore(%arg61 : memref<!tpu.dma_semaphore, #tpu.memory_space<semaphore_mem>>)
      %dma_start3A_1411 = arith.constant 0 : i32
      %dma_start3A_1412 = tpu.memref_slice %arg6[%dma_start3A_1411, %multiple_of3A_1406] : memref<16x1000000xf32, #tpu.memory_space<hbm>> -> memref<16x128xf32, #tpu.memory_space<hbm>>
      %dma_start3A_1413 = arith.constant 0 : i32
      %dma_start3A_1414 = tpu.memref_slice %arg6[%dma_start3A_1413, %multiple_of3A_1406] : memref<16x1000000xf32, #tpu.memory_space<hbm>> -> memref<16x128xf32, #tpu.memory_space<hbm>>
      tpu.enqueue_dma source(%dma_start3A_1414 : memref<16x128xf32, #tpu.memory_space<hbm>>) target(%arg41 : memref<16x128xf32, #tpu.memory_space<vmem>>) target_semaphore(%arg61 : memref<!tpu.dma_semaphore, #tpu.memory_space<semaphore_mem>>)
      %slice3A_1415 = vector.extract_strided_slice %get3A_1324 {offsets = [6], sizes = [1], strides = [1]} : vector<16xi32> to vector<1xi32>
      %squeeze3A_1416 = vector.extract %slice3A_1415[0] : i32 from vector<1xi32>
      %shift_right_arithmetic3A_1417 = arith.constant 7 : i32
      %shift_right_arithmetic3A_1418 = arith.shrsi %squeeze3A_1416, %shift_right_arithmetic3A_1417 : i32
      %shift_left3A_1419 = arith.constant 7 : i32
      %shift_left3A_1420 = arith.shli %shift_right_arithmetic3A_1418, %shift_left3A_1419 : i32
      %multiple_of3A_1421 = tpu.assume_multiple %shift_left3A_1420, 128 : i32
      %dma_start3A_1422 = arith.constant 0 : i32
      %dma_start3A_1423 = tpu.memref_slice %arg5[%dma_start3A_1422, %multiple_of3A_1421] : memref<16x1000000xf32, #tpu.memory_space<hbm>> -> memref<16x128xf32, #tpu.memory_space<hbm>>
      %dma_start3A_1424 = arith.constant 0 : i32
      %dma_start3A_1425 = tpu.memref_slice %arg5[%dma_start3A_1424, %multiple_of3A_1421] : memref<16x1000000xf32, #tpu.memory_space<hbm>> -> memref<16x128xf32, #tpu.memory_space<hbm>>
      tpu.enqueue_dma source(%dma_start3A_1425 : memref<16x128xf32, #tpu.memory_space<hbm>>) target(%arg34 : memref<16x128xf32, #tpu.memory_space<vmem>>) target_semaphore(%arg61 : memref<!tpu.dma_semaphore, #tpu.memory_space<semaphore_mem>>)
      %dma_start3A_1426 = arith.constant 0 : i32
      %dma_start3A_1427 = tpu.memref_slice %arg6[%dma_start3A_1426, %multiple_of3A_1421] : memref<16x1000000xf32, #tpu.memory_space<hbm>> -> memref<16x128xf32, #tpu.memory_space<hbm>>
      %dma_start3A_1428 = arith.constant 0 : i32
      %dma_start3A_1429 = tpu.memref_slice %arg6[%dma_start3A_1428, %multiple_of3A_1421] : memref<16x1000000xf32, #tpu.memory_space<hbm>> -> memref<16x128xf32, #tpu.memory_space<hbm>>
      tpu.enqueue_dma source(%dma_start3A_1429 : memref<16x128xf32, #tpu.memory_space<hbm>>) target(%arg42 : memref<16x128xf32, #tpu.memory_space<vmem>>) target_semaphore(%arg61 : memref<!tpu.dma_semaphore, #tpu.memory_space<semaphore_mem>>)
      %slice3A_1430 = vector.extract_strided_slice %get3A_1324 {offsets = [7], sizes = [1], strides = [1]} : vector<16xi32> to vector<1xi32>
      %squeeze3A_1431 = vector.extract %slice3A_1430[0] : i32 from vector<1xi32>
      %shift_right_arithmetic3A_1432 = arith.constant 7 : i32
      %shift_right_arithmetic3A_1433 = arith.shrsi %squeeze3A_1431, %shift_right_arithmetic3A_1432 : i32
      %shift_left3A_1434 = arith.constant 7 : i32
      %shift_left3A_1435 = arith.shli %shift_right_arithmetic3A_1433, %shift_left3A_1434 : i32
      %multiple_of3A_1436 = tpu.assume_multiple %shift_left3A_1435, 128 : i32
      %dma_start3A_1437 = arith.constant 0 : i32
      %dma_start3A_1438 = tpu.memref_slice %arg5[%dma_start3A_1437, %multiple_of3A_1436] : memref<16x1000000xf32, #tpu.memory_space<hbm>> -> memref<16x128xf32, #tpu.memory_space<hbm>>
      %dma_start3A_1439 = arith.constant 0 : i32
      %dma_start3A_1440 = tpu.memref_slice %arg5[%dma_start3A_1439, %multiple_of3A_1436] : memref<16x1000000xf32, #tpu.memory_space<hbm>> -> memref<16x128xf32, #tpu.memory_space<hbm>>
      tpu.enqueue_dma source(%dma_start3A_1440 : memref<16x128xf32, #tpu.memory_space<hbm>>) target(%arg35 : memref<16x128xf32, #tpu.memory_space<vmem>>) target_semaphore(%arg61 : memref<!tpu.dma_semaphore, #tpu.memory_space<semaphore_mem>>)
      %dma_start3A_1441 = arith.constant 0 : i32
      %dma_start3A_1442 = tpu.memref_slice %arg6[%dma_start3A_1441, %multiple_of3A_1436] : memref<16x1000000xf32, #tpu.memory_space<hbm>> -> memref<16x128xf32, #tpu.memory_space<hbm>>
      %dma_start3A_1443 = arith.constant 0 : i32
      %dma_start3A_1444 = tpu.memref_slice %arg6[%dma_start3A_1443, %multiple_of3A_1436] : memref<16x1000000xf32, #tpu.memory_space<hbm>> -> memref<16x128xf32, #tpu.memory_space<hbm>>
      tpu.enqueue_dma source(%dma_start3A_1444 : memref<16x128xf32, #tpu.memory_space<hbm>>) target(%arg43 : memref<16x128xf32, #tpu.memory_space<vmem>>) target_semaphore(%arg61 : memref<!tpu.dma_semaphore, #tpu.memory_space<semaphore_mem>>)
      %add3A_1445 = arith.constant 2 : i32
      %add3A_1446 = arith.addi %mul3A_561, %add3A_1445 : i32
      %mul3A_1447 = arith.constant 8 : i32
      %mul3A_1448 = arith.muli %add3A_1446, %mul3A_1447 : i32
      %get3A_1449 = arith.index_cast %mul3A_1448 : i32 to index
      %get3A_1450 = tpu.vector_load %arg8[%get3A_1449] {strides = array<i32>} : memref<528xi32, #tpu.memory_space<vmem>>, vector<16xi32>,
      %and3A_1451 = arith.constant 127 : i32
      %and3A_1452 = vector.broadcast %and3A_1451 : i32 to vector<16xi32>
      %and3A_1453 = arith.andi %get3A_1450, %and3A_1452 : vector<16xi32>
      %mul3A_1454 = arith.constant 8 : i32
      %mul3A_1455 = arith.muli %add3A_1446, %mul3A_1454 : i32
      %get3A_1456 = arith.index_cast %mul3A_1455 : i32 to index
      %get3A_1457 = tpu.vector_load %arg10[%get3A_1456] {strides = array<i32>} : memref<528xf32, #tpu.memory_space<vmem>>, vector<16xf32>,
      %dma_wait3A_1458 = arith.constant 0 : i32
      %dma_wait3A_1459 = arith.constant 0 : i32
      %dma_wait3A_1460 = tpu.memref_slice %arg5[%dma_wait3A_1458, %dma_wait3A_1459] : memref<16x1000000xf32, #tpu.memory_space<hbm>> -> memref<16x128xf32, #tpu.memory_space<hbm>>
      %dma_wait3A_1461 = arith.constant 0 : i32
      %dma_wait3A_1462 = arith.constant 0 : i32
      %dma_wait3A_1463 = tpu.memref_slice %arg5[%dma_wait3A_1461, %dma_wait3A_1462] : memref<16x1000000xf32, #tpu.memory_space<hbm>> -> memref<16x128xf32, #tpu.memory_space<hbm>>
      tpu.wait_dma2 semaphore(%arg62 : memref<!tpu.dma_semaphore, #tpu.memory_space<semaphore_mem>>) src(%dma_wait3A_1463 : memref<16x128xf32, #tpu.memory_space<hbm>>) dst(%arg44 : memref<16x128xf32, #tpu.memory_space<vmem>>)
      %dma_wait3A_1464 = arith.constant 0 : i32
      %dma_wait3A_1465 = arith.constant 0 : i32
      %dma_wait3A_1466 = tpu.memref_slice %arg6[%dma_wait3A_1464, %dma_wait3A_1465] : memref<16x1000000xf32, #tpu.memory_space<hbm>> -> memref<16x128xf32, #tpu.memory_space<hbm>>
      %dma_wait3A_1467 = arith.constant 0 : i32
      %dma_wait3A_1468 = arith.constant 0 : i32
      %dma_wait3A_1469 = tpu.memref_slice %arg6[%dma_wait3A_1467, %dma_wait3A_1468] : memref<16x1000000xf32, #tpu.memory_space<hbm>> -> memref<16x128xf32, #tpu.memory_space<hbm>>
      tpu.wait_dma2 semaphore(%arg62 : memref<!tpu.dma_semaphore, #tpu.memory_space<semaphore_mem>>) src(%dma_wait3A_1469 : memref<16x128xf32, #tpu.memory_space<hbm>>) dst(%arg52 : memref<16x128xf32, #tpu.memory_space<vmem>>)
      %dma_wait3A_1470 = arith.constant 0 : i32
      %dma_wait3A_1471 = arith.constant 0 : i32
      %dma_wait3A_1472 = tpu.memref_slice %arg5[%dma_wait3A_1470, %dma_wait3A_1471] : memref<16x1000000xf32, #tpu.memory_space<hbm>> -> memref<16x128xf32, #tpu.memory_space<hbm>>
      %dma_wait3A_1473 = arith.constant 0 : i32
      %dma_wait3A_1474 = arith.constant 0 : i32
      %dma_wait3A_1475 = tpu.memref_slice %arg5[%dma_wait3A_1473, %dma_wait3A_1474] : memref<16x1000000xf32, #tpu.memory_space<hbm>> -> memref<16x128xf32, #tpu.memory_space<hbm>>
      tpu.wait_dma2 semaphore(%arg62 : memref<!tpu.dma_semaphore, #tpu.memory_space<semaphore_mem>>) src(%dma_wait3A_1475 : memref<16x128xf32, #tpu.memory_space<hbm>>) dst(%arg45 : memref<16x128xf32, #tpu.memory_space<vmem>>)
      %dma_wait3A_1476 = arith.constant 0 : i32
      %dma_wait3A_1477 = arith.constant 0 : i32
      %dma_wait3A_1478 = tpu.memref_slice %arg6[%dma_wait3A_1476, %dma_wait3A_1477] : memref<16x1000000xf32, #tpu.memory_space<hbm>> -> memref<16x128xf32, #tpu.memory_space<hbm>>
      %dma_wait3A_1479 = arith.constant 0 : i32
      %dma_wait3A_1480 = arith.constant 0 : i32
      %dma_wait3A_1481 = tpu.memref_slice %arg6[%dma_wait3A_1479, %dma_wait3A_1480] : memref<16x1000000xf32, #tpu.memory_space<hbm>> -> memref<16x128xf32, #tpu.memory_space<hbm>>
      tpu.wait_dma2 semaphore(%arg62 : memref<!tpu.dma_semaphore, #tpu.memory_space<semaphore_mem>>) src(%dma_wait3A_1481 : memref<16x128xf32, #tpu.memory_space<hbm>>) dst(%arg53 : memref<16x128xf32, #tpu.memory_space<vmem>>)
      %dma_wait3A_1482 = arith.constant 0 : i32
      %dma_wait3A_1483 = arith.constant 0 : i32
      %dma_wait3A_1484 = tpu.memref_slice %arg5[%dma_wait3A_1482, %dma_wait3A_1483] : memref<16x1000000xf32, #tpu.memory_space<hbm>> -> memref<16x128xf32, #tpu.memory_space<hbm>>
      %dma_wait3A_1485 = arith.constant 0 : i32
      %dma_wait3A_1486 = arith.constant 0 : i32
      %dma_wait3A_1487 = tpu.memref_slice %arg5[%dma_wait3A_1485, %dma_wait3A_1486] : memref<16x1000000xf32, #tpu.memory_space<hbm>> -> memref<16x128xf32, #tpu.memory_space<hbm>>
      tpu.wait_dma2 semaphore(%arg62 : memref<!tpu.dma_semaphore, #tpu.memory_space<semaphore_mem>>) src(%dma_wait3A_1487 : memref<16x128xf32, #tpu.memory_space<hbm>>) dst(%arg46 : memref<16x128xf32, #tpu.memory_space<vmem>>)
      %dma_wait3A_1488 = arith.constant 0 : i32
      %dma_wait3A_1489 = arith.constant 0 : i32
      %dma_wait3A_1490 = tpu.memref_slice %arg6[%dma_wait3A_1488, %dma_wait3A_1489] : memref<16x1000000xf32, #tpu.memory_space<hbm>> -> memref<16x128xf32, #tpu.memory_space<hbm>>
      %dma_wait3A_1491 = arith.constant 0 : i32
      %dma_wait3A_1492 = arith.constant 0 : i32
      %dma_wait3A_1493 = tpu.memref_slice %arg6[%dma_wait3A_1491, %dma_wait3A_1492] : memref<16x1000000xf32, #tpu.memory_space<hbm>> -> memref<16x128xf32, #tpu.memory_space<hbm>>
      tpu.wait_dma2 semaphore(%arg62 : memref<!tpu.dma_semaphore, #tpu.memory_space<semaphore_mem>>) src(%dma_wait3A_1493 : memref<16x128xf32, #tpu.memory_space<hbm>>) dst(%arg54 : memref<16x128xf32, #tpu.memory_space<vmem>>)
      %dma_wait3A_1494 = arith.constant 0 : i32
      %dma_wait3A_1495 = arith.constant 0 : i32
      %dma_wait3A_1496 = tpu.memref_slice %arg5[%dma_wait3A_1494, %dma_wait3A_1495] : memref<16x1000000xf32, #tpu.memory_space<hbm>> -> memref<16x128xf32, #tpu.memory_space<hbm>>
      %dma_wait3A_1497 = arith.constant 0 : i32
      %dma_wait3A_1498 = arith.constant 0 : i32
      %dma_wait3A_1499 = tpu.memref_slice %arg5[%dma_wait3A_1497, %dma_wait3A_1498] : memref<16x1000000xf32, #tpu.memory_space<hbm>> -> memref<16x128xf32, #tpu.memory_space<hbm>>
      tpu.wait_dma2 semaphore(%arg62 : memref<!tpu.dma_semaphore, #tpu.memory_space<semaphore_mem>>) src(%dma_wait3A_1499 : memref<16x128xf32, #tpu.memory_space<hbm>>) dst(%arg47 : memref<16x128xf32, #tpu.memory_space<vmem>>)
      %dma_wait3A_1500 = arith.constant 0 : i32
      %dma_wait3A_1501 = arith.constant 0 : i32
      %dma_wait3A_1502 = tpu.memref_slice %arg6[%dma_wait3A_1500, %dma_wait3A_1501] : memref<16x1000000xf32, #tpu.memory_space<hbm>> -> memref<16x128xf32, #tpu.memory_space<hbm>>
      %dma_wait3A_1503 = arith.constant 0 : i32
      %dma_wait3A_1504 = arith.constant 0 : i32
      %dma_wait3A_1505 = tpu.memref_slice %arg6[%dma_wait3A_1503, %dma_wait3A_1504] : memref<16x1000000xf32, #tpu.memory_space<hbm>> -> memref<16x128xf32, #tpu.memory_space<hbm>>
      tpu.wait_dma2 semaphore(%arg62 : memref<!tpu.dma_semaphore, #tpu.memory_space<semaphore_mem>>) src(%dma_wait3A_1505 : memref<16x128xf32, #tpu.memory_space<hbm>>) dst(%arg55 : memref<16x128xf32, #tpu.memory_space<vmem>>)
      %dma_wait3A_1506 = arith.constant 0 : i32
      %dma_wait3A_1507 = arith.constant 0 : i32
      %dma_wait3A_1508 = tpu.memref_slice %arg5[%dma_wait3A_1506, %dma_wait3A_1507] : memref<16x1000000xf32, #tpu.memory_space<hbm>> -> memref<16x128xf32, #tpu.memory_space<hbm>>
      %dma_wait3A_1509 = arith.constant 0 : i32
      %dma_wait3A_1510 = arith.constant 0 : i32
      %dma_wait3A_1511 = tpu.memref_slice %arg5[%dma_wait3A_1509, %dma_wait3A_1510] : memref<16x1000000xf32, #tpu.memory_space<hbm>> -> memref<16x128xf32, #tpu.memory_space<hbm>>
      tpu.wait_dma2 semaphore(%arg62 : memref<!tpu.dma_semaphore, #tpu.memory_space<semaphore_mem>>) src(%dma_wait3A_1511 : memref<16x128xf32, #tpu.memory_space<hbm>>) dst(%arg48 : memref<16x128xf32, #tpu.memory_space<vmem>>)
      %dma_wait3A_1512 = arith.constant 0 : i32
      %dma_wait3A_1513 = arith.constant 0 : i32
      %dma_wait3A_1514 = tpu.memref_slice %arg6[%dma_wait3A_1512, %dma_wait3A_1513] : memref<16x1000000xf32, #tpu.memory_space<hbm>> -> memref<16x128xf32, #tpu.memory_space<hbm>>
      %dma_wait3A_1515 = arith.constant 0 : i32
      %dma_wait3A_1516 = arith.constant 0 : i32
      %dma_wait3A_1517 = tpu.memref_slice %arg6[%dma_wait3A_1515, %dma_wait3A_1516] : memref<16x1000000xf32, #tpu.memory_space<hbm>> -> memref<16x128xf32, #tpu.memory_space<hbm>>
      tpu.wait_dma2 semaphore(%arg62 : memref<!tpu.dma_semaphore, #tpu.memory_space<semaphore_mem>>) src(%dma_wait3A_1517 : memref<16x128xf32, #tpu.memory_space<hbm>>) dst(%arg56 : memref<16x128xf32, #tpu.memory_space<vmem>>)
      %dma_wait3A_1518 = arith.constant 0 : i32
      %dma_wait3A_1519 = arith.constant 0 : i32
      %dma_wait3A_1520 = tpu.memref_slice %arg5[%dma_wait3A_1518, %dma_wait3A_1519] : memref<16x1000000xf32, #tpu.memory_space<hbm>> -> memref<16x128xf32, #tpu.memory_space<hbm>>
      %dma_wait3A_1521 = arith.constant 0 : i32
      %dma_wait3A_1522 = arith.constant 0 : i32
      %dma_wait3A_1523 = tpu.memref_slice %arg5[%dma_wait3A_1521, %dma_wait3A_1522] : memref<16x1000000xf32, #tpu.memory_space<hbm>> -> memref<16x128xf32, #tpu.memory_space<hbm>>
      tpu.wait_dma2 semaphore(%arg62 : memref<!tpu.dma_semaphore, #tpu.memory_space<semaphore_mem>>) src(%dma_wait3A_1523 : memref<16x128xf32, #tpu.memory_space<hbm>>) dst(%arg49 : memref<16x128xf32, #tpu.memory_space<vmem>>)
      %dma_wait3A_1524 = arith.constant 0 : i32
      %dma_wait3A_1525 = arith.constant 0 : i32
      %dma_wait3A_1526 = tpu.memref_slice %arg6[%dma_wait3A_1524, %dma_wait3A_1525] : memref<16x1000000xf32, #tpu.memory_space<hbm>> -> memref<16x128xf32, #tpu.memory_space<hbm>>
      %dma_wait3A_1527 = arith.constant 0 : i32
      %dma_wait3A_1528 = arith.constant 0 : i32
      %dma_wait3A_1529 = tpu.memref_slice %arg6[%dma_wait3A_1527, %dma_wait3A_1528] : memref<16x1000000xf32, #tpu.memory_space<hbm>> -> memref<16x128xf32, #tpu.memory_space<hbm>>
      tpu.wait_dma2 semaphore(%arg62 : memref<!tpu.dma_semaphore, #tpu.memory_space<semaphore_mem>>) src(%dma_wait3A_1529 : memref<16x128xf32, #tpu.memory_space<hbm>>) dst(%arg57 : memref<16x128xf32, #tpu.memory_space<vmem>>)
      %dma_wait3A_1530 = arith.constant 0 : i32
      %dma_wait3A_1531 = arith.constant 0 : i32
      %dma_wait3A_1532 = tpu.memref_slice %arg5[%dma_wait3A_1530, %dma_wait3A_1531] : memref<16x1000000xf32, #tpu.memory_space<hbm>> -> memref<16x128xf32, #tpu.memory_space<hbm>>
      %dma_wait3A_1533 = arith.constant 0 : i32
      %dma_wait3A_1534 = arith.constant 0 : i32
      %dma_wait3A_1535 = tpu.memref_slice %arg5[%dma_wait3A_1533, %dma_wait3A_1534] : memref<16x1000000xf32, #tpu.memory_space<hbm>> -> memref<16x128xf32, #tpu.memory_space<hbm>>
      tpu.wait_dma2 semaphore(%arg62 : memref<!tpu.dma_semaphore, #tpu.memory_space<semaphore_mem>>) src(%dma_wait3A_1535 : memref<16x128xf32, #tpu.memory_space<hbm>>) dst(%arg50 : memref<16x128xf32, #tpu.memory_space<vmem>>)
      %dma_wait3A_1536 = arith.constant 0 : i32
      %dma_wait3A_1537 = arith.constant 0 : i32
      %dma_wait3A_1538 = tpu.memref_slice %arg6[%dma_wait3A_1536, %dma_wait3A_1537] : memref<16x1000000xf32, #tpu.memory_space<hbm>> -> memref<16x128xf32, #tpu.memory_space<hbm>>
      %dma_wait3A_1539 = arith.constant 0 : i32
      %dma_wait3A_1540 = arith.constant 0 : i32
      %dma_wait3A_1541 = tpu.memref_slice %arg6[%dma_wait3A_1539, %dma_wait3A_1540] : memref<16x1000000xf32, #tpu.memory_space<hbm>> -> memref<16x128xf32, #tpu.memory_space<hbm>>
      tpu.wait_dma2 semaphore(%arg62 : memref<!tpu.dma_semaphore, #tpu.memory_space<semaphore_mem>>) src(%dma_wait3A_1541 : memref<16x128xf32, #tpu.memory_space<hbm>>) dst(%arg58 : memref<16x128xf32, #tpu.memory_space<vmem>>)
      %dma_wait3A_1542 = arith.constant 0 : i32
      %dma_wait3A_1543 = arith.constant 0 : i32
      %dma_wait3A_1544 = tpu.memref_slice %arg5[%dma_wait3A_1542, %dma_wait3A_1543] : memref<16x1000000xf32, #tpu.memory_space<hbm>> -> memref<16x128xf32, #tpu.memory_space<hbm>>
      %dma_wait3A_1545 = arith.constant 0 : i32
      %dma_wait3A_1546 = arith.constant 0 : i32
      %dma_wait3A_1547 = tpu.memref_slice %arg5[%dma_wait3A_1545, %dma_wait3A_1546] : memref<16x1000000xf32, #tpu.memory_space<hbm>> -> memref<16x128xf32, #tpu.memory_space<hbm>>
      tpu.wait_dma2 semaphore(%arg62 : memref<!tpu.dma_semaphore, #tpu.memory_space<semaphore_mem>>) src(%dma_wait3A_1547 : memref<16x128xf32, #tpu.memory_space<hbm>>) dst(%arg51 : memref<16x128xf32, #tpu.memory_space<vmem>>)
      %dma_wait3A_1548 = arith.constant 0 : i32
      %dma_wait3A_1549 = arith.constant 0 : i32
      %dma_wait3A_1550 = tpu.memref_slice %arg6[%dma_wait3A_1548, %dma_wait3A_1549] : memref<16x1000000xf32, #tpu.memory_space<hbm>> -> memref<16x128xf32, #tpu.memory_space<hbm>>
      %dma_wait3A_1551 = arith.constant 0 : i32
      %dma_wait3A_1552 = arith.constant 0 : i32
      %dma_wait3A_1553 = tpu.memref_slice %arg6[%dma_wait3A_1551, %dma_wait3A_1552] : memref<16x1000000xf32, #tpu.memory_space<hbm>> -> memref<16x128xf32, #tpu.memory_space<hbm>>
      tpu.wait_dma2 semaphore(%arg62 : memref<!tpu.dma_semaphore, #tpu.memory_space<semaphore_mem>>) src(%dma_wait3A_1553 : memref<16x128xf32, #tpu.memory_space<hbm>>) dst(%arg59 : memref<16x128xf32, #tpu.memory_space<vmem>>)
      %mul3A_1554 = arith.constant 8 : i32
      %mul3A_1555 = arith.muli %add3A_1446, %mul3A_1554 : i32
      %add3A_1556 = arith.constant 0 : i32
      %add3A_1557 = arith.addi %mul3A_1555, %add3A_1556 : i32
      %broadcast_in_dim3A_1558 = vector.broadcast %add3A_1557 : i32 to vector<16xi32>
      %slice3A_1559 = vector.extract_strided_slice %and3A_1453 {offsets = [0], sizes = [1], strides = [1]} : vector<16xi32> to vector<1xi32>
      %squeeze3A_1560 = vector.extract %slice3A_1559[0] : i32 from vector<1xi32>
      %broadcast_in_dim3A_1561 = vector.broadcast %squeeze3A_1560 : i32 to vector<16xi32>
      %slice3A_1562 = vector.extract_strided_slice %get3A_1457 {offsets = [0], sizes = [1], strides = [1]} : vector<16xf32> to vector<1xf32>
      %squeeze3A_1563 = vector.extract %slice3A_1562[0] : f32 from vector<1xf32>
      %broadcast_in_dim3A_1564 = vector.broadcast %squeeze3A_1563 : f32 to vector<16xf32>
      %gather3A_1565 = tpu.vector_load_idx %arg44[%iota3A, %broadcast_in_dim3A_1561] : memref<16x128xf32, #tpu.memory_space<vmem>>[vector<16xi32>, vector<16xi32>], vector<16xf32>,
      %gather3A_1566 = tpu.vector_load_idx %arg52[%iota3A, %broadcast_in_dim3A_1561] : memref<16x128xf32, #tpu.memory_space<vmem>>[vector<16xi32>, vector<16xi32>], vector<16xf32>,
      %gather3A_1567 = tpu.vector_load_idx %arg9[%iota3A, %broadcast_in_dim3A_1558] : memref<16x512xf32, #tpu.memory_space<vmem>>[vector<16xi32>, vector<16xi32>], vector<16xf32>,
      %exp3A_1568 = math.exp %gather3A_1566 : vector<16xf32>
      %mul3A_1569 = arith.mulf %exp3A_1568, %gather3A_1567 : vector<16xf32>
      %add3A_1570 = arith.addf %gather3A_1565, %mul3A_1569 : vector<16xf32>
      %mul3A_1571 = arith.mulf %add3A_1570, %broadcast_in_dim3A_1564 : vector<16xf32>
      tpu.vector_store_idx %arg11[%iota3A, %broadcast_in_dim3A_1558], %mul3A_1571 : memref<16x512xf32, #tpu.memory_space<vmem>>[vector<16xi32>, vector<16xi32>], vector<16xf32>,
      %mul3A_1572 = arith.constant 8 : i32
      %mul3A_1573 = arith.muli %add3A_1446, %mul3A_1572 : i32
      %add3A_1574 = arith.constant 1 : i32
      %add3A_1575 = arith.addi %mul3A_1573, %add3A_1574 : i32
      %broadcast_in_dim3A_1576 = vector.broadcast %add3A_1575 : i32 to vector<16xi32>
      %slice3A_1577 = vector.extract_strided_slice %and3A_1453 {offsets = [1], sizes = [1], strides = [1]} : vector<16xi32> to vector<1xi32>
      %squeeze3A_1578 = vector.extract %slice3A_1577[0] : i32 from vector<1xi32>
      %broadcast_in_dim3A_1579 = vector.broadcast %squeeze3A_1578 : i32 to vector<16xi32>
      %slice3A_1580 = vector.extract_strided_slice %get3A_1457 {offsets = [1], sizes = [1], strides = [1]} : vector<16xf32> to vector<1xf32>
      %squeeze3A_1581 = vector.extract %slice3A_1580[0] : f32 from vector<1xf32>
      %broadcast_in_dim3A_1582 = vector.broadcast %squeeze3A_1581 : f32 to vector<16xf32>
      %gather3A_1583 = tpu.vector_load_idx %arg45[%iota3A, %broadcast_in_dim3A_1579] : memref<16x128xf32, #tpu.memory_space<vmem>>[vector<16xi32>, vector<16xi32>], vector<16xf32>,
      %gather3A_1584 = tpu.vector_load_idx %arg53[%iota3A, %broadcast_in_dim3A_1579] : memref<16x128xf32, #tpu.memory_space<vmem>>[vector<16xi32>, vector<16xi32>], vector<16xf32>,
      %gather3A_1585 = tpu.vector_load_idx %arg9[%iota3A, %broadcast_in_dim3A_1576] : memref<16x512xf32, #tpu.memory_space<vmem>>[vector<16xi32>, vector<16xi32>], vector<16xf32>,
      %exp3A_1586 = math.exp %gather3A_1584 : vector<16xf32>
      %mul3A_1587 = arith.mulf %exp3A_1586, %gather3A_1585 : vector<16xf32>
      %add3A_1588 = arith.addf %gather3A_1583, %mul3A_1587 : vector<16xf32>
      %mul3A_1589 = arith.mulf %add3A_1588, %broadcast_in_dim3A_1582 : vector<16xf32>
      tpu.vector_store_idx %arg11[%iota3A, %broadcast_in_dim3A_1576], %mul3A_1589 : memref<16x512xf32, #tpu.memory_space<vmem>>[vector<16xi32>, vector<16xi32>], vector<16xf32>,
      %mul3A_1590 = arith.constant 8 : i32
      %mul3A_1591 = arith.muli %add3A_1446, %mul3A_1590 : i32
      %add3A_1592 = arith.constant 2 : i32
      %add3A_1593 = arith.addi %mul3A_1591, %add3A_1592 : i32
      %broadcast_in_dim3A_1594 = vector.broadcast %add3A_1593 : i32 to vector<16xi32>
      %slice3A_1595 = vector.extract_strided_slice %and3A_1453 {offsets = [2], sizes = [1], strides = [1]} : vector<16xi32> to vector<1xi32>
      %squeeze3A_1596 = vector.extract %slice3A_1595[0] : i32 from vector<1xi32>
      %broadcast_in_dim3A_1597 = vector.broadcast %squeeze3A_1596 : i32 to vector<16xi32>
      %slice3A_1598 = vector.extract_strided_slice %get3A_1457 {offsets = [2], sizes = [1], strides = [1]} : vector<16xf32> to vector<1xf32>
      %squeeze3A_1599 = vector.extract %slice3A_1598[0] : f32 from vector<1xf32>
      %broadcast_in_dim3A_1600 = vector.broadcast %squeeze3A_1599 : f32 to vector<16xf32>
      %gather3A_1601 = tpu.vector_load_idx %arg46[%iota3A, %broadcast_in_dim3A_1597] : memref<16x128xf32, #tpu.memory_space<vmem>>[vector<16xi32>, vector<16xi32>], vector<16xf32>,
      %gather3A_1602 = tpu.vector_load_idx %arg54[%iota3A, %broadcast_in_dim3A_1597] : memref<16x128xf32, #tpu.memory_space<vmem>>[vector<16xi32>, vector<16xi32>], vector<16xf32>,
      %gather3A_1603 = tpu.vector_load_idx %arg9[%iota3A, %broadcast_in_dim3A_1594] : memref<16x512xf32, #tpu.memory_space<vmem>>[vector<16xi32>, vector<16xi32>], vector<16xf32>,
      %exp3A_1604 = math.exp %gather3A_1602 : vector<16xf32>
      %mul3A_1605 = arith.mulf %exp3A_1604, %gather3A_1603 : vector<16xf32>
      %add3A_1606 = arith.addf %gather3A_1601, %mul3A_1605 : vector<16xf32>
      %mul3A_1607 = arith.mulf %add3A_1606, %broadcast_in_dim3A_1600 : vector<16xf32>
      tpu.vector_store_idx %arg11[%iota3A, %broadcast_in_dim3A_1594], %mul3A_1607 : memref<16x512xf32, #tpu.memory_space<vmem>>[vector<16xi32>, vector<16xi32>], vector<16xf32>,
      %mul3A_1608 = arith.constant 8 : i32
      %mul3A_1609 = arith.muli %add3A_1446, %mul3A_1608 : i32
      %add3A_1610 = arith.constant 3 : i32
      %add3A_1611 = arith.addi %mul3A_1609, %add3A_1610 : i32
      %broadcast_in_dim3A_1612 = vector.broadcast %add3A_1611 : i32 to vector<16xi32>
      %slice3A_1613 = vector.extract_strided_slice %and3A_1453 {offsets = [3], sizes = [1], strides = [1]} : vector<16xi32> to vector<1xi32>
      %squeeze3A_1614 = vector.extract %slice3A_1613[0] : i32 from vector<1xi32>
      %broadcast_in_dim3A_1615 = vector.broadcast %squeeze3A_1614 : i32 to vector<16xi32>
      %slice3A_1616 = vector.extract_strided_slice %get3A_1457 {offsets = [3], sizes = [1], strides = [1]} : vector<16xf32> to vector<1xf32>
      %squeeze3A_1617 = vector.extract %slice3A_1616[0] : f32 from vector<1xf32>
      %broadcast_in_dim3A_1618 = vector.broadcast %squeeze3A_1617 : f32 to vector<16xf32>
      %gather3A_1619 = tpu.vector_load_idx %arg47[%iota3A, %broadcast_in_dim3A_1615] : memref<16x128xf32, #tpu.memory_space<vmem>>[vector<16xi32>, vector<16xi32>], vector<16xf32>,
      %gather3A_1620 = tpu.vector_load_idx %arg55[%iota3A, %broadcast_in_dim3A_1615] : memref<16x128xf32, #tpu.memory_space<vmem>>[vector<16xi32>, vector<16xi32>], vector<16xf32>,
      %gather3A_1621 = tpu.vector_load_idx %arg9[%iota3A, %broadcast_in_dim3A_1612] : memref<16x512xf32, #tpu.memory_space<vmem>>[vector<16xi32>, vector<16xi32>], vector<16xf32>,
      %exp3A_1622 = math.exp %gather3A_1620 : vector<16xf32>
      %mul3A_1623 = arith.mulf %exp3A_1622, %gather3A_1621 : vector<16xf32>
      %add3A_1624 = arith.addf %gather3A_1619, %mul3A_1623 : vector<16xf32>
      %mul3A_1625 = arith.mulf %add3A_1624, %broadcast_in_dim3A_1618 : vector<16xf32>
      tpu.vector_store_idx %arg11[%iota3A, %broadcast_in_dim3A_1612], %mul3A_1625 : memref<16x512xf32, #tpu.memory_space<vmem>>[vector<16xi32>, vector<16xi32>], vector<16xf32>,
      %mul3A_1626 = arith.constant 8 : i32
      %mul3A_1627 = arith.muli %add3A_1446, %mul3A_1626 : i32
      %add3A_1628 = arith.constant 4 : i32
      %add3A_1629 = arith.addi %mul3A_1627, %add3A_1628 : i32
      %broadcast_in_dim3A_1630 = vector.broadcast %add3A_1629 : i32 to vector<16xi32>
      %slice3A_1631 = vector.extract_strided_slice %and3A_1453 {offsets = [4], sizes = [1], strides = [1]} : vector<16xi32> to vector<1xi32>
      %squeeze3A_1632 = vector.extract %slice3A_1631[0] : i32 from vector<1xi32>
      %broadcast_in_dim3A_1633 = vector.broadcast %squeeze3A_1632 : i32 to vector<16xi32>
      %slice3A_1634 = vector.extract_strided_slice %get3A_1457 {offsets = [4], sizes = [1], strides = [1]} : vector<16xf32> to vector<1xf32>
      %squeeze3A_1635 = vector.extract %slice3A_1634[0] : f32 from vector<1xf32>
      %broadcast_in_dim3A_1636 = vector.broadcast %squeeze3A_1635 : f32 to vector<16xf32>
      %gather3A_1637 = tpu.vector_load_idx %arg48[%iota3A, %broadcast_in_dim3A_1633] : memref<16x128xf32, #tpu.memory_space<vmem>>[vector<16xi32>, vector<16xi32>], vector<16xf32>,
      %gather3A_1638 = tpu.vector_load_idx %arg56[%iota3A, %broadcast_in_dim3A_1633] : memref<16x128xf32, #tpu.memory_space<vmem>>[vector<16xi32>, vector<16xi32>], vector<16xf32>,
      %gather3A_1639 = tpu.vector_load_idx %arg9[%iota3A, %broadcast_in_dim3A_1630] : memref<16x512xf32, #tpu.memory_space<vmem>>[vector<16xi32>, vector<16xi32>], vector<16xf32>,
      %exp3A_1640 = math.exp %gather3A_1638 : vector<16xf32>
      %mul3A_1641 = arith.mulf %exp3A_1640, %gather3A_1639 : vector<16xf32>
      %add3A_1642 = arith.addf %gather3A_1637, %mul3A_1641 : vector<16xf32>
      %mul3A_1643 = arith.mulf %add3A_1642, %broadcast_in_dim3A_1636 : vector<16xf32>
      tpu.vector_store_idx %arg11[%iota3A, %broadcast_in_dim3A_1630], %mul3A_1643 : memref<16x512xf32, #tpu.memory_space<vmem>>[vector<16xi32>, vector<16xi32>], vector<16xf32>,
      %mul3A_1644 = arith.constant 8 : i32
      %mul3A_1645 = arith.muli %add3A_1446, %mul3A_1644 : i32
      %add3A_1646 = arith.constant 5 : i32
      %add3A_1647 = arith.addi %mul3A_1645, %add3A_1646 : i32
      %broadcast_in_dim3A_1648 = vector.broadcast %add3A_1647 : i32 to vector<16xi32>
      %slice3A_1649 = vector.extract_strided_slice %and3A_1453 {offsets = [5], sizes = [1], strides = [1]} : vector<16xi32> to vector<1xi32>
      %squeeze3A_1650 = vector.extract %slice3A_1649[0] : i32 from vector<1xi32>
      %broadcast_in_dim3A_1651 = vector.broadcast %squeeze3A_1650 : i32 to vector<16xi32>
      %slice3A_1652 = vector.extract_strided_slice %get3A_1457 {offsets = [5], sizes = [1], strides = [1]} : vector<16xf32> to vector<1xf32>
      %squeeze3A_1653 = vector.extract %slice3A_1652[0] : f32 from vector<1xf32>
      %broadcast_in_dim3A_1654 = vector.broadcast %squeeze3A_1653 : f32 to vector<16xf32>
      %gather3A_1655 = tpu.vector_load_idx %arg49[%iota3A, %broadcast_in_dim3A_1651] : memref<16x128xf32, #tpu.memory_space<vmem>>[vector<16xi32>, vector<16xi32>], vector<16xf32>,
      %gather3A_1656 = tpu.vector_load_idx %arg57[%iota3A, %broadcast_in_dim3A_1651] : memref<16x128xf32, #tpu.memory_space<vmem>>[vector<16xi32>, vector<16xi32>], vector<16xf32>,
      %gather3A_1657 = tpu.vector_load_idx %arg9[%iota3A, %broadcast_in_dim3A_1648] : memref<16x512xf32, #tpu.memory_space<vmem>>[vector<16xi32>, vector<16xi32>], vector<16xf32>,
      %exp3A_1658 = math.exp %gather3A_1656 : vector<16xf32>
      %mul3A_1659 = arith.mulf %exp3A_1658, %gather3A_1657 : vector<16xf32>
      %add3A_1660 = arith.addf %gather3A_1655, %mul3A_1659 : vector<16xf32>
      %mul3A_1661 = arith.mulf %add3A_1660, %broadcast_in_dim3A_1654 : vector<16xf32>
      tpu.vector_store_idx %arg11[%iota3A, %broadcast_in_dim3A_1648], %mul3A_1661 : memref<16x512xf32, #tpu.memory_space<vmem>>[vector<16xi32>, vector<16xi32>], vector<16xf32>,
      %mul3A_1662 = arith.constant 8 : i32
      %mul3A_1663 = arith.muli %add3A_1446, %mul3A_1662 : i32
      %add3A_1664 = arith.constant 6 : i32
      %add3A_1665 = arith.addi %mul3A_1663, %add3A_1664 : i32
      %broadcast_in_dim3A_1666 = vector.broadcast %add3A_1665 : i32 to vector<16xi32>
      %slice3A_1667 = vector.extract_strided_slice %and3A_1453 {offsets = [6], sizes = [1], strides = [1]} : vector<16xi32> to vector<1xi32>
      %squeeze3A_1668 = vector.extract %slice3A_1667[0] : i32 from vector<1xi32>
      %broadcast_in_dim3A_1669 = vector.broadcast %squeeze3A_1668 : i32 to vector<16xi32>
      %slice3A_1670 = vector.extract_strided_slice %get3A_1457 {offsets = [6], sizes = [1], strides = [1]} : vector<16xf32> to vector<1xf32>
      %squeeze3A_1671 = vector.extract %slice3A_1670[0] : f32 from vector<1xf32>
      %broadcast_in_dim3A_1672 = vector.broadcast %squeeze3A_1671 : f32 to vector<16xf32>
      %gather3A_1673 = tpu.vector_load_idx %arg50[%iota3A, %broadcast_in_dim3A_1669] : memref<16x128xf32, #tpu.memory_space<vmem>>[vector<16xi32>, vector<16xi32>], vector<16xf32>,
      %gather3A_1674 = tpu.vector_load_idx %arg58[%iota3A, %broadcast_in_dim3A_1669] : memref<16x128xf32, #tpu.memory_space<vmem>>[vector<16xi32>, vector<16xi32>], vector<16xf32>,
      %gather3A_1675 = tpu.vector_load_idx %arg9[%iota3A, %broadcast_in_dim3A_1666] : memref<16x512xf32, #tpu.memory_space<vmem>>[vector<16xi32>, vector<16xi32>], vector<16xf32>,
      %exp3A_1676 = math.exp %gather3A_1674 : vector<16xf32>
      %mul3A_1677 = arith.mulf %exp3A_1676, %gather3A_1675 : vector<16xf32>
      %add3A_1678 = arith.addf %gather3A_1673, %mul3A_1677 : vector<16xf32>
      %mul3A_1679 = arith.mulf %add3A_1678, %broadcast_in_dim3A_1672 : vector<16xf32>
      tpu.vector_store_idx %arg11[%iota3A, %broadcast_in_dim3A_1666], %mul3A_1679 : memref<16x512xf32, #tpu.memory_space<vmem>>[vector<16xi32>, vector<16xi32>], vector<16xf32>,
      %mul3A_1680 = arith.constant 8 : i32
      %mul3A_1681 = arith.muli %add3A_1446, %mul3A_1680 : i32
      %add3A_1682 = arith.constant 7 : i32
      %add3A_1683 = arith.addi %mul3A_1681, %add3A_1682 : i32
      %broadcast_in_dim3A_1684 = vector.broadcast %add3A_1683 : i32 to vector<16xi32>
      %slice3A_1685 = vector.extract_strided_slice %and3A_1453 {offsets = [7], sizes = [1], strides = [1]} : vector<16xi32> to vector<1xi32>
      %squeeze3A_1686 = vector.extract %slice3A_1685[0] : i32 from vector<1xi32>
      %broadcast_in_dim3A_1687 = vector.broadcast %squeeze3A_1686 : i32 to vector<16xi32>
      %slice3A_1688 = vector.extract_strided_slice %get3A_1457 {offsets = [7], sizes = [1], strides = [1]} : vector<16xf32> to vector<1xf32>
      %squeeze3A_1689 = vector.extract %slice3A_1688[0] : f32 from vector<1xf32>
      %broadcast_in_dim3A_1690 = vector.broadcast %squeeze3A_1689 : f32 to vector<16xf32>
      %gather3A_1691 = tpu.vector_load_idx %arg51[%iota3A, %broadcast_in_dim3A_1687] : memref<16x128xf32, #tpu.memory_space<vmem>>[vector<16xi32>, vector<16xi32>], vector<16xf32>,
      %gather3A_1692 = tpu.vector_load_idx %arg59[%iota3A, %broadcast_in_dim3A_1687] : memref<16x128xf32, #tpu.memory_space<vmem>>[vector<16xi32>, vector<16xi32>], vector<16xf32>,
      %gather3A_1693 = tpu.vector_load_idx %arg9[%iota3A, %broadcast_in_dim3A_1684] : memref<16x512xf32, #tpu.memory_space<vmem>>[vector<16xi32>, vector<16xi32>], vector<16xf32>,
      %exp3A_1694 = math.exp %gather3A_1692 : vector<16xf32>
      %mul3A_1695 = arith.mulf %exp3A_1694, %gather3A_1693 : vector<16xf32>
      %add3A_1696 = arith.addf %gather3A_1691, %mul3A_1695 : vector<16xf32>
      %mul3A_1697 = arith.mulf %add3A_1696, %broadcast_in_dim3A_1690 : vector<16xf32>
      tpu.vector_store_idx %arg11[%iota3A, %broadcast_in_dim3A_1684], %mul3A_1697 : memref<16x512xf32, #tpu.memory_space<vmem>>[vector<16xi32>, vector<16xi32>], vector<16xf32>,
    }
    %scan3A_244 = arith.constant 21 : i32
    %get3A_245 = arith.constant 504 : index
    %get3A_246 = tpu.vector_load %arg8[%get3A_245] {strides = array<i32>} : memref<528xi32, #tpu.memory_space<vmem>>, vector<16xi32>,
    %and3A = arith.constant 127 : i32
    %and3A_247 = vector.broadcast %and3A : i32 to vector<16xi32>
    %and3A_248 = arith.andi %get3A_246, %and3A_247 : vector<16xi32>
    %get3A_249 = arith.constant 504 : index
    %get3A_250 = tpu.vector_load %arg10[%get3A_249] {strides = array<i32>} : memref<528xf32, #tpu.memory_space<vmem>>, vector<16xf32>,
    %dma_wait3A = arith.constant 0 : i32
    %dma_wait3A_251 = arith.constant 0 : i32
    %dma_wait3A_252 = tpu.memref_slice %arg5[%dma_wait3A, %dma_wait3A_251] : memref<16x1000000xf32, #tpu.memory_space<hbm>> -> memref<16x128xf32, #tpu.memory_space<hbm>>
    %dma_wait3A_253 = arith.constant 0 : i32
    %dma_wait3A_254 = arith.constant 0 : i32
    %dma_wait3A_255 = tpu.memref_slice %arg5[%dma_wait3A_253, %dma_wait3A_254] : memref<16x1000000xf32, #tpu.memory_space<hbm>> -> memref<16x128xf32, #tpu.memory_space<hbm>>
    tpu.wait_dma2 semaphore(%arg60 : memref<!tpu.dma_semaphore, #tpu.memory_space<semaphore_mem>>) src(%dma_wait3A_255 : memref<16x128xf32, #tpu.memory_space<hbm>>) dst(%arg12 : memref<16x128xf32, #tpu.memory_space<vmem>>)
    %dma_wait3A_256 = arith.constant 0 : i32
    %dma_wait3A_257 = arith.constant 0 : i32
    %dma_wait3A_258 = tpu.memref_slice %arg6[%dma_wait3A_256, %dma_wait3A_257] : memref<16x1000000xf32, #tpu.memory_space<hbm>> -> memref<16x128xf32, #tpu.memory_space<hbm>>
    %dma_wait3A_259 = arith.constant 0 : i32
    %dma_wait3A_260 = arith.constant 0 : i32
    %dma_wait3A_261 = tpu.memref_slice %arg6[%dma_wait3A_259, %dma_wait3A_260] : memref<16x1000000xf32, #tpu.memory_space<hbm>> -> memref<16x128xf32, #tpu.memory_space<hbm>>
    tpu.wait_dma2 semaphore(%arg60 : memref<!tpu.dma_semaphore, #tpu.memory_space<semaphore_mem>>) src(%dma_wait3A_261 : memref<16x128xf32, #tpu.memory_space<hbm>>) dst(%arg20 : memref<16x128xf32, #tpu.memory_space<vmem>>)
    %dma_wait3A_262 = arith.constant 0 : i32
    %dma_wait3A_263 = arith.constant 0 : i32
    %dma_wait3A_264 = tpu.memref_slice %arg5[%dma_wait3A_262, %dma_wait3A_263] : memref<16x1000000xf32, #tpu.memory_space<hbm>> -> memref<16x128xf32, #tpu.memory_space<hbm>>
    %dma_wait3A_265 = arith.constant 0 : i32
    %dma_wait3A_266 = arith.constant 0 : i32
    %dma_wait3A_267 = tpu.memref_slice %arg5[%dma_wait3A_265, %dma_wait3A_266] : memref<16x1000000xf32, #tpu.memory_space<hbm>> -> memref<16x128xf32, #tpu.memory_space<hbm>>
    tpu.wait_dma2 semaphore(%arg60 : memref<!tpu.dma_semaphore, #tpu.memory_space<semaphore_mem>>) src(%dma_wait3A_267 : memref<16x128xf32, #tpu.memory_space<hbm>>) dst(%arg13 : memref<16x128xf32, #tpu.memory_space<vmem>>)
    %dma_wait3A_268 = arith.constant 0 : i32
    %dma_wait3A_269 = arith.constant 0 : i32
    %dma_wait3A_270 = tpu.memref_slice %arg6[%dma_wait3A_268, %dma_wait3A_269] : memref<16x1000000xf32, #tpu.memory_space<hbm>> -> memref<16x128xf32, #tpu.memory_space<hbm>>
    %dma_wait3A_271 = arith.constant 0 : i32
    %dma_wait3A_272 = arith.constant 0 : i32
    %dma_wait3A_273 = tpu.memref_slice %arg6[%dma_wait3A_271, %dma_wait3A_272] : memref<16x1000000xf32, #tpu.memory_space<hbm>> -> memref<16x128xf32, #tpu.memory_space<hbm>>
    tpu.wait_dma2 semaphore(%arg60 : memref<!tpu.dma_semaphore, #tpu.memory_space<semaphore_mem>>) src(%dma_wait3A_273 : memref<16x128xf32, #tpu.memory_space<hbm>>) dst(%arg21 : memref<16x128xf32, #tpu.memory_space<vmem>>)
    %dma_wait3A_274 = arith.constant 0 : i32
    %dma_wait3A_275 = arith.constant 0 : i32
    %dma_wait3A_276 = tpu.memref_slice %arg5[%dma_wait3A_274, %dma_wait3A_275] : memref<16x1000000xf32, #tpu.memory_space<hbm>> -> memref<16x128xf32, #tpu.memory_space<hbm>>
    %dma_wait3A_277 = arith.constant 0 : i32
    %dma_wait3A_278 = arith.constant 0 : i32
    %dma_wait3A_279 = tpu.memref_slice %arg5[%dma_wait3A_277, %dma_wait3A_278] : memref<16x1000000xf32, #tpu.memory_space<hbm>> -> memref<16x128xf32, #tpu.memory_space<hbm>>
    tpu.wait_dma2 semaphore(%arg60 : memref<!tpu.dma_semaphore, #tpu.memory_space<semaphore_mem>>) src(%dma_wait3A_279 : memref<16x128xf32, #tpu.memory_space<hbm>>) dst(%arg14 : memref<16x128xf32, #tpu.memory_space<vmem>>)
    %dma_wait3A_280 = arith.constant 0 : i32
    %dma_wait3A_281 = arith.constant 0 : i32
    %dma_wait3A_282 = tpu.memref_slice %arg6[%dma_wait3A_280, %dma_wait3A_281] : memref<16x1000000xf32, #tpu.memory_space<hbm>> -> memref<16x128xf32, #tpu.memory_space<hbm>>
    %dma_wait3A_283 = arith.constant 0 : i32
    %dma_wait3A_284 = arith.constant 0 : i32
    %dma_wait3A_285 = tpu.memref_slice %arg6[%dma_wait3A_283, %dma_wait3A_284] : memref<16x1000000xf32, #tpu.memory_space<hbm>> -> memref<16x128xf32, #tpu.memory_space<hbm>>
    tpu.wait_dma2 semaphore(%arg60 : memref<!tpu.dma_semaphore, #tpu.memory_space<semaphore_mem>>) src(%dma_wait3A_285 : memref<16x128xf32, #tpu.memory_space<hbm>>) dst(%arg22 : memref<16x128xf32, #tpu.memory_space<vmem>>)
    %dma_wait3A_286 = arith.constant 0 : i32
    %dma_wait3A_287 = arith.constant 0 : i32
    %dma_wait3A_288 = tpu.memref_slice %arg5[%dma_wait3A_286, %dma_wait3A_287] : memref<16x1000000xf32, #tpu.memory_space<hbm>> -> memref<16x128xf32, #tpu.memory_space<hbm>>
    %dma_wait3A_289 = arith.constant 0 : i32
    %dma_wait3A_290 = arith.constant 0 : i32
    %dma_wait3A_291 = tpu.memref_slice %arg5[%dma_wait3A_289, %dma_wait3A_290] : memref<16x1000000xf32, #tpu.memory_space<hbm>> -> memref<16x128xf32, #tpu.memory_space<hbm>>
    tpu.wait_dma2 semaphore(%arg60 : memref<!tpu.dma_semaphore, #tpu.memory_space<semaphore_mem>>) src(%dma_wait3A_291 : memref<16x128xf32, #tpu.memory_space<hbm>>) dst(%arg15 : memref<16x128xf32, #tpu.memory_space<vmem>>)
    %dma_wait3A_292 = arith.constant 0 : i32
    %dma_wait3A_293 = arith.constant 0 : i32
    %dma_wait3A_294 = tpu.memref_slice %arg6[%dma_wait3A_292, %dma_wait3A_293] : memref<16x1000000xf32, #tpu.memory_space<hbm>> -> memref<16x128xf32, #tpu.memory_space<hbm>>
    %dma_wait3A_295 = arith.constant 0 : i32
    %dma_wait3A_296 = arith.constant 0 : i32
    %dma_wait3A_297 = tpu.memref_slice %arg6[%dma_wait3A_295, %dma_wait3A_296] : memref<16x1000000xf32, #tpu.memory_space<hbm>> -> memref<16x128xf32, #tpu.memory_space<hbm>>
    tpu.wait_dma2 semaphore(%arg60 : memref<!tpu.dma_semaphore, #tpu.memory_space<semaphore_mem>>) src(%dma_wait3A_297 : memref<16x128xf32, #tpu.memory_space<hbm>>) dst(%arg23 : memref<16x128xf32, #tpu.memory_space<vmem>>)
    %dma_wait3A_298 = arith.constant 0 : i32
    %dma_wait3A_299 = arith.constant 0 : i32
    %dma_wait3A_300 = tpu.memref_slice %arg5[%dma_wait3A_298, %dma_wait3A_299] : memref<16x1000000xf32, #tpu.memory_space<hbm>> -> memref<16x128xf32, #tpu.memory_space<hbm>>
    %dma_wait3A_301 = arith.constant 0 : i32
    %dma_wait3A_302 = arith.constant 0 : i32
    %dma_wait3A_303 = tpu.memref_slice %arg5[%dma_wait3A_301, %dma_wait3A_302] : memref<16x1000000xf32, #tpu.memory_space<hbm>> -> memref<16x128xf32, #tpu.memory_space<hbm>>
    tpu.wait_dma2 semaphore(%arg60 : memref<!tpu.dma_semaphore, #tpu.memory_space<semaphore_mem>>) src(%dma_wait3A_303 : memref<16x128xf32, #tpu.memory_space<hbm>>) dst(%arg16 : memref<16x128xf32, #tpu.memory_space<vmem>>)
    %dma_wait3A_304 = arith.constant 0 : i32
    %dma_wait3A_305 = arith.constant 0 : i32
    %dma_wait3A_306 = tpu.memref_slice %arg6[%dma_wait3A_304, %dma_wait3A_305] : memref<16x1000000xf32, #tpu.memory_space<hbm>> -> memref<16x128xf32, #tpu.memory_space<hbm>>
    %dma_wait3A_307 = arith.constant 0 : i32
    %dma_wait3A_308 = arith.constant 0 : i32
    %dma_wait3A_309 = tpu.memref_slice %arg6[%dma_wait3A_307, %dma_wait3A_308] : memref<16x1000000xf32, #tpu.memory_space<hbm>> -> memref<16x128xf32, #tpu.memory_space<hbm>>
    tpu.wait_dma2 semaphore(%arg60 : memref<!tpu.dma_semaphore, #tpu.memory_space<semaphore_mem>>) src(%dma_wait3A_309 : memref<16x128xf32, #tpu.memory_space<hbm>>) dst(%arg24 : memref<16x128xf32, #tpu.memory_space<vmem>>)
    %dma_wait3A_310 = arith.constant 0 : i32
    %dma_wait3A_311 = arith.constant 0 : i32
    %dma_wait3A_312 = tpu.memref_slice %arg5[%dma_wait3A_310, %dma_wait3A_311] : memref<16x1000000xf32, #tpu.memory_space<hbm>> -> memref<16x128xf32, #tpu.memory_space<hbm>>
    %dma_wait3A_313 = arith.constant 0 : i32
    %dma_wait3A_314 = arith.constant 0 : i32
    %dma_wait3A_315 = tpu.memref_slice %arg5[%dma_wait3A_313, %dma_wait3A_314] : memref<16x1000000xf32, #tpu.memory_space<hbm>> -> memref<16x128xf32, #tpu.memory_space<hbm>>
    tpu.wait_dma2 semaphore(%arg60 : memref<!tpu.dma_semaphore, #tpu.memory_space<semaphore_mem>>) src(%dma_wait3A_315 : memref<16x128xf32, #tpu.memory_space<hbm>>) dst(%arg17 : memref<16x128xf32, #tpu.memory_space<vmem>>)
    %dma_wait3A_316 = arith.constant 0 : i32
    %dma_wait3A_317 = arith.constant 0 : i32
    %dma_wait3A_318 = tpu.memref_slice %arg6[%dma_wait3A_316, %dma_wait3A_317] : memref<16x1000000xf32, #tpu.memory_space<hbm>> -> memref<16x128xf32, #tpu.memory_space<hbm>>
    %dma_wait3A_319 = arith.constant 0 : i32
    %dma_wait3A_320 = arith.constant 0 : i32
    %dma_wait3A_321 = tpu.memref_slice %arg6[%dma_wait3A_319, %dma_wait3A_320] : memref<16x1000000xf32, #tpu.memory_space<hbm>> -> memref<16x128xf32, #tpu.memory_space<hbm>>
    tpu.wait_dma2 semaphore(%arg60 : memref<!tpu.dma_semaphore, #tpu.memory_space<semaphore_mem>>) src(%dma_wait3A_321 : memref<16x128xf32, #tpu.memory_space<hbm>>) dst(%arg25 : memref<16x128xf32, #tpu.memory_space<vmem>>)
    %dma_wait3A_322 = arith.constant 0 : i32
    %dma_wait3A_323 = arith.constant 0 : i32
    %dma_wait3A_324 = tpu.memref_slice %arg5[%dma_wait3A_322, %dma_wait3A_323] : memref<16x1000000xf32, #tpu.memory_space<hbm>> -> memref<16x128xf32, #tpu.memory_space<hbm>>
    %dma_wait3A_325 = arith.constant 0 : i32
    %dma_wait3A_326 = arith.constant 0 : i32
    %dma_wait3A_327 = tpu.memref_slice %arg5[%dma_wait3A_325, %dma_wait3A_326] : memref<16x1000000xf32, #tpu.memory_space<hbm>> -> memref<16x128xf32, #tpu.memory_space<hbm>>
    tpu.wait_dma2 semaphore(%arg60 : memref<!tpu.dma_semaphore, #tpu.memory_space<semaphore_mem>>) src(%dma_wait3A_327 : memref<16x128xf32, #tpu.memory_space<hbm>>) dst(%arg18 : memref<16x128xf32, #tpu.memory_space<vmem>>)
    %dma_wait3A_328 = arith.constant 0 : i32
    %dma_wait3A_329 = arith.constant 0 : i32
    %dma_wait3A_330 = tpu.memref_slice %arg6[%dma_wait3A_328, %dma_wait3A_329] : memref<16x1000000xf32, #tpu.memory_space<hbm>> -> memref<16x128xf32, #tpu.memory_space<hbm>>
    %dma_wait3A_331 = arith.constant 0 : i32
    %dma_wait3A_332 = arith.constant 0 : i32
    %dma_wait3A_333 = tpu.memref_slice %arg6[%dma_wait3A_331, %dma_wait3A_332] : memref<16x1000000xf32, #tpu.memory_space<hbm>> -> memref<16x128xf32, #tpu.memory_space<hbm>>
    tpu.wait_dma2 semaphore(%arg60 : memref<!tpu.dma_semaphore, #tpu.memory_space<semaphore_mem>>) src(%dma_wait3A_333 : memref<16x128xf32, #tpu.memory_space<hbm>>) dst(%arg26 : memref<16x128xf32, #tpu.memory_space<vmem>>)
    %dma_wait3A_334 = arith.constant 0 : i32
    %dma_wait3A_335 = arith.constant 0 : i32
    %dma_wait3A_336 = tpu.memref_slice %arg5[%dma_wait3A_334, %dma_wait3A_335] : memref<16x1000000xf32, #tpu.memory_space<hbm>> -> memref<16x128xf32, #tpu.memory_space<hbm>>
    %dma_wait3A_337 = arith.constant 0 : i32
    %dma_wait3A_338 = arith.constant 0 : i32
    %dma_wait3A_339 = tpu.memref_slice %arg5[%dma_wait3A_337, %dma_wait3A_338] : memref<16x1000000xf32, #tpu.memory_space<hbm>> -> memref<16x128xf32, #tpu.memory_space<hbm>>
    tpu.wait_dma2 semaphore(%arg60 : memref<!tpu.dma_semaphore, #tpu.memory_space<semaphore_mem>>) src(%dma_wait3A_339 : memref<16x128xf32, #tpu.memory_space<hbm>>) dst(%arg19 : memref<16x128xf32, #tpu.memory_space<vmem>>)
    %dma_wait3A_340 = arith.constant 0 : i32
    %dma_wait3A_341 = arith.constant 0 : i32
    %dma_wait3A_342 = tpu.memref_slice %arg6[%dma_wait3A_340, %dma_wait3A_341] : memref<16x1000000xf32, #tpu.memory_space<hbm>> -> memref<16x128xf32, #tpu.memory_space<hbm>>
    %dma_wait3A_343 = arith.constant 0 : i32
    %dma_wait3A_344 = arith.constant 0 : i32
    %dma_wait3A_345 = tpu.memref_slice %arg6[%dma_wait3A_343, %dma_wait3A_344] : memref<16x1000000xf32, #tpu.memory_space<hbm>> -> memref<16x128xf32, #tpu.memory_space<hbm>>
    tpu.wait_dma2 semaphore(%arg60 : memref<!tpu.dma_semaphore, #tpu.memory_space<semaphore_mem>>) src(%dma_wait3A_345 : memref<16x128xf32, #tpu.memory_space<hbm>>) dst(%arg27 : memref<16x128xf32, #tpu.memory_space<vmem>>)
    %broadcast_in_dim3A = arith.constant 504 : i32
    %broadcast_in_dim3A_346 = vector.broadcast %broadcast_in_dim3A : i32 to vector<16xi32>
    %slice3A_347 = vector.extract_strided_slice %and3A_248 {offsets = [0], sizes = [1], strides = [1]} : vector<16xi32> to vector<1xi32>
    %squeeze3A_348 = vector.extract %slice3A_347[0] : i32 from vector<1xi32>
    %broadcast_in_dim3A_349 = vector.broadcast %squeeze3A_348 : i32 to vector<16xi32>
    %slice3A_350 = vector.extract_strided_slice %get3A_250 {offsets = [0], sizes = [1], strides = [1]} : vector<16xf32> to vector<1xf32>
    %squeeze3A_351 = vector.extract %slice3A_350[0] : f32 from vector<1xf32>
    %broadcast_in_dim3A_352 = vector.broadcast %squeeze3A_351 : f32 to vector<16xf32>
    %gather3A = tpu.vector_load_idx %arg12[%iota3A, %broadcast_in_dim3A_349] : memref<16x128xf32, #tpu.memory_space<vmem>>[vector<16xi32>, vector<16xi32>], vector<16xf32>,
    %gather3A_353 = tpu.vector_load_idx %arg20[%iota3A, %broadcast_in_dim3A_349] : memref<16x128xf32, #tpu.memory_space<vmem>>[vector<16xi32>, vector<16xi32>], vector<16xf32>,
    %gather3A_354 = tpu.vector_load_idx %arg9[%iota3A, %broadcast_in_dim3A_346] : memref<16x512xf32, #tpu.memory_space<vmem>>[vector<16xi32>, vector<16xi32>], vector<16xf32>,
    %exp3A = math.exp %gather3A_353 : vector<16xf32>
    %mul3A_355 = arith.mulf %exp3A, %gather3A_354 : vector<16xf32>
    %add3A_356 = arith.addf %gather3A, %mul3A_355 : vector<16xf32>
    %mul3A_357 = arith.mulf %add3A_356, %broadcast_in_dim3A_352 : vector<16xf32>
    tpu.vector_store_idx %arg11[%iota3A, %broadcast_in_dim3A_346], %mul3A_357 : memref<16x512xf32, #tpu.memory_space<vmem>>[vector<16xi32>, vector<16xi32>], vector<16xf32>,
    %broadcast_in_dim3A_358 = arith.constant 505 : i32
    %broadcast_in_dim3A_359 = vector.broadcast %broadcast_in_dim3A_358 : i32 to vector<16xi32>
    %slice3A_360 = vector.extract_strided_slice %and3A_248 {offsets = [1], sizes = [1], strides = [1]} : vector<16xi32> to vector<1xi32>
    %squeeze3A_361 = vector.extract %slice3A_360[0] : i32 from vector<1xi32>
    %broadcast_in_dim3A_362 = vector.broadcast %squeeze3A_361 : i32 to vector<16xi32>
    %slice3A_363 = vector.extract_strided_slice %get3A_250 {offsets = [1], sizes = [1], strides = [1]} : vector<16xf32> to vector<1xf32>
    %squeeze3A_364 = vector.extract %slice3A_363[0] : f32 from vector<1xf32>
    %broadcast_in_dim3A_365 = vector.broadcast %squeeze3A_364 : f32 to vector<16xf32>
    %gather3A_366 = tpu.vector_load_idx %arg13[%iota3A, %broadcast_in_dim3A_362] : memref<16x128xf32, #tpu.memory_space<vmem>>[vector<16xi32>, vector<16xi32>], vector<16xf32>,
    %gather3A_367 = tpu.vector_load_idx %arg21[%iota3A, %broadcast_in_dim3A_362] : memref<16x128xf32, #tpu.memory_space<vmem>>[vector<16xi32>, vector<16xi32>], vector<16xf32>,
    %gather3A_368 = tpu.vector_load_idx %arg9[%iota3A, %broadcast_in_dim3A_359] : memref<16x512xf32, #tpu.memory_space<vmem>>[vector<16xi32>, vector<16xi32>], vector<16xf32>,
    %exp3A_369 = math.exp %gather3A_367 : vector<16xf32>
    %mul3A_370 = arith.mulf %exp3A_369, %gather3A_368 : vector<16xf32>
    %add3A_371 = arith.addf %gather3A_366, %mul3A_370 : vector<16xf32>
    %mul3A_372 = arith.mulf %add3A_371, %broadcast_in_dim3A_365 : vector<16xf32>
    tpu.vector_store_idx %arg11[%iota3A, %broadcast_in_dim3A_359], %mul3A_372 : memref<16x512xf32, #tpu.memory_space<vmem>>[vector<16xi32>, vector<16xi32>], vector<16xf32>,
    %broadcast_in_dim3A_373 = arith.constant 506 : i32
    %broadcast_in_dim3A_374 = vector.broadcast %broadcast_in_dim3A_373 : i32 to vector<16xi32>
    %slice3A_375 = vector.extract_strided_slice %and3A_248 {offsets = [2], sizes = [1], strides = [1]} : vector<16xi32> to vector<1xi32>
    %squeeze3A_376 = vector.extract %slice3A_375[0] : i32 from vector<1xi32>
    %broadcast_in_dim3A_377 = vector.broadcast %squeeze3A_376 : i32 to vector<16xi32>
    %slice3A_378 = vector.extract_strided_slice %get3A_250 {offsets = [2], sizes = [1], strides = [1]} : vector<16xf32> to vector<1xf32>
    %squeeze3A_379 = vector.extract %slice3A_378[0] : f32 from vector<1xf32>
    %broadcast_in_dim3A_380 = vector.broadcast %squeeze3A_379 : f32 to vector<16xf32>
    %gather3A_381 = tpu.vector_load_idx %arg14[%iota3A, %broadcast_in_dim3A_377] : memref<16x128xf32, #tpu.memory_space<vmem>>[vector<16xi32>, vector<16xi32>], vector<16xf32>,
    %gather3A_382 = tpu.vector_load_idx %arg22[%iota3A, %broadcast_in_dim3A_377] : memref<16x128xf32, #tpu.memory_space<vmem>>[vector<16xi32>, vector<16xi32>], vector<16xf32>,
    %gather3A_383 = tpu.vector_load_idx %arg9[%iota3A, %broadcast_in_dim3A_374] : memref<16x512xf32, #tpu.memory_space<vmem>>[vector<16xi32>, vector<16xi32>], vector<16xf32>,
    %exp3A_384 = math.exp %gather3A_382 : vector<16xf32>
    %mul3A_385 = arith.mulf %exp3A_384, %gather3A_383 : vector<16xf32>
    %add3A_386 = arith.addf %gather3A_381, %mul3A_385 : vector<16xf32>
    %mul3A_387 = arith.mulf %add3A_386, %broadcast_in_dim3A_380 : vector<16xf32>
    tpu.vector_store_idx %arg11[%iota3A, %broadcast_in_dim3A_374], %mul3A_387 : memref<16x512xf32, #tpu.memory_space<vmem>>[vector<16xi32>, vector<16xi32>], vector<16xf32>,
    %broadcast_in_dim3A_388 = arith.constant 507 : i32
    %broadcast_in_dim3A_389 = vector.broadcast %broadcast_in_dim3A_388 : i32 to vector<16xi32>
    %slice3A_390 = vector.extract_strided_slice %and3A_248 {offsets = [3], sizes = [1], strides = [1]} : vector<16xi32> to vector<1xi32>
    %squeeze3A_391 = vector.extract %slice3A_390[0] : i32 from vector<1xi32>
    %broadcast_in_dim3A_392 = vector.broadcast %squeeze3A_391 : i32 to vector<16xi32>
    %slice3A_393 = vector.extract_strided_slice %get3A_250 {offsets = [3], sizes = [1], strides = [1]} : vector<16xf32> to vector<1xf32>
    %squeeze3A_394 = vector.extract %slice3A_393[0] : f32 from vector<1xf32>
    %broadcast_in_dim3A_395 = vector.broadcast %squeeze3A_394 : f32 to vector<16xf32>
    %gather3A_396 = tpu.vector_load_idx %arg15[%iota3A, %broadcast_in_dim3A_392] : memref<16x128xf32, #tpu.memory_space<vmem>>[vector<16xi32>, vector<16xi32>], vector<16xf32>,
    %gather3A_397 = tpu.vector_load_idx %arg23[%iota3A, %broadcast_in_dim3A_392] : memref<16x128xf32, #tpu.memory_space<vmem>>[vector<16xi32>, vector<16xi32>], vector<16xf32>,
    %gather3A_398 = tpu.vector_load_idx %arg9[%iota3A, %broadcast_in_dim3A_389] : memref<16x512xf32, #tpu.memory_space<vmem>>[vector<16xi32>, vector<16xi32>], vector<16xf32>,
    %exp3A_399 = math.exp %gather3A_397 : vector<16xf32>
    %mul3A_400 = arith.mulf %exp3A_399, %gather3A_398 : vector<16xf32>
    %add3A_401 = arith.addf %gather3A_396, %mul3A_400 : vector<16xf32>
    %mul3A_402 = arith.mulf %add3A_401, %broadcast_in_dim3A_395 : vector<16xf32>
    tpu.vector_store_idx %arg11[%iota3A, %broadcast_in_dim3A_389], %mul3A_402 : memref<16x512xf32, #tpu.memory_space<vmem>>[vector<16xi32>, vector<16xi32>], vector<16xf32>,
    %broadcast_in_dim3A_403 = arith.constant 508 : i32
    %broadcast_in_dim3A_404 = vector.broadcast %broadcast_in_dim3A_403 : i32 to vector<16xi32>
    %slice3A_405 = vector.extract_strided_slice %and3A_248 {offsets = [4], sizes = [1], strides = [1]} : vector<16xi32> to vector<1xi32>
    %squeeze3A_406 = vector.extract %slice3A_405[0] : i32 from vector<1xi32>
    %broadcast_in_dim3A_407 = vector.broadcast %squeeze3A_406 : i32 to vector<16xi32>
    %slice3A_408 = vector.extract_strided_slice %get3A_250 {offsets = [4], sizes = [1], strides = [1]} : vector<16xf32> to vector<1xf32>
    %squeeze3A_409 = vector.extract %slice3A_408[0] : f32 from vector<1xf32>
    %broadcast_in_dim3A_410 = vector.broadcast %squeeze3A_409 : f32 to vector<16xf32>
    %gather3A_411 = tpu.vector_load_idx %arg16[%iota3A, %broadcast_in_dim3A_407] : memref<16x128xf32, #tpu.memory_space<vmem>>[vector<16xi32>, vector<16xi32>], vector<16xf32>,
    %gather3A_412 = tpu.vector_load_idx %arg24[%iota3A, %broadcast_in_dim3A_407] : memref<16x128xf32, #tpu.memory_space<vmem>>[vector<16xi32>, vector<16xi32>], vector<16xf32>,
    %gather3A_413 = tpu.vector_load_idx %arg9[%iota3A, %broadcast_in_dim3A_404] : memref<16x512xf32, #tpu.memory_space<vmem>>[vector<16xi32>, vector<16xi32>], vector<16xf32>,
    %exp3A_414 = math.exp %gather3A_412 : vector<16xf32>
    %mul3A_415 = arith.mulf %exp3A_414, %gather3A_413 : vector<16xf32>
    %add3A_416 = arith.addf %gather3A_411, %mul3A_415 : vector<16xf32>
    %mul3A_417 = arith.mulf %add3A_416, %broadcast_in_dim3A_410 : vector<16xf32>
    tpu.vector_store_idx %arg11[%iota3A, %broadcast_in_dim3A_404], %mul3A_417 : memref<16x512xf32, #tpu.memory_space<vmem>>[vector<16xi32>, vector<16xi32>], vector<16xf32>,
    %broadcast_in_dim3A_418 = arith.constant 509 : i32
    %broadcast_in_dim3A_419 = vector.broadcast %broadcast_in_dim3A_418 : i32 to vector<16xi32>
    %slice3A_420 = vector.extract_strided_slice %and3A_248 {offsets = [5], sizes = [1], strides = [1]} : vector<16xi32> to vector<1xi32>
    %squeeze3A_421 = vector.extract %slice3A_420[0] : i32 from vector<1xi32>
    %broadcast_in_dim3A_422 = vector.broadcast %squeeze3A_421 : i32 to vector<16xi32>
    %slice3A_423 = vector.extract_strided_slice %get3A_250 {offsets = [5], sizes = [1], strides = [1]} : vector<16xf32> to vector<1xf32>
    %squeeze3A_424 = vector.extract %slice3A_423[0] : f32 from vector<1xf32>
    %broadcast_in_dim3A_425 = vector.broadcast %squeeze3A_424 : f32 to vector<16xf32>
    %gather3A_426 = tpu.vector_load_idx %arg17[%iota3A, %broadcast_in_dim3A_422] : memref<16x128xf32, #tpu.memory_space<vmem>>[vector<16xi32>, vector<16xi32>], vector<16xf32>,
    %gather3A_427 = tpu.vector_load_idx %arg25[%iota3A, %broadcast_in_dim3A_422] : memref<16x128xf32, #tpu.memory_space<vmem>>[vector<16xi32>, vector<16xi32>], vector<16xf32>,
    %gather3A_428 = tpu.vector_load_idx %arg9[%iota3A, %broadcast_in_dim3A_419] : memref<16x512xf32, #tpu.memory_space<vmem>>[vector<16xi32>, vector<16xi32>], vector<16xf32>,
    %exp3A_429 = math.exp %gather3A_427 : vector<16xf32>
    %mul3A_430 = arith.mulf %exp3A_429, %gather3A_428 : vector<16xf32>
    %add3A_431 = arith.addf %gather3A_426, %mul3A_430 : vector<16xf32>
    %mul3A_432 = arith.mulf %add3A_431, %broadcast_in_dim3A_425 : vector<16xf32>
    tpu.vector_store_idx %arg11[%iota3A, %broadcast_in_dim3A_419], %mul3A_432 : memref<16x512xf32, #tpu.memory_space<vmem>>[vector<16xi32>, vector<16xi32>], vector<16xf32>,
    %broadcast_in_dim3A_433 = arith.constant 510 : i32
    %broadcast_in_dim3A_434 = vector.broadcast %broadcast_in_dim3A_433 : i32 to vector<16xi32>
    %slice3A_435 = vector.extract_strided_slice %and3A_248 {offsets = [6], sizes = [1], strides = [1]} : vector<16xi32> to vector<1xi32>
    %squeeze3A_436 = vector.extract %slice3A_435[0] : i32 from vector<1xi32>
    %broadcast_in_dim3A_437 = vector.broadcast %squeeze3A_436 : i32 to vector<16xi32>
    %slice3A_438 = vector.extract_strided_slice %get3A_250 {offsets = [6], sizes = [1], strides = [1]} : vector<16xf32> to vector<1xf32>
    %squeeze3A_439 = vector.extract %slice3A_438[0] : f32 from vector<1xf32>
    %broadcast_in_dim3A_440 = vector.broadcast %squeeze3A_439 : f32 to vector<16xf32>
    %gather3A_441 = tpu.vector_load_idx %arg18[%iota3A, %broadcast_in_dim3A_437] : memref<16x128xf32, #tpu.memory_space<vmem>>[vector<16xi32>, vector<16xi32>], vector<16xf32>,
    %gather3A_442 = tpu.vector_load_idx %arg26[%iota3A, %broadcast_in_dim3A_437] : memref<16x128xf32, #tpu.memory_space<vmem>>[vector<16xi32>, vector<16xi32>], vector<16xf32>,
    %gather3A_443 = tpu.vector_load_idx %arg9[%iota3A, %broadcast_in_dim3A_434] : memref<16x512xf32, #tpu.memory_space<vmem>>[vector<16xi32>, vector<16xi32>], vector<16xf32>,
    %exp3A_444 = math.exp %gather3A_442 : vector<16xf32>
    %mul3A_445 = arith.mulf %exp3A_444, %gather3A_443 : vector<16xf32>
    %add3A_446 = arith.addf %gather3A_441, %mul3A_445 : vector<16xf32>
    %mul3A_447 = arith.mulf %add3A_446, %broadcast_in_dim3A_440 : vector<16xf32>
    tpu.vector_store_idx %arg11[%iota3A, %broadcast_in_dim3A_434], %mul3A_447 : memref<16x512xf32, #tpu.memory_space<vmem>>[vector<16xi32>, vector<16xi32>], vector<16xf32>,
    %broadcast_in_dim3A_448 = arith.constant 511 : i32
    %broadcast_in_dim3A_449 = vector.broadcast %broadcast_in_dim3A_448 : i32 to vector<16xi32>
    %slice3A_450 = vector.extract_strided_slice %and3A_248 {offsets = [7], sizes = [1], strides = [1]} : vector<16xi32> to vector<1xi32>
    %squeeze3A_451 = vector.extract %slice3A_450[0] : i32 from vector<1xi32>
    %broadcast_in_dim3A_452 = vector.broadcast %squeeze3A_451 : i32 to vector<16xi32>
    %slice3A_453 = vector.extract_strided_slice %get3A_250 {offsets = [7], sizes = [1], strides = [1]} : vector<16xf32> to vector<1xf32>
    %squeeze3A_454 = vector.extract %slice3A_453[0] : f32 from vector<1xf32>
    %broadcast_in_dim3A_455 = vector.broadcast %squeeze3A_454 : f32 to vector<16xf32>
    %gather3A_456 = tpu.vector_load_idx %arg19[%iota3A, %broadcast_in_dim3A_452] : memref<16x128xf32, #tpu.memory_space<vmem>>[vector<16xi32>, vector<16xi32>], vector<16xf32>,
    %gather3A_457 = tpu.vector_load_idx %arg27[%iota3A, %broadcast_in_dim3A_452] : memref<16x128xf32, #tpu.memory_space<vmem>>[vector<16xi32>, vector<16xi32>], vector<16xf32>,
    %gather3A_458 = tpu.vector_load_idx %arg9[%iota3A, %broadcast_in_dim3A_449] : memref<16x512xf32, #tpu.memory_space<vmem>>[vector<16xi32>, vector<16xi32>], vector<16xf32>,
    %exp3A_459 = math.exp %gather3A_457 : vector<16xf32>
    %mul3A_460 = arith.mulf %exp3A_459, %gather3A_458 : vector<16xf32>
    %add3A_461 = arith.addf %gather3A_456, %mul3A_460 : vector<16xf32>
    %mul3A_462 = arith.mulf %add3A_461, %broadcast_in_dim3A_455 : vector<16xf32>
    tpu.vector_store_idx %arg11[%iota3A, %broadcast_in_dim3A_449], %mul3A_462 : memref<16x512xf32, #tpu.memory_space<vmem>>[vector<16xi32>, vector<16xi32>], vector<16xf32>,
    %dma_wait3A_463 = arith.constant 0 : i32
    %dma_wait3A_464 = arith.constant 0 : i32
    %dma_wait3A_465 = tpu.memref_slice %arg5[%dma_wait3A_463, %dma_wait3A_464] : memref<16x1000000xf32, #tpu.memory_space<hbm>> -> memref<16x128xf32, #tpu.memory_space<hbm>>
    %dma_wait3A_466 = arith.constant 0 : i32
    %dma_wait3A_467 = arith.constant 0 : i32
    %dma_wait3A_468 = tpu.memref_slice %arg5[%dma_wait3A_466, %dma_wait3A_467] : memref<16x1000000xf32, #tpu.memory_space<hbm>> -> memref<16x128xf32, #tpu.memory_space<hbm>>
    tpu.wait_dma2 semaphore(%arg61 : memref<!tpu.dma_semaphore, #tpu.memory_space<semaphore_mem>>) src(%dma_wait3A_468 : memref<16x128xf32, #tpu.memory_space<hbm>>) dst(%arg28 : memref<16x128xf32, #tpu.memory_space<vmem>>)
    %dma_wait3A_469 = arith.constant 0 : i32
    %dma_wait3A_470 = arith.constant 0 : i32
    %dma_wait3A_471 = tpu.memref_slice %arg5[%dma_wait3A_469, %dma_wait3A_470] : memref<16x1000000xf32, #tpu.memory_space<hbm>> -> memref<16x128xf32, #tpu.memory_space<hbm>>
    %dma_wait3A_472 = arith.constant 0 : i32
    %dma_wait3A_473 = arith.constant 0 : i32
    %dma_wait3A_474 = tpu.memref_slice %arg5[%dma_wait3A_472, %dma_wait3A_473] : memref<16x1000000xf32, #tpu.memory_space<hbm>> -> memref<16x128xf32, #tpu.memory_space<hbm>>
    tpu.wait_dma2 semaphore(%arg61 : memref<!tpu.dma_semaphore, #tpu.memory_space<semaphore_mem>>) src(%dma_wait3A_474 : memref<16x128xf32, #tpu.memory_space<hbm>>) dst(%arg36 : memref<16x128xf32, #tpu.memory_space<vmem>>)
    %dma_wait3A_475 = arith.constant 0 : i32
    %dma_wait3A_476 = arith.constant 0 : i32
    %dma_wait3A_477 = tpu.memref_slice %arg5[%dma_wait3A_475, %dma_wait3A_476] : memref<16x1000000xf32, #tpu.memory_space<hbm>> -> memref<16x128xf32, #tpu.memory_space<hbm>>
    %dma_wait3A_478 = arith.constant 0 : i32
    %dma_wait3A_479 = arith.constant 0 : i32
    %dma_wait3A_480 = tpu.memref_slice %arg5[%dma_wait3A_478, %dma_wait3A_479] : memref<16x1000000xf32, #tpu.memory_space<hbm>> -> memref<16x128xf32, #tpu.memory_space<hbm>>
    tpu.wait_dma2 semaphore(%arg61 : memref<!tpu.dma_semaphore, #tpu.memory_space<semaphore_mem>>) src(%dma_wait3A_480 : memref<16x128xf32, #tpu.memory_space<hbm>>) dst(%arg29 : memref<16x128xf32, #tpu.memory_space<vmem>>)
    %dma_wait3A_481 = arith.constant 0 : i32
    %dma_wait3A_482 = arith.constant 0 : i32
    %dma_wait3A_483 = tpu.memref_slice %arg5[%dma_wait3A_481, %dma_wait3A_482] : memref<16x1000000xf32, #tpu.memory_space<hbm>> -> memref<16x128xf32, #tpu.memory_space<hbm>>
    %dma_wait3A_484 = arith.constant 0 : i32
    %dma_wait3A_485 = arith.constant 0 : i32
    %dma_wait3A_486 = tpu.memref_slice %arg5[%dma_wait3A_484, %dma_wait3A_485] : memref<16x1000000xf32, #tpu.memory_space<hbm>> -> memref<16x128xf32, #tpu.memory_space<hbm>>
    tpu.wait_dma2 semaphore(%arg61 : memref<!tpu.dma_semaphore, #tpu.memory_space<semaphore_mem>>) src(%dma_wait3A_486 : memref<16x128xf32, #tpu.memory_space<hbm>>) dst(%arg37 : memref<16x128xf32, #tpu.memory_space<vmem>>)
    %dma_wait3A_487 = arith.constant 0 : i32
    %dma_wait3A_488 = arith.constant 0 : i32
    %dma_wait3A_489 = tpu.memref_slice %arg5[%dma_wait3A_487, %dma_wait3A_488] : memref<16x1000000xf32, #tpu.memory_space<hbm>> -> memref<16x128xf32, #tpu.memory_space<hbm>>
    %dma_wait3A_490 = arith.constant 0 : i32
    %dma_wait3A_491 = arith.constant 0 : i32
    %dma_wait3A_492 = tpu.memref_slice %arg5[%dma_wait3A_490, %dma_wait3A_491] : memref<16x1000000xf32, #tpu.memory_space<hbm>> -> memref<16x128xf32, #tpu.memory_space<hbm>>
    tpu.wait_dma2 semaphore(%arg61 : memref<!tpu.dma_semaphore, #tpu.memory_space<semaphore_mem>>) src(%dma_wait3A_492 : memref<16x128xf32, #tpu.memory_space<hbm>>) dst(%arg30 : memref<16x128xf32, #tpu.memory_space<vmem>>)
    %dma_wait3A_493 = arith.constant 0 : i32
    %dma_wait3A_494 = arith.constant 0 : i32
    %dma_wait3A_495 = tpu.memref_slice %arg5[%dma_wait3A_493, %dma_wait3A_494] : memref<16x1000000xf32, #tpu.memory_space<hbm>> -> memref<16x128xf32, #tpu.memory_space<hbm>>
    %dma_wait3A_496 = arith.constant 0 : i32
    %dma_wait3A_497 = arith.constant 0 : i32
    %dma_wait3A_498 = tpu.memref_slice %arg5[%dma_wait3A_496, %dma_wait3A_497] : memref<16x1000000xf32, #tpu.memory_space<hbm>> -> memref<16x128xf32, #tpu.memory_space<hbm>>
    tpu.wait_dma2 semaphore(%arg61 : memref<!tpu.dma_semaphore, #tpu.memory_space<semaphore_mem>>) src(%dma_wait3A_498 : memref<16x128xf32, #tpu.memory_space<hbm>>) dst(%arg38 : memref<16x128xf32, #tpu.memory_space<vmem>>)
    %dma_wait3A_499 = arith.constant 0 : i32
    %dma_wait3A_500 = arith.constant 0 : i32
    %dma_wait3A_501 = tpu.memref_slice %arg5[%dma_wait3A_499, %dma_wait3A_500] : memref<16x1000000xf32, #tpu.memory_space<hbm>> -> memref<16x128xf32, #tpu.memory_space<hbm>>
    %dma_wait3A_502 = arith.constant 0 : i32
    %dma_wait3A_503 = arith.constant 0 : i32
    %dma_wait3A_504 = tpu.memref_slice %arg5[%dma_wait3A_502, %dma_wait3A_503] : memref<16x1000000xf32, #tpu.memory_space<hbm>> -> memref<16x128xf32, #tpu.memory_space<hbm>>
    tpu.wait_dma2 semaphore(%arg61 : memref<!tpu.dma_semaphore, #tpu.memory_space<semaphore_mem>>) src(%dma_wait3A_504 : memref<16x128xf32, #tpu.memory_space<hbm>>) dst(%arg31 : memref<16x128xf32, #tpu.memory_space<vmem>>)
    %dma_wait3A_505 = arith.constant 0 : i32
    %dma_wait3A_506 = arith.constant 0 : i32
    %dma_wait3A_507 = tpu.memref_slice %arg5[%dma_wait3A_505, %dma_wait3A_506] : memref<16x1000000xf32, #tpu.memory_space<hbm>> -> memref<16x128xf32, #tpu.memory_space<hbm>>
    %dma_wait3A_508 = arith.constant 0 : i32
    %dma_wait3A_509 = arith.constant 0 : i32
    %dma_wait3A_510 = tpu.memref_slice %arg5[%dma_wait3A_508, %dma_wait3A_509] : memref<16x1000000xf32, #tpu.memory_space<hbm>> -> memref<16x128xf32, #tpu.memory_space<hbm>>
    tpu.wait_dma2 semaphore(%arg61 : memref<!tpu.dma_semaphore, #tpu.memory_space<semaphore_mem>>) src(%dma_wait3A_510 : memref<16x128xf32, #tpu.memory_space<hbm>>) dst(%arg39 : memref<16x128xf32, #tpu.memory_space<vmem>>)
    %dma_wait3A_511 = arith.constant 0 : i32
    %dma_wait3A_512 = arith.constant 0 : i32
    %dma_wait3A_513 = tpu.memref_slice %arg5[%dma_wait3A_511, %dma_wait3A_512] : memref<16x1000000xf32, #tpu.memory_space<hbm>> -> memref<16x128xf32, #tpu.memory_space<hbm>>
    %dma_wait3A_514 = arith.constant 0 : i32
    %dma_wait3A_515 = arith.constant 0 : i32
    %dma_wait3A_516 = tpu.memref_slice %arg5[%dma_wait3A_514, %dma_wait3A_515] : memref<16x1000000xf32, #tpu.memory_space<hbm>> -> memref<16x128xf32, #tpu.memory_space<hbm>>
    tpu.wait_dma2 semaphore(%arg61 : memref<!tpu.dma_semaphore, #tpu.memory_space<semaphore_mem>>) src(%dma_wait3A_516 : memref<16x128xf32, #tpu.memory_space<hbm>>) dst(%arg32 : memref<16x128xf32, #tpu.memory_space<vmem>>)
    %dma_wait3A_517 = arith.constant 0 : i32
    %dma_wait3A_518 = arith.constant 0 : i32
    %dma_wait3A_519 = tpu.memref_slice %arg5[%dma_wait3A_517, %dma_wait3A_518] : memref<16x1000000xf32, #tpu.memory_space<hbm>> -> memref<16x128xf32, #tpu.memory_space<hbm>>
    %dma_wait3A_520 = arith.constant 0 : i32
    %dma_wait3A_521 = arith.constant 0 : i32
    %dma_wait3A_522 = tpu.memref_slice %arg5[%dma_wait3A_520, %dma_wait3A_521] : memref<16x1000000xf32, #tpu.memory_space<hbm>> -> memref<16x128xf32, #tpu.memory_space<hbm>>
    tpu.wait_dma2 semaphore(%arg61 : memref<!tpu.dma_semaphore, #tpu.memory_space<semaphore_mem>>) src(%dma_wait3A_522 : memref<16x128xf32, #tpu.memory_space<hbm>>) dst(%arg40 : memref<16x128xf32, #tpu.memory_space<vmem>>)
    %dma_wait3A_523 = arith.constant 0 : i32
    %dma_wait3A_524 = arith.constant 0 : i32
    %dma_wait3A_525 = tpu.memref_slice %arg5[%dma_wait3A_523, %dma_wait3A_524] : memref<16x1000000xf32, #tpu.memory_space<hbm>> -> memref<16x128xf32, #tpu.memory_space<hbm>>
    %dma_wait3A_526 = arith.constant 0 : i32
    %dma_wait3A_527 = arith.constant 0 : i32
    %dma_wait3A_528 = tpu.memref_slice %arg5[%dma_wait3A_526, %dma_wait3A_527] : memref<16x1000000xf32, #tpu.memory_space<hbm>> -> memref<16x128xf32, #tpu.memory_space<hbm>>
    tpu.wait_dma2 semaphore(%arg61 : memref<!tpu.dma_semaphore, #tpu.memory_space<semaphore_mem>>) src(%dma_wait3A_528 : memref<16x128xf32, #tpu.memory_space<hbm>>) dst(%arg33 : memref<16x128xf32, #tpu.memory_space<vmem>>)
    %dma_wait3A_529 = arith.constant 0 : i32
    %dma_wait3A_530 = arith.constant 0 : i32
    %dma_wait3A_531 = tpu.memref_slice %arg5[%dma_wait3A_529, %dma_wait3A_530] : memref<16x1000000xf32, #tpu.memory_space<hbm>> -> memref<16x128xf32, #tpu.memory_space<hbm>>
    %dma_wait3A_532 = arith.constant 0 : i32
    %dma_wait3A_533 = arith.constant 0 : i32
    %dma_wait3A_534 = tpu.memref_slice %arg5[%dma_wait3A_532, %dma_wait3A_533] : memref<16x1000000xf32, #tpu.memory_space<hbm>> -> memref<16x128xf32, #tpu.memory_space<hbm>>
    tpu.wait_dma2 semaphore(%arg61 : memref<!tpu.dma_semaphore, #tpu.memory_space<semaphore_mem>>) src(%dma_wait3A_534 : memref<16x128xf32, #tpu.memory_space<hbm>>) dst(%arg41 : memref<16x128xf32, #tpu.memory_space<vmem>>)
    %dma_wait3A_535 = arith.constant 0 : i32
    %dma_wait3A_536 = arith.constant 0 : i32
    %dma_wait3A_537 = tpu.memref_slice %arg5[%dma_wait3A_535, %dma_wait3A_536] : memref<16x1000000xf32, #tpu.memory_space<hbm>> -> memref<16x128xf32, #tpu.memory_space<hbm>>
    %dma_wait3A_538 = arith.constant 0 : i32
    %dma_wait3A_539 = arith.constant 0 : i32
    %dma_wait3A_540 = tpu.memref_slice %arg5[%dma_wait3A_538, %dma_wait3A_539] : memref<16x1000000xf32, #tpu.memory_space<hbm>> -> memref<16x128xf32, #tpu.memory_space<hbm>>
    tpu.wait_dma2 semaphore(%arg61 : memref<!tpu.dma_semaphore, #tpu.memory_space<semaphore_mem>>) src(%dma_wait3A_540 : memref<16x128xf32, #tpu.memory_space<hbm>>) dst(%arg34 : memref<16x128xf32, #tpu.memory_space<vmem>>)
    %dma_wait3A_541 = arith.constant 0 : i32
    %dma_wait3A_542 = arith.constant 0 : i32
    %dma_wait3A_543 = tpu.memref_slice %arg5[%dma_wait3A_541, %dma_wait3A_542] : memref<16x1000000xf32, #tpu.memory_space<hbm>> -> memref<16x128xf32, #tpu.memory_space<hbm>>
    %dma_wait3A_544 = arith.constant 0 : i32
    %dma_wait3A_545 = arith.constant 0 : i32
    %dma_wait3A_546 = tpu.memref_slice %arg5[%dma_wait3A_544, %dma_wait3A_545] : memref<16x1000000xf32, #tpu.memory_space<hbm>> -> memref<16x128xf32, #tpu.memory_space<hbm>>
    tpu.wait_dma2 semaphore(%arg61 : memref<!tpu.dma_semaphore, #tpu.memory_space<semaphore_mem>>) src(%dma_wait3A_546 : memref<16x128xf32, #tpu.memory_space<hbm>>) dst(%arg42 : memref<16x128xf32, #tpu.memory_space<vmem>>)
    %dma_wait3A_547 = arith.constant 0 : i32
    %dma_wait3A_548 = arith.constant 0 : i32
    %dma_wait3A_549 = tpu.memref_slice %arg5[%dma_wait3A_547, %dma_wait3A_548] : memref<16x1000000xf32, #tpu.memory_space<hbm>> -> memref<16x128xf32, #tpu.memory_space<hbm>>
    %dma_wait3A_550 = arith.constant 0 : i32
    %dma_wait3A_551 = arith.constant 0 : i32
    %dma_wait3A_552 = tpu.memref_slice %arg5[%dma_wait3A_550, %dma_wait3A_551] : memref<16x1000000xf32, #tpu.memory_space<hbm>> -> memref<16x128xf32, #tpu.memory_space<hbm>>
    tpu.wait_dma2 semaphore(%arg61 : memref<!tpu.dma_semaphore, #tpu.memory_space<semaphore_mem>>) src(%dma_wait3A_552 : memref<16x128xf32, #tpu.memory_space<hbm>>) dst(%arg35 : memref<16x128xf32, #tpu.memory_space<vmem>>)
    %dma_wait3A_553 = arith.constant 0 : i32
    %dma_wait3A_554 = arith.constant 0 : i32
    %dma_wait3A_555 = tpu.memref_slice %arg5[%dma_wait3A_553, %dma_wait3A_554] : memref<16x1000000xf32, #tpu.memory_space<hbm>> -> memref<16x128xf32, #tpu.memory_space<hbm>>
    %dma_wait3A_556 = arith.constant 0 : i32
    %dma_wait3A_557 = arith.constant 0 : i32
    %dma_wait3A_558 = tpu.memref_slice %arg5[%dma_wait3A_556, %dma_wait3A_557] : memref<16x1000000xf32, #tpu.memory_space<hbm>> -> memref<16x128xf32, #tpu.memory_space<hbm>>
    tpu.wait_dma2 semaphore(%arg61 : memref<!tpu.dma_semaphore, #tpu.memory_space<semaphore_mem>>) src(%dma_wait3A_558 : memref<16x128xf32, #tpu.memory_space<hbm>>) dst(%arg43 : memref<16x128xf32, #tpu.memory_space<vmem>>)
    "tpu.region"() ({
      %run_scoped3A = tpu.sem_alloc : memref<!tpu.dma_semaphore, #tpu.memory_space<semaphore_mem>>
      %dma_start3A_559 = arith.constant 0 : i32
      %dma_start3A_560 = tpu.memref_slice %arg7[%dma_start3A_559, %mul3A_2] : memref<16x16384xf32, #tpu.memory_space<hbm>> -> memref<16x512xf32, #tpu.memory_space<hbm>>
      %dma_start3A_561 = arith.constant 0 : i32
      %dma_start3A_562 = tpu.memref_slice %arg7[%dma_start3A_561, %mul3A_2] : memref<16x16384xf32, #tpu.memory_space<hbm>> -> memref<16x512xf32, #tpu.memory_space<hbm>>
      tpu.enqueue_dma source(%arg11 : memref<16x512xf32, #tpu.memory_space<vmem>>) target(%dma_start3A_562 : memref<16x512xf32, #tpu.memory_space<hbm>>) target_semaphore(%run_scoped3A : memref<!tpu.dma_semaphore, #tpu.memory_space<semaphore_mem>>)
      %dma_wait3A_563 = arith.constant 0 : i32
      %dma_wait3A_564 = tpu.memref_slice %arg7[%dma_wait3A_563, %mul3A_2] : memref<16x16384xf32, #tpu.memory_space<hbm>> -> memref<16x512xf32, #tpu.memory_space<hbm>>
      %dma_wait3A_565 = arith.constant 0 : i32
      %dma_wait3A_566 = tpu.memref_slice %arg7[%dma_wait3A_565, %mul3A_2] : memref<16x16384xf32, #tpu.memory_space<hbm>> -> memref<16x512xf32, #tpu.memory_space<hbm>>
      tpu.wait_dma2 semaphore(%run_scoped3A : memref<!tpu.dma_semaphore, #tpu.memory_space<semaphore_mem>>) src(%arg11 : memref<16x512xf32, #tpu.memory_space<vmem>>) dst(%dma_wait3A_566 : memref<16x512xf32, #tpu.memory_space<hbm>>)
      tpu.yield
    }) : () -> ()
    return
  }
}

</mosaic_0001>

<sc_bundles>
// kernel: kernel.3.cloned.1.call-start
scs
__scs_entry_jumppad:
0x0: {  	(pc) =	sbr.rel $0x88, $3  }
0x1: {  	(tag) =	ssettag $0x0;
	lr =	simm.s32 $0x1  }
0x2: {  	[smem:$0x3F9C] =	sst lr;
	_ =	strace $0xD0000000  }
0x3: {  	_ = 	snop  }
0x4: {  	_ = 	snop  }
0x5: {  	_ = 	snop  }
0x6: {  	_ = 	snop  }
0x7: {  	_ = 	snop  }
__scs_overlays_trampoline_lowered:
0x8: {  	[smem:$0x3FAB] =	sst s0  }
0x9: {  	[smem:$0x3FAC] =	sst s1  }
0xa: {  	[smem:$0x3FAD] =	sst s2  }
0xb: {  	[smem:$0x3FAE] =	sst s3  }
0xc: {  	[smem:$0x3FAF] =	sst s4  }
0xd: {  	[smem:$0x3FB0] =	sst s5  }
0xe: {  	[smem:$0x3FB1] =	sst s6  }
0xf: {  	[smem:$0x3FB2] =	sst s7  }
0x10: {  	[smem:$0x3FB3] =	sst s8  }
0x11: {  	[smem:$0x3FB4] =	sst s9;
	s0 =	simm.s32 @!p0 $0x0  }
0x12: {  	s1 =	sld [smem:$0x3F9A];
	s0 =	simm.s32 @p0 $0x1  }
0x13: {  	[smem:$0x3FB5] =	sst s0;
	s0 =	simm.s32 @!p1 $0x0  }
0x14: {  	s2 =	sld [smem:$0x3F99];
	s0 =	simm.s32 @p1 $0x1  }
0x15: {  	[smem:$0x3FB6] =	sst s0;
	s0 =	simm.s32 @!p2 $0x0  }
0x16: {  	s3 =	sld [smem:$0x3FDB];
	s0 =	simm.s32 @p2 $0x1  }
0x17: {  	s4 =	simm.s32 $0x1BF5;
	[smem:$0x3FB8] =	sst s0  }
0x18: {  	s0 =	sld [smem:$0x3F9B];
	_ =	swait.ge [sflag:s4], $0x0  }
0x19: {  	s7 =	sld [smem:$0x3F9C]  }
0x1a: {  	s8 =	sadd.s32 $0xFFFFE003, lr  }
0x1b: {  	s9 =	sadd.s32 $0xFFFFFEF7, lr;
	s5 =	simm.s32 $0xFFFFFFFF;
	p2 =	slt.u32 s8, $0xFFFFF086  }
0x1c: {  	p1 =	slt.u32 s9, $0xF7A;
	s5 =	simm.s32 @!p2 $0x0  }
0x1d: {  	s5 =	simm.s32 @p1 $0x1;
	p0 =	seq.s32 s7, s2  }
0x1e: {  	s7 =	smul.u32 @!p0 $0xF7A, s2;
	p2 =	seq.s32 @!p0 s5, $0x0  }
0x1f: {  	s9 =	smul.u32 $0xF7A, s1;
	s8 =	simm.s32 @!p0 $0x1BF5;
	p2 =	por !p2, p0  }
0x20: {  	[sflag:s8] =	ssyncset.s32 @!p0 $0xFFFFF086;
	s6 =	sadd.s32 @!p0 s3, s7;
	s7 =	simm.s32 @!p0 $0x108  }
0x21: {  	s3 =	sadd.s32 s3, s9;
	s6 =	sadd.s32 @!p0 $0x88, s6;
	s7 =	simm.s32 @p2 $0x1082  }
0x22: {  	[simem:s7], [sflag:s8] =	dma.local @!p0 [hbm:s6], $0xF7A  }
0x23: {  	s9 =	sor.u32 $0xD0000000, s2;
	s6 =	simm.s32 $0x108;
	_ =	swait.ge @!p0 [sflag:s8], $0x0  }
0x24: {  	s3 =	sadd.s32 $0x88, s3;
	s6 =	simm.s32 @!p1 $0x1082;
	[sflag:s4] =	ssyncset.s32 $0xFFFFF086  }
0x25: {  	[simem:s6], [sflag:s4] =	dma.local [hbm:s3], $0xF7A  }
0x26: {  	[smem:$0x3F9C] =	sst s1;
	(tag) =	ssettag s2;
	_ =	strace s9  }
0x27: {  	s1 =	sld [smem:$0x3FAC]  }
0x28: {  	s2 =	sld [smem:$0x3FAD]  }
0x29: {  	s4 =	sld [smem:$0x3FAF]  }
0x2a: {  	p0 =	seq.s32 s5, $0x0;
	s5 =	sld [smem:$0x3FB0]  }
0x2b: {  	s6 =	sld [smem:$0x3FB1]  }
0x2c: {  	s7 =	sld [smem:$0x3FB2]  }
0x2d: {  	s3 =	simm.s32 $0x108;
	s8 =	sld [smem:$0x3FB3]  }
0x2e: {  	s3 =	simm.s32 @!p0 $0x1082;
	s9 =	sld [smem:$0x3FB4]  }
0x2f: {  	lr =	sadd.s32 s0, s3;
	s0 =	sld [smem:$0x3FAB]  }
0x30: {  	s3 =	sld [smem:$0x3FAE]  }
0x31: {  	[smem:$0x3FB7] =	sst s10  }
0x32: {  	s10 =	sld [smem:$0x3FB5];
	_ =	sdelay $0x3  }
0x33: {  	p0 =	seq.s32 s10, $0x1;
	s10 =	sld [smem:$0x3FB7];
	_ =	sdelay $0x3  }
0x34: {  	[smem:$0x3FB7] =	sst s10  }
0x35: {  	s10 =	sld [smem:$0x3FB6];
	_ =	sdelay $0x3  }
0x36: {  	p1 =	seq.s32 s10, $0x1;
	s10 =	sld [smem:$0x3FB7];
	_ =	sdelay $0x3  }
0x37: {  	[smem:$0x3FB7] =	sst s10  }
0x38: {  	s10 =	sld [smem:$0x3FB8]  }
0x39: {  	_ = 	snop;
	(pc) =	sbr.ind lr, $3  }
0x3a: {  	_ = 	snop  }
0x3b: {  	_ = 	snop  }
0x3c: {  	p2 =	seq.s32 s10, $0x1;
	s10 =	sld [smem:$0x3FB7]  }
0x3d: {  	_ =	shalt  }
0x3e: {  	_ =	shalt  }
0x3f: {  	_ =	shalt  }
0x40: {  	_ =	shalt  }
0x41: {  	_ =	shalt  }
0x42: {  	_ =	shalt  }
0x43: {  	_ =	shalt  }
0x44: {  	_ =	shalt  }
0x45: {  	_ =	shalt  }
0x46: {  	_ =	shalt  }
0x47: {  	_ =	shalt  }
0x48: {  	_ =	shalt  }
0x49: {  	_ =	shalt  }
0x4a: {  	_ =	shalt  }
0x4b: {  	_ =	shalt  }
0x4c: {  	_ =	shalt  }
0x4d: {  	_ =	shalt  }
0x4e: {  	_ =	shalt  }
0x4f: {  	_ =	shalt  }
0x50: {  	_ =	shalt  }
0x51: {  	_ =	shalt  }
0x52: {  	_ =	shalt  }
0x53: {  	_ =	shalt  }
0x54: {  	_ =	shalt  }
0x55: {  	_ =	shalt  }
0x56: {  	_ =	shalt  }
0x57: {  	_ =	shalt  }
0x58: {  	_ =	shalt  }
0x59: {  	_ =	shalt  }
0x5a: {  	_ =	shalt  }
0x5b: {  	_ =	shalt  }
0x5c: {  	_ =	shalt  }
0x5d: {  	_ =	shalt  }
0x5e: {  	_ =	shalt  }
0x5f: {  	_ =	shalt  }
0x60: {  	_ =	shalt  }
0x61: {  	_ =	shalt  }
0x62: {  	_ =	shalt  }
0x63: {  	_ =	shalt  }
0x64: {  	_ =	shalt  }
0x65: {  	_ =	shalt  }
0x66: {  	_ =	shalt  }
0x67: {  	_ =	shalt  }
0x68: {  	_ =	shalt  }
0x69: {  	_ =	shalt  }
0x6a: {  	_ =	shalt  }
0x6b: {  	_ =	shalt  }
0x6c: {  	_ =	shalt  }
0x6d: {  	_ =	shalt  }
0x6e: {  	_ =	shalt  }
0x6f: {  	_ =	shalt  }
0x70: {  	_ =	shalt  }
0x71: {  	_ =	shalt  }
0x72: {  	_ =	shalt  }
0x73: {  	_ =	shalt  }
0x74: {  	_ =	shalt  }
0x75: {  	_ =	shalt  }
0x76: {  	_ =	shalt  }
0x77: {  	_ =	shalt  }
0x78: {  	_ =	shalt  }
0x79: {  	_ =	shalt  }
0x7a: {  	_ =	shalt  }
0x7b: {  	_ =	shalt  }
0x7c: {  	_ =	shalt  }
0x7d: {  	_ =	shalt  }
0x7e: {  	_ =	shalt  }
0x7f: {  	_ =	shalt  }
0x80: {  	_ =	shalt  }
0x81: {  	_ =	shalt  }
0x82: {  	_ =	shalt  }
0x83: {  	_ =	shalt  }
0x84: {  	_ =	shalt  }
0x85: {  	_ =	shalt  }
0x86: {  	_ =	shalt  }
0x87: {  	_ =	shalt  }
.Lfunc_end0:
.L_simem_size_0:
called_computation_lowered:
.L_overlay_start_0:
0x88: {  	s2 =	sld [smem:$0x3FD9]  }
0x89: {  	s3 =	sld [smem:$0x3FFE];
	_ =	sdelay $0x1  }
0x8a: {  	s1 =	srdreg.scid  }
0x8b: {  	s0 =	sand.u32 $0x1, s1  }
0x8c: {  	s17 =	sshll.u32 s0, $0xA;
	s2 =	sadd.s32 s3, s2  }
0x8d: {  	s2 =	sadd.s32 s2, s17  }
0x8e: {  	[smem:$0x3FC3] =	sst s2  }
0x8f: {  	_ = 	snop  }
0x90: {  	s2 =	sld [smem:$0x3FC8]  }
0x91: {  	s18 =	sld [smem:$0x3FC7]  }
0x92: {  	s4 =	sld [smem:$0x3FC6]  }
0x93: {  	s5 =	sld [smem:$0x3FC5]  }
0x94: {  	s6 =	sld [smem:$0x3FD0];
	(tm) =	ssettm $0x1  }
0x95: {  	s7 =	sld [smem:$0x3FFB];
	_ =	sdelay $0x3  }
0x96: {  	_ =	strace s7  }
0x97: {  	s7 =	sld [smem:$0x3FFC];
	_ =	sdelay $0x3  }
0x98: {  	_ =	strace s7  }
0x99: {  	s7 =	sld [smem:$0x3FFD];
	_ =	sdelay $0x3  }
0x9a: {  	_ =	strace s7  }
0x9b: {  	_ =	strace $0x8FFFFFFF  }
0x9c: {  	s19 =	sld [smem:$0x3FDB];
	_ =	sdelay $0x1  }
0x9d: {  	s8 =	simm.s32 $_scs_section_size  }
0x9e: {  	s9 =	simm.s32 $_size__tile_overlayer_lowered;
	s10 =	simm.s32 $_tile_overlayer_lowered  }
0x9f: {  	s22 =	simm.s32 $0x1BFF;
	s21 =	sshll.u32 s10, $0x1;
	s7 =	sadd.s32 s8, s19  }
0xa0: {  	s11 =	simm.s32 $0x0;
	s20 =	sshll.u32 s9, $0x1;
	s9 =	sadd.s32 s21, s7  }
0xa1: {  	[timem:s11], [sflag:s22] =	dma.local [hbm:s9], s20  }
0xa2: {  	_ =	swait.ge [sflag:s22], s20  }
0xa3: {  	s8 =	ssub.s32 $0x0, s20;
	[sflag:s22] =	ssyncset.done $0x0  }
0xa4: {  	[sflag:s22] =	ssyncadd.s32 s8;
	_ =	sdelay $0x1  }
0xa5: {  	s23 =	simm.s32 $0x1B8B  }
0xa6: {  	_ =	swait.ge [sflag:s23], $0x1  }
0xa7: {  	[sflag:s23] =	ssyncset.done $0x0  }
0xa8: {  	s25 =	simm.s32 $0x1B8E;
	s24 =	sld [smem:$0x3FFE];
	[sflag:s23] =	ssyncadd.s32 $0xFFFFFFFF  }
0xa9: {  	s26 =	simm.s32 $execute0_lowered;
	[smem:$0x3FD2] =	sst s25  }
0xaa: {  	s9 =	sshll.u32 s26, $0x1;
	_ =	strace $0x80000046;
	[dreg:$0x1] =	wrdreg $0xFFFFFFFF  }
0xab: {  	s28 =	simm.s32 $_size_execute0_lowered;
	s7 =	sadd.s32 s7, s9;
	[dreg:$0x0] =	wrdreg $0x0  }
0xac: {  	s9 =	sshll.u32 s28, $0x1;
	[dreg:$0x2] =	wrdreg s7  }
0xad: {  	[dreg:$0x3] =	wrdreg s9  }
0xae: {  	[dreg:$0x4] =	wrdreg $0xC0  }
0xaf: {  	_ =	task [dreg:s11], $0x5FFFF  }
0xb0: {  	[dreg:$0x1] =	wrdreg $0xFFFFFFFF  }
0xb1: {  	[dreg:$0x0] =	wrdreg $0x60  }
0xb2: {  	[dreg:$0x2] =	wrdreg s24  }
0xb3: {  	[dreg:$0x3] =	wrdreg s2  }
0xb4: {  	[dreg:$0x4] =	wrdreg s18  }
0xb5: {  	[dreg:$0x5] =	wrdreg s4  }
0xb6: {  	[dreg:$0x6] =	wrdreg s5  }
0xb7: {  	[dreg:$0x7] =	wrdreg s6  }
0xb8: {  	[dreg:$0x8] =	wrdreg $0x9  }
0xb9: {  	_ =	task.clear_ibuf [dreg:s11], $0x9FFFF;
	_ =	strace $0x90000046  }
0xba: {  	s29 =	simm.s32 $0x9;
	_ =	strace $0x80000048  }
0xbb: {  	_ =	swait.ge [sflag:s29], $0x1  }
0xbc: {  	[sflag:s29] =	ssyncadd.s32 $0xFFFFFFFF  }
0xbd: {  	_ =	strace $0x90000048  }
0xbe: {  	_ =	sfence  }
0xbf: {  	s30 =	sld [smem:$0x0];
	_ =	sdelay $0x2  }
0xc0: {  	s31 =	sshll.u32 s1, $0xD;
	s1 =	sshrl.u32 s1, $0x2  }
0xc1: {  	s3 =	sand.u32 $0x4000, s31;
	s1 =	sadd.s32 s1, s30  }
0xc2: {  	s0 =	sor.u32 s3, s0;
	s1 =	sshll.u32 s1, $0x11  }
0xc3: {  	s0 =	sor.u32 s1, s0  }
0xc4: {  	s0 =	sadd.s32 $0x8F2B, s0  }
0xc5: {  	[sflag:s0] =	ssyncadd.remote.s32 $0x1  }
0xc6: {  	_ =	sfence.sel $0xFFFF  }
0xc7: {  	[dreg:$0x0] =	wrdreg $0xFFFFFFFF;
	(pc) =	sbr.abs _section_cstart, $3  }
0xc8: {  	[dreg:$0x1] =	wrdreg $0xFFFFFFFF  }
0xc9: {  	_ =	task.clear_ibuf [dreg:s11], $0x2FFFF;
	_ =	strace $0x9FFFFFFF  }
0xca: {  	(tm) =	ssettm $0x7FFFFFFF  }
0xcb: {  	_ =	shalt  }
tec
execute0_lowered:
.L_overlay_start_1:
0x0: {  	(tag) =	ssettag $0x1  }
0x1: {  	v0 =	vimm.s32 $0x1380;
	vm14 =	vcmask $0x300  }
0x2: {  	vm13 =	vcmask $0x704;
	vm12 =	vcmask $0xB08;
	vm11 =	vcmask $0xF0C  }
0x3: {  	vm10 =	vcmask $0x1310;
	vm9 =	vcmask $0x1714;
	v1 =	vlaneseq.u32  }
0x4: {  	vm8 =	vcmask $0x1B18;
	vm0 =	vcmask $0x1F1C;
	v3 =	vimm.s32 $0x1FF9  }
0x5: {  	vm1 =	vcmask $0x2320;
	vm2 =	vcmask $0x2724;
	vm3 =	vcmask $0x2B28  }
0x6: {  	vm4 =	vcmask $0x2F2C;
	vm5 =	vcmask $0x3330;
	vm6 =	vcmask $0x3734  }
0x7: {  	vm7 =	vcmask $0x3B38;
	v4 =	vimm.s32 $0x1FFA;
	v5 =	vimm.s32 $0x1FFB  }
0x8: {  	v6 =	vimm.s32 $0x1FFC;
	v7 =	vimm.s32 $0x1FFD;
	v8 =	vimm.s32 $0x1FFE  }
0x9: {  	v9 =	vimm.s32 $0x1FFF;
	v0 =	vsel vm14, $0x0, v0;
	v3 =	vsel vm14, $0xC79, v3  }
0xa: {  	v4 =	vsel vm14, $0xC7A, v4;
	v5 =	vsel vm14, $0xC7B, v5;
	v6 =	vsel vm14, $0xC7C, v6  }
0xb: {  	v7 =	vsel vm14, $0xC7D, v7;
	v8 =	vsel vm14, $0xC7E, v8;
	v9 =	vsel vm14, $0xC7F, v9  }
0xc: {  	v0 =	vsel vm13, $0x80, v0;
	v3 =	vsel vm13, $0xCF9, v3;
	v4 =	vsel vm13, $0xCFA, v4  }
0xd: {  	v5 =	vsel vm13, $0xCFB, v5;
	v6 =	vsel vm13, $0xCFC, v6;
	v7 =	vsel vm13, $0xCFD, v7  }
0xe: {  	v8 =	vsel vm13, $0xCFE, v8;
	v9 =	vsel vm13, $0xCFF, v9;
	v0 =	vsel vm12, $0x100, v0  }
0xf: {  	v3 =	vsel vm12, $0xD79, v3;
	v4 =	vsel vm12, $0xD7A, v4;
	v5 =	vsel vm12, $0xD7B, v5  }
0x10: {  	v6 =	vsel vm12, $0xD7C, v6;
	v7 =	vsel vm12, $0xD7D, v7;
	v8 =	vsel vm12, $0xD7E, v8  }
0x11: {  	v9 =	vsel vm12, $0xD7F, v9;
	v0 =	vsel vm11, $0x180, v0;
	v3 =	vsel vm11, $0xDF9, v3  }
0x12: {  	v4 =	vsel vm11, $0xDFA, v4;
	v5 =	vsel vm11, $0xDFB, v5;
	v6 =	vsel vm11, $0xDFC, v6  }
0x13: {  	v7 =	vsel vm11, $0xDFD, v7;
	v8 =	vsel vm11, $0xDFE, v8;
	v9 =	vsel vm11, $0xDFF, v9  }
0x14: {  	v0 =	vsel vm10, $0x200, v0;
	v3 =	vsel vm10, $0xE79, v3;
	v4 =	vsel vm10, $0xE7A, v4  }
0x15: {  	v5 =	vsel vm10, $0xE7B, v5;
	v6 =	vsel vm10, $0xE7C, v6;
	v7 =	vsel vm10, $0xE7D, v7  }
0x16: {  	v8 =	vsel vm10, $0xE7E, v8;
	v9 =	vsel vm10, $0xE7F, v9;
	v2 =	vsel vm9, $0x280, v0  }
0x17: {  	v0 =	vmul.u32 $0x80, v1;
	v3 =	vsel vm9, $0xEF9, v3;
	v4 =	vsel vm9, $0xEFA, v4  }
0x18: {  	v5 =	vsel vm9, $0xEFB, v5;
	v6 =	vsel vm9, $0xEFC, v6;
	v7 =	vsel vm9, $0xEFD, v7  }
0x19: {  	v8 =	vsel vm9, $0xEFE, v8;
	v9 =	vsel vm9, $0xEFF, v9;
	v1 =	vsel vm8, $0x300, v2  }
0x1a: {  	v2 =	vimm.s32 $0x1FF8;
	v3 =	vsel vm8, $0xF79, v3;
	v4 =	vsel vm8, $0xF7A, v4  }
0x1b: {  	v5 =	vsel vm8, $0xF7B, v5;
	v6 =	vsel vm8, $0xF7C, v6;
	v7 =	vsel vm8, $0xF7D, v7  }
0x1c: {  	v8 =	vsel vm8, $0xF7E, v8;
	v9 =	vsel vm8, $0xF7F, v9;
	v1 =	vsel vm0, $0x380, v1  }
0x1d: {  	v2 =	vsel vm14, $0xC78, v2;
	v3 =	vsel vm0, $0xFF9, v3;
	v4 =	vsel vm0, $0xFFA, v4  }
0x1e: {  	v5 =	vsel vm0, $0xFFB, v5;
	v6 =	vsel vm0, $0xFFC, v6;
	v7 =	vsel vm0, $0xFFD, v7  }
0x1f: {  	v8 =	vsel vm0, $0xFFE, v8;
	v9 =	vsel vm0, $0xFFF, v9;
	v2 =	vsel vm13, $0xCF8, v2  }
0x20: {  	v1 =	vsel vm1, $0x1000, v1;
	v3 =	vsel vm1, $0x1C79, v3;
	v4 =	vsel vm1, $0x1C7A, v4  }
0x21: {  	v5 =	vsel vm1, $0x1C7B, v5;
	v6 =	vsel vm1, $0x1C7C, v6;
	v7 =	vsel vm1, $0x1C7D, v7  }
0x22: {  	v8 =	vsel vm1, $0x1C7E, v8;
	v9 =	vsel vm1, $0x1C7F, v9;
	v2 =	vsel vm12, $0xD78, v2  }
0x23: {  	v1 =	vsel vm2, $0x1080, v1;
	v3 =	vsel vm2, $0x1CF9, v3;
	v4 =	vsel vm2, $0x1CFA, v4  }
0x24: {  	s1 =	rddreg [dreg:$0x0];
	v5 =	vsel vm2, $0x1CFB, v5;
	v6 =	vsel vm2, $0x1CFC, v6;
	v7 =	vsel vm2, $0x1CFD, v7  }
0x25: {  	s3 =	rddreg [dreg:$0x1];
	v8 =	vsel vm2, $0x1CFE, v8;
	v9 =	vsel vm2, $0x1CFF, v9;
	v2 =	vsel vm11, $0xDF8, v2  }
0x26: {  	s4 =	rddreg [dreg:$0x2];
	v1 =	vsel vm3, $0x1100, v1;
	v3 =	vsel vm3, $0x1D79, v3;
	v4 =	vsel vm3, $0x1D7A, v4  }
0x27: {  	s0 =	rddreg [dreg:$0x3];
	v5 =	vsel vm3, $0x1D7B, v5;
	v6 =	vsel vm3, $0x1D7C, v6;
	v7 =	vsel vm3, $0x1D7D, v7  }
0x28: {  	s5 =	srdreg.scid;
	s2 =	rddreg [dreg:$0x4];
	v8 =	vsel vm3, $0x1D7E, v8;
	v9 =	vsel vm3, $0x1D7F, v9;
	v2 =	vsel vm10, $0xE78, v2  }
0x29: {  	s6 =	stileid.u32;
	s7 =	rddreg [dreg:$0x5];
	v1 =	vsel vm4, $0x1180, v1;
	v3 =	vsel vm4, $0x1DF9, v3;
	v4 =	vsel vm4, $0x1DFA, v4  }
0x2a: {  	s11 =	simm.s32 $0x0;
	s12 =	simm.s32 $0x1000;
	s14 =	simm.s32 $0x20000;
	v5 =	vsel vm4, $0x1DFB, v5;
	v6 =	vsel vm4, $0x1DFC, v6;
	v7 =	vsel vm4, $0x1DFD, v7  }
0x2b: {  	s18 =	simm.s32 $0x4;
	s15 =	simm.s32 $0x280;
	s16 =	simm.s32 $0x7A1400;
	v8 =	vsel vm4, $0x1DFE, v8;
	v9 =	vsel vm4, $0x1DFF, v9;
	v2 =	vsel vm9, $0xEF8, v2  }
0x2c: {  	s19 =	simm.s32 $0xC500;
	s25 =	simm.s32 $0x1;
	s17 =	simm.s32 $0x2;
	v1 =	vsel vm5, $0x1200, v1;
	v3 =	vsel vm5, $0x1E79, v3;
	v4 =	vsel vm5, $0x1E7A, v4  }
0x2d: {  	s5 =	sand.u32 $0x1, s5;
	s6 =	sshll.u32 s6, $0x1;
	[smem:$0x7FF] =	sst s11;
	v5 =	vsel vm5, $0x1E7B, v5;
	v6 =	vsel vm5, $0x1E7C, v6;
	v7 =	vsel vm5, $0x1E7D, v7  }
0x2e: {  	s11 =	simm.s32 $0x400;
	s6 =	sor.u32 s5, s6;
	s5 =	ssub.s32 $0x2, s5;
	v8 =	vsel vm5, $0x1E7E, v8;
	v9 =	vsel vm5, $0x1E7F, v9;
	v2 =	vsel vm8, $0xF78, v2  }
0x2f: {  	_ =	strace $0x80000047;
	s8 =	sshll.u32 s6, $0x9;
	s9 =	sshll.u32 s6, $0x7;
	v1 =	vsel vm6, $0x1280, v1;
	v3 =	vsel vm6, $0x1EF9, v3;
	v2 =	vsel vm0, $0xFF8, v2  }
0x30: {  	s26 =	sshrl.u32 s5, $0x1;
	s6 =	sshll.u32 s6, $0x6;
	s10 =	sand.u32 $0x3000, s8;
	v4 =	vsel vm6, $0x1EFA, v4;
	v5 =	vsel vm6, $0x1EFB, v5;
	v2 =	vsel vm1, $0x1C78, v2  }
0x31: {  	s9 =	sand.u32 $0x380, s9;
	s5 =	ssub.s32 s5, s26;
	s28 =	sadd.s32 s4, s8;
	v6 =	vsel vm6, $0x1EFC, v6;
	v7 =	vsel vm6, $0x1EFD, v7;
	v2 =	vsel vm2, $0x1CF8, v2  }
0x32: {  	s29 =	sadd.s32 s3, s6;
	s9 =	sor.u32 s9, s10;
	[dreg:$0x8] =	wrdreg s28;
	v8 =	vsel vm6, $0x1EFE, v8;
	v9 =	vsel vm6, $0x1EFF, v9;
	v2 =	vsel vm3, $0x1D78, v2  }
0x33: {  	s30 =	sadd.s32 s7, s8;
	[dreg:$0x9] =	wrdreg s29;
	s9 =	sshrl.u32 s9, $0x3;
	v1 =	vsel vm7, $0x1300, v1;
	v3 =	vsel vm7, $0x1F79, v3;
	v2 =	vsel vm4, $0x1DF8, v2  }
0x34: {  	[dreg:$0xa] =	wrdreg s30;
	s31 =	smax.u32 s5, $0x1;
	s1 =	sadd.s32 s9, s1;
	v4 =	vsel vm7, $0x1F7A, v4;
	v5 =	vsel vm7, $0x1F7B, v5;
	v2 =	vsel vm5, $0x1E78, v2  }
0x35: {  	s8 =	simm.s32 $0x2500;
	[dreg:$0xb] =	wrdreg s31;
	s1 =	sadd.s32 $0x400, s1;
	v6 =	vsel vm7, $0x1F7C, v6;
	v7 =	vsel vm7, $0x1F7D, v7;
	v2 =	vsel vm6, $0x1EF8, v2  }
0x36: {  	s4 =	simm.s32 $0x0;
	s9 =	simm.s32 $0x3;
	[dreg:$0x7] =	wrdreg s1;
	v8 =	vsel vm7, $0x1F7E, v8;
	v9 =	vsel vm7, $0x1F7F, v9;
	v2 =	vsel vm7, $0x1F78, v2  }
.LBB2_1:
0x37: {  	[dreg:$0xc] =	wrdreg s4  }
0x38: {  	s1 =	simm.s32 $0x0;
	s23 =	rddreg [dreg:$0x7];
	s10 =	simm.s32 $0x80  }
0x39: {  	[tilespmem:s1], [sflag:$0x4] =	stream.strided.gather [hbm4b:s23+s10], $0x200, s11, s10, $0x38;
	[tilespmem:$0x1C500] =	vst v63  }
0x3a: {  	_ =	swait.ge [sflag:s18], $0x200  }
0x3b: {  	[sflag:s18] =	ssyncset.done $0x0  }
0x3c: {  	s24 =	rddreg [dreg:$0x8];
	[sflag:s18] =	ssyncadd.s32 $0xFFFFFE00  }
0x3d: {  	[tilespmem:s15], [sflag:$0x4] =	stream.strided.gather [hbm4b:s24+s12], $0x2000, s14, s12, $0x38;
	[tilespmem:$0x1C500] =	vst v63  }
0x3e: {  	_ =	swait.ge [sflag:s18], $0x2000  }
0x3f: {  	[sflag:s18] =	ssyncset.done $0x0  }
0x40: {  	s28 =	simm.s32 $0x2280;
	s26 =	rddreg [dreg:$0x9];
	[sflag:s18] =	ssyncadd.s32 $0xFFFFE000  }
0x41: {  	[tilespmem:s28], [sflag:$0x4] =	stream.linear.gather [hbm4b:s26+s1], $0x200, $0x38;
	[tilespmem:$0x1C500] =	vst v63  }
0x42: {  	_ =	swait.ge [sflag:s18], $0x200  }
0x43: {  	[sflag:s18] =	ssyncset.done $0x0  }
0x44: {  	[sflag:s18] =	ssyncadd.s32 $0xFFFFFE00  }
0x45: {  	v10 =	vld [tilespmem:$0x0];
	_ =	sdelay $0x4  }
0x46: {  	(v2sf) =	vpush v10, $0x0;
	_ =	sdelay $0x3  }
0x47: {  	(v2sf) =	vpush v10, $0x1;
	_ =	sdelay $0x4  }
0x48: {  	(v2sf) =	vpush v10, $0x2;
	_ =	sdelay $0x5  }
0x49: {  	s29 =	spop (v2sf)  }
0x4a: {  	(v2sf) =	vpush v10, $0x3;
	s1 =	sand.u32 $0xFFFFF80, s29  }
0x4b: {  	s31 =	simm.s32 $0x4500;
	s30 =	sadd.s32 s0, s1  }
0x4c: {  	[tilespmem:s31], [sflag:$0x1] =	stream.strided.gather [hbm4b:s30+s11], $0x800, s16, s11, $0x38;
	[tilespmem:$0x1C500] =	vst v63  }
0x4d: {  	s3 =	simm.s32 $0x8500;
	s5 =	spop (v2sf);
	s1 =	sadd.s32 s2, s1  }
0x4e: {  	(v2sf) =	vpush v10, $0x4;
	[tilespmem:s3], [sflag:$0x1] =	stream.strided.gather [hbm4b:s1+s11], $0x800, s16, s11, $0x38;
	[tilespmem:$0x1C500] =	vst v63  }
0x4f: {  	s1 =	sand.u32 $0xFFFFF80, s5  }
0x50: {  	s7 =	simm.s32 $0x4D00;
	s6 =	sadd.s32 s0, s1  }
0x51: {  	[tilespmem:s7], [sflag:$0x1] =	stream.strided.gather [hbm4b:s6+s11], $0x800, s16, s11, $0x38;
	[tilespmem:$0x1C500] =	vst v63  }
0x52: {  	s10 =	simm.s32 $0x8D00;
	s12 =	spop (v2sf);
	s1 =	sadd.s32 s2, s1  }
0x53: {  	(v2sf) =	vpush v10, $0x5;
	[tilespmem:s10], [sflag:$0x1] =	stream.strided.gather [hbm4b:s1+s11], $0x800, s16, s11, $0x38;
	[tilespmem:$0x1C500] =	vst v63  }
0x54: {  	s1 =	sand.u32 $0xFFFFF80, s12  }
0x55: {  	s14 =	simm.s32 $0x5500;
	s13 =	sadd.s32 s0, s1  }
0x56: {  	[tilespmem:s14], [sflag:$0x1] =	stream.strided.gather [hbm4b:s13+s11], $0x800, s16, s11, $0x38;
	[tilespmem:$0x1C500] =	vst v63  }
0x57: {  	s18 =	simm.s32 $0x9500;
	s1 =	sadd.s32 s2, s1  }
0x58: {  	[tilespmem:s18], [sflag:$0x1] =	stream.strided.gather [hbm4b:s1+s11], $0x800, s16, s11, $0x38;
	[tilespmem:$0x1C500] =	vst v63  }
0x59: {  	s20 =	spop (v2sf)  }
0x5a: {  	(v2sf) =	vpush v10, $0x6;
	s1 =	sand.u32 $0xFFFFF80, s20  }
0x5b: {  	s22 =	simm.s32 $0x5D00;
	s21 =	sadd.s32 s0, s1  }
0x5c: {  	[tilespmem:s22], [sflag:$0x1] =	stream.strided.gather [hbm4b:s21+s11], $0x800, s16, s11, $0x38;
	[tilespmem:$0x1C500] =	vst v63  }
0x5d: {  	s23 =	simm.s32 $0x9D00;
	s24 =	spop (v2sf);
	s1 =	sadd.s32 s2, s1  }
0x5e: {  	(v2sf) =	vpush v10, $0x7;
	[tilespmem:s23], [sflag:$0x1] =	stream.strided.gather [hbm4b:s1+s11], $0x800, s16, s11, $0x38;
	[tilespmem:$0x1C500] =	vst v63  }
0x5f: {  	s1 =	sand.u32 $0xFFFFF80, s24  }
0x60: {  	s28 =	simm.s32 $0x6500;
	s26 =	sadd.s32 s0, s1  }
0x61: {  	[tilespmem:s28], [sflag:$0x1] =	stream.strided.gather [hbm4b:s26+s11], $0x800, s16, s11, $0x38;
	[tilespmem:$0x1C500] =	vst v63  }
0x62: {  	s29 =	simm.s32 $0xA500;
	s30 =	spop (v2sf);
	s1 =	sadd.s32 s2, s1  }
0x63: {  	[tilespmem:s29], [sflag:$0x1] =	stream.strided.gather [hbm4b:s1+s11], $0x800, s16, s11, $0x38;
	[tilespmem:$0x1C500] =	vst v63  }
0x64: {  	s1 =	sand.u32 $0xFFFFF80, s30  }
0x65: {  	s5 =	simm.s32 $0x6D00;
	s31 =	sadd.s32 s0, s1  }
0x66: {  	[tilespmem:s5], [sflag:$0x1] =	stream.strided.gather [hbm4b:s31+s11], $0x800, s16, s11, $0x38;
	[tilespmem:$0x1C500] =	vst v63  }
0x67: {  	s3 =	simm.s32 $0xAD00;
	s1 =	sadd.s32 s2, s1  }
0x68: {  	[tilespmem:s3], [sflag:$0x1] =	stream.strided.gather [hbm4b:s1+s11], $0x800, s16, s11, $0x38;
	[tilespmem:$0x1C500] =	vst v63  }
0x69: {  	s5 =	spop (v2sf)  }
0x6a: {  	s1 =	sand.u32 $0xFFFFF80, s5  }
0x6b: {  	s7 =	simm.s32 $0x7500;
	s6 =	sadd.s32 s0, s1  }
0x6c: {  	[tilespmem:s7], [sflag:$0x1] =	stream.strided.gather [hbm4b:s6+s11], $0x800, s16, s11, $0x38;
	[tilespmem:$0x1C500] =	vst v63  }
0x6d: {  	s10 =	simm.s32 $0xB500;
	s12 =	spop (v2sf);
	s1 =	sadd.s32 s2, s1  }
0x6e: {  	[tilespmem:s10], [sflag:$0x1] =	stream.strided.gather [hbm4b:s1+s11], $0x800, s16, s11, $0x38;
	[tilespmem:$0x1C500] =	vst v63  }
0x6f: {  	s1 =	sand.u32 $0xFFFFF80, s12  }
0x70: {  	s3 =	simm.s32 $0x7D00;
	s13 =	sadd.s32 s0, s1  }
0x71: {  	[tilespmem:s3], [sflag:$0x1] =	stream.strided.gather [hbm4b:s13+s11], $0x800, s16, s11, $0x38;
	[tilespmem:$0x1C500] =	vst v63  }
0x72: {  	s14 =	simm.s32 $0xBD00;
	s1 =	sadd.s32 s2, s1  }
0x73: {  	[tilespmem:s14], [sflag:$0x1] =	stream.strided.gather [hbm4b:s1+s11], $0x800, s16, s11, $0x38;
	[tilespmem:$0x1C500] =	vst v63  }
0x74: {  	v10 =	vld [tilespmem:$0x8];
	_ =	sdelay $0x4  }
0x75: {  	(v2sf) =	vpush v10, $0x0;
	_ =	sdelay $0x3  }
0x76: {  	(v2sf) =	vpush v10, $0x1;
	_ =	sdelay $0x2  }
0x77: {  	(v2sf) =	vpush v10, $0x2;
	_ =	sdelay $0x7  }
0x78: {  	s18 =	spop (v2sf)  }
0x79: {  	(v2sf) =	vpush v10, $0x3;
	s1 =	sand.u32 $0xFFFFF80, s18  }
0x7a: {  	s20 =	sadd.s32 s0, s1  }
0x7b: {  	[tilespmem:s19], [sflag:$0x2] =	stream.strided.gather [hbm4b:s20+s11], $0x800, s16, s11, $0x38;
	[tilespmem:$0x1C500] =	vst v63  }
0x7c: {  	s21 =	simm.s32 $0x10500;
	s22 =	spop (v2sf);
	s1 =	sadd.s32 s2, s1  }
0x7d: {  	(v2sf) =	vpush v10, $0x4;
	[tilespmem:s21], [sflag:$0x2] =	stream.strided.gather [hbm4b:s1+s11], $0x800, s16, s11, $0x38;
	[tilespmem:$0x1C500] =	vst v63  }
0x7e: {  	s1 =	sand.u32 $0xFFFFF80, s22  }
0x7f: {  	s24 =	simm.s32 $0xCD00;
	s28 =	spop (v2sf);
	s23 =	sadd.s32 s0, s1  }
0x80: {  	(v2sf) =	vpush v10, $0x5;
	[tilespmem:s24], [sflag:$0x2] =	stream.strided.gather [hbm4b:s23+s11], $0x800, s16, s11, $0x38;
	[tilespmem:$0x1C500] =	vst v63  }
0x81: {  	s26 =	simm.s32 $0x10D00;
	s1 =	sadd.s32 s2, s1  }
0x82: {  	[tilespmem:s26], [sflag:$0x2] =	stream.strided.gather [hbm4b:s1+s11], $0x800, s16, s11, $0x38;
	[tilespmem:$0x1C500] =	vst v63  }
0x83: {  	s1 =	sand.u32 $0xFFFFF80, s28  }
0x84: {  	s30 =	simm.s32 $0xD500;
	s29 =	sadd.s32 s0, s1  }
0x85: {  	[tilespmem:s30], [sflag:$0x2] =	stream.strided.gather [hbm4b:s29+s11], $0x800, s16, s11, $0x38;
	[tilespmem:$0x1C500] =	vst v63  }
0x86: {  	s31 =	simm.s32 $0x11500;
	s1 =	sadd.s32 s2, s1  }
0x87: {  	[tilespmem:s31], [sflag:$0x2] =	stream.strided.gather [hbm4b:s1+s11], $0x800, s16, s11, $0x38;
	[tilespmem:$0x1C500] =	vst v63  }
0x88: {  	s4 =	spop (v2sf);
	(v2sf) =	vpush v10, $0x6  }
0x89: {  	s1 =	sand.u32 $0xFFFFF80, s4  }
0x8a: {  	s6 =	simm.s32 $0xDD00;
	s5 =	sadd.s32 s0, s1  }
0x8b: {  	[tilespmem:s6], [sflag:$0x2] =	stream.strided.gather [hbm4b:s5+s11], $0x800, s16, s11, $0x38;
	[tilespmem:$0x1C500] =	vst v63  }
0x8c: {  	s7 =	simm.s32 $0x11D00;
	s10 =	spop (v2sf);
	(v2sf) =	vpush v10, $0x7;
	s1 =	sadd.s32 s2, s1  }
0x8d: {  	[tilespmem:s7], [sflag:$0x2] =	stream.strided.gather [hbm4b:s1+s11], $0x800, s16, s11, $0x38;
	[tilespmem:$0x1C500] =	vst v63  }
0x8e: {  	s1 =	sand.u32 $0xFFFFF80, s10  }
0x8f: {  	s13 =	simm.s32 $0xE500;
	s14 =	spop (v2sf);
	s12 =	sadd.s32 s0, s1  }
0x90: {  	[tilespmem:s13], [sflag:$0x2] =	stream.strided.gather [hbm4b:s12+s11], $0x800, s16, s11, $0x38;
	[tilespmem:$0x1C500] =	vst v63  }
0x91: {  	s18 =	simm.s32 $0x12500;
	s19 =	sand.u32 $0xFFFFF80, s14;
	s1 =	sadd.s32 s2, s1  }
0x92: {  	[tilespmem:s18], [sflag:$0x2] =	stream.strided.gather [hbm4b:s1+s11], $0x800, s16, s11, $0x38;
	[tilespmem:$0x1C500] =	vst v63  }
0x93: {  	s20 =	simm.s32 $0xED00;
	s4 =	sadd.s32 s0, s19  }
0x94: {  	[tilespmem:s20], [sflag:$0x2] =	stream.strided.gather [hbm4b:s4+s11], $0x800, s16, s11, $0x38;
	[tilespmem:$0x1C500] =	vst v63  }
0x95: {  	s22 =	simm.s32 $0x12D00;
	s1 =	sadd.s32 s2, s19  }
0x96: {  	[tilespmem:s22], [sflag:$0x2] =	stream.strided.gather [hbm4b:s1+s11], $0x800, s16, s11, $0x38;
	[tilespmem:$0x1C500] =	vst v63  }
0x97: {  	s21 =	spop (v2sf)  }
0x98: {  	s23 =	sand.u32 $0xFFFFF80, s21  }
0x99: {  	s24 =	simm.s32 $0xF500;
	s4 =	sadd.s32 s0, s23  }
0x9a: {  	[tilespmem:s24], [sflag:$0x2] =	stream.strided.gather [hbm4b:s4+s11], $0x800, s16, s11, $0x38;
	[tilespmem:$0x1C500] =	vst v63  }
0x9b: {  	s26 =	simm.s32 $0x13500;
	s28 =	spop (v2sf);
	s1 =	sadd.s32 s2, s23  }
0x9c: {  	[tilespmem:s26], [sflag:$0x2] =	stream.strided.gather [hbm4b:s1+s11], $0x800, s16, s11, $0x38;
	[tilespmem:$0x1C500] =	vst v63  }
0x9d: {  	s1 =	sand.u32 $0xFFFFF80, s28  }
0x9e: {  	s30 =	simm.s32 $0xFD00;
	s29 =	sadd.s32 s0, s1  }
0x9f: {  	[tilespmem:s30], [sflag:$0x2] =	stream.strided.gather [hbm4b:s29+s11], $0x800, s16, s11, $0x38;
	[tilespmem:$0x1C500] =	vst v63  }
0xa0: {  	s31 =	simm.s32 $0x13D00;
	s14 =	simm.s32 $0x10;
	s1 =	sadd.s32 s2, s1  }
0xa1: {  	[tilespmem:s31], [sflag:$0x2] =	stream.strided.gather [hbm4b:s1+s11], $0x800, s16, s11, $0x38;
	[tilespmem:$0x1C500] =	vst v63  }
0xa2: {  	s10 =	simm.s32 $0x0;
	s4 =	simm.s32 $0x0;
	s1 =	simm.s32 $0x2290  }
.LBB2_2:
0xa3: {  	v10 =	vld [tilespmem:s14+$0x0];
	_ =	sdelay $0x4  }
0xa4: {  	(v2sf) =	vpush v10, $0x0;
	_ =	sdelay $0x1  }
0xa5: {  	(v2sf) =	vpush v10, $0x1;
	_ =	sdelay $0x5  }
0xa6: {  	(v2sf) =	vpush v10, $0x2;
	_ =	sdelay $0x6  }
0xa7: {  	s18 =	spop (v2sf);
	(v2sf) =	vpush v10, $0x3  }
0xa8: {  	s3 =	simm.s32 $0x14500;
	s18 =	sand.u32 $0xFFFFF80, s18  }
0xa9: {  	s12 =	sadd.s32 s0, s18;
	s7 =	sadd.s32 s2, s18;
	s18 =	spop (v2sf)  }
0xaa: {  	[tilespmem:s3], [sflag:$0x3] =	stream.strided.gather [hbm4b:s12+s11], $0x800, s16, s11, $0x38;
	[tilespmem:$0x1C500] =	vst v63  }
0xab: {  	s13 =	simm.s32 $0x18500;
	(v2sf) =	vpush v10, $0x4;
	s12 =	sand.u32 $0xFFFFF80, s18  }
0xac: {  	[tilespmem:s13], [sflag:$0x3] =	stream.strided.gather [hbm4b:s7+s11], $0x800, s16, s11, $0x38;
	[tilespmem:$0x1C500] =	vst v63  }
0xad: {  	s20 =	simm.s32 $0x14D00;
	s19 =	sadd.s32 s0, s12  }
0xae: {  	[tilespmem:s20], [sflag:$0x3] =	stream.strided.gather [hbm4b:s19+s11], $0x800, s16, s11, $0x38;
	[tilespmem:$0x1C500] =	vst v63  }
0xaf: {  	s21 =	simm.s32 $0x18D00;
	s22 =	spop (v2sf);
	s12 =	sadd.s32 s2, s12  }
0xb0: {  	(v2sf) =	vpush v10, $0x5;
	[tilespmem:s21], [sflag:$0x3] =	stream.strided.gather [hbm4b:s12+s11], $0x800, s16, s11, $0x38;
	[tilespmem:$0x1C500] =	vst v63  }
0xb1: {  	s12 =	sand.u32 $0xFFFFF80, s22  }
0xb2: {  	s24 =	simm.s32 $0x15500;
	s23 =	sadd.s32 s0, s12  }
0xb3: {  	[tilespmem:s24], [sflag:$0x3] =	stream.strided.gather [hbm4b:s23+s11], $0x800, s16, s11, $0x38;
	[tilespmem:$0x1C500] =	vst v63  }
0xb4: {  	s26 =	simm.s32 $0x19500;
	s12 =	sadd.s32 s2, s12  }
0xb5: {  	[tilespmem:s26], [sflag:$0x3] =	stream.strided.gather [hbm4b:s12+s11], $0x800, s16, s11, $0x38;
	[tilespmem:$0x1C500] =	vst v63  }
0xb6: {  	s28 =	spop (v2sf)  }
0xb7: {  	(v2sf) =	vpush v10, $0x6;
	s12 =	sand.u32 $0xFFFFF80, s28  }
0xb8: {  	s30 =	simm.s32 $0x15D00;
	s29 =	sadd.s32 s0, s12  }
0xb9: {  	[tilespmem:s30], [sflag:$0x3] =	stream.strided.gather [hbm4b:s29+s11], $0x800, s16, s11, $0x38;
	[tilespmem:$0x1C500] =	vst v63  }
0xba: {  	s31 =	simm.s32 $0x19D00;
	s12 =	sadd.s32 s2, s12;
	s5 =	spop (v2sf)  }
0xbb: {  	(v2sf) =	vpush v10, $0x7;
	[tilespmem:s31], [sflag:$0x3] =	stream.strided.gather [hbm4b:s12+s11], $0x800, s16, s11, $0x38;
	[tilespmem:$0x1C500] =	vst v63  }
0xbc: {  	s12 =	sand.u32 $0xFFFFF80, s5  }
0xbd: {  	s7 =	simm.s32 $0x16500;
	s6 =	sadd.s32 s0, s12  }
0xbe: {  	[tilespmem:s7], [sflag:$0x3] =	stream.strided.gather [hbm4b:s6+s11], $0x800, s16, s11, $0x38;
	[tilespmem:$0x1C500] =	vst v63  }
0xbf: {  	s13 =	simm.s32 $0x1A500;
	s18 =	spop (v2sf);
	s12 =	sadd.s32 s2, s12  }
0xc0: {  	[tilespmem:s13], [sflag:$0x3] =	stream.strided.gather [hbm4b:s12+s11], $0x800, s16, s11, $0x38;
	[tilespmem:$0x1C500] =	vst v63  }
0xc1: {  	s12 =	sand.u32 $0xFFFFF80, s18  }
0xc2: {  	s20 =	simm.s32 $0x16D00;
	s19 =	sadd.s32 s0, s12  }
0xc3: {  	[tilespmem:s20], [sflag:$0x3] =	stream.strided.gather [hbm4b:s19+s11], $0x800, s16, s11, $0x38;
	[tilespmem:$0x1C500] =	vst v63  }
0xc4: {  	s21 =	simm.s32 $0x1AD00;
	s12 =	sadd.s32 s2, s12  }
0xc5: {  	[tilespmem:s21], [sflag:$0x3] =	stream.strided.gather [hbm4b:s12+s11], $0x800, s16, s11, $0x38;
	[tilespmem:$0x1C500] =	vst v63  }
0xc6: {  	s22 =	spop (v2sf)  }
0xc7: {  	s12 =	sand.u32 $0xFFFFF80, s22  }
0xc8: {  	s24 =	simm.s32 $0x17500;
	s23 =	sadd.s32 s0, s12  }
0xc9: {  	[tilespmem:s24], [sflag:$0x3] =	stream.strided.gather [hbm4b:s23+s11], $0x800, s16, s11, $0x38;
	[tilespmem:$0x1C500] =	vst v63  }
0xca: {  	s26 =	simm.s32 $0x1B500;
	s12 =	sadd.s32 s2, s12;
	s28 =	spop (v2sf)  }
0xcb: {  	[tilespmem:s26], [sflag:$0x3] =	stream.strided.gather [hbm4b:s12+s11], $0x800, s16, s11, $0x38;
	[tilespmem:$0x1C500] =	vst v63  }
0xcc: {  	s12 =	sand.u32 $0xFFFFF80, s28  }
0xcd: {  	s30 =	simm.s32 $0x17D00;
	s29 =	sadd.s32 s0, s12  }
0xce: {  	[tilespmem:s30], [sflag:$0x3] =	stream.strided.gather [hbm4b:s29+s11], $0x800, s16, s11, $0x38;
	[tilespmem:$0x1C500] =	vst v63  }
0xcf: {  	s31 =	simm.s32 $0x1BD00;
	s12 =	sadd.s32 s2, s12  }
0xd0: {  	[tilespmem:s31], [sflag:$0x3] =	stream.strided.gather [hbm4b:s12+s11], $0x800, s16, s11, $0x38;
	[tilespmem:$0x1C500] =	vst v63  }
0xd1: {  	v11 =	vld [tilespmem:s14+$0xFFFFFFF0]  }
0xd2: {  	v10 =	vld [tilespmem:s1+$0xFFFFFFF0];
	_ =	swait.ge [sflag:s25], $0x800  }
0xd3: {  	[sflag:s25] =	ssyncset.done $0x0  }
0xd4: {  	[sflag:s25] =	ssyncadd.s32 $0xFFFFF800  }
0xd5: {  	_ =	swait.ge [sflag:s25], $0x800  }
0xd6: {  	[sflag:s25] =	ssyncset.done $0x0  }
0xd7: {  	[sflag:s25] =	ssyncadd.s32 $0xFFFFF800  }
0xd8: {  	_ =	swait.ge [sflag:s25], $0x800  }
0xd9: {  	[sflag:s25] =	ssyncset.done $0x0  }
0xda: {  	[sflag:s25] =	ssyncadd.s32 $0xFFFFF800  }
0xdb: {  	_ =	swait.ge [sflag:s25], $0x800  }
0xdc: {  	[sflag:s25] =	ssyncset.done $0x0  }
0xdd: {  	[sflag:s25] =	ssyncadd.s32 $0xFFFFF800  }
0xde: {  	_ =	swait.ge [sflag:s25], $0x800  }
0xdf: {  	[sflag:s25] =	ssyncset.done $0x0  }
0xe0: {  	[sflag:s25] =	ssyncadd.s32 $0xFFFFF800  }
0xe1: {  	_ =	swait.ge [sflag:s25], $0x800  }
0xe2: {  	[sflag:s25] =	ssyncset.done $0x0  }
0xe3: {  	[sflag:s25] =	ssyncadd.s32 $0xFFFFF800  }
0xe4: {  	_ =	swait.ge [sflag:s25], $0x800  }
0xe5: {  	[sflag:s25] =	ssyncset.done $0x0  }
0xe6: {  	[sflag:s25] =	ssyncadd.s32 $0xFFFFF800  }
0xe7: {  	_ =	swait.ge [sflag:s25], $0x800  }
0xe8: {  	[sflag:s25] =	ssyncset.done $0x0  }
0xe9: {  	[sflag:s25] =	ssyncadd.s32 $0xFFFFF800  }
0xea: {  	_ =	swait.ge [sflag:s25], $0x800  }
0xeb: {  	[sflag:s25] =	ssyncset.done $0x0  }
0xec: {  	[sflag:s25] =	ssyncadd.s32 $0xFFFFF800  }
0xed: {  	_ =	swait.ge [sflag:s25], $0x800  }
0xee: {  	[sflag:s25] =	ssyncset.done $0x0  }
0xef: {  	[sflag:s25] =	ssyncadd.s32 $0xFFFFF800  }
0xf0: {  	_ =	swait.ge [sflag:s25], $0x800  }
0xf1: {  	[sflag:s25] =	ssyncset.done $0x0  }
0xf2: {  	[sflag:s25] =	ssyncadd.s32 $0xFFFFF800  }
0xf3: {  	_ =	swait.ge [sflag:s25], $0x800  }
0xf4: {  	[sflag:s25] =	ssyncset.done $0x0  }
0xf5: {  	[sflag:s25] =	ssyncadd.s32 $0xFFFFF800  }
0xf6: {  	_ =	swait.ge [sflag:s25], $0x800  }
0xf7: {  	[sflag:s25] =	ssyncset.done $0x0  }
0xf8: {  	[sflag:s25] =	ssyncadd.s32 $0xFFFFF800  }
0xf9: {  	_ =	swait.ge [sflag:s25], $0x800  }
0xfa: {  	v11 =	vand.u32 $0x7F, v11;
	[sflag:s25] =	ssyncset.done $0x0  }
0xfb: {  	v12 =	vbroadcast v11, $0x0;
	[sflag:s25] =	ssyncadd.s32 $0xFFFFF800  }
0xfc: {  	_ =	swait.ge [sflag:s25], $0x800  }
0xfd: {  	v12 =	vor.u32 v0, v12;
	[sflag:s25] =	ssyncset.done $0x0  }
0xfe: {  	[sflag:s25] =	ssyncadd.s32 $0xFFFFF800  }
0xff: {  	_ =	swait.ge [sflag:s25], $0x800  }
0x100: {  	[sflag:s25] =	ssyncset.done $0x0  }
0x101: {  	s20 =	simm.s32 $0x8500;
	[sflag:s25] =	ssyncadd.s32 $0xFFFFF800  }
0x102: {  	v13 =	vld.idx.msk [tilespmem:v12+s20+$0x0], $0xffff;
	_ =	sdelay $0x2  }
0x103: {  	v14 =	vmov s4  }
0x104: {  	v15 =	vshll.u32 v14, $0x3  }
0x105: {  	v14 =	vand.u32 $0x78, v14;
	v15 =	vand.u32 $0x1C00, v15;
	v13 =	vmul.f32 $1.442695020e+00, v13  }
0x106: {  	v14 =	vor.u32 v14, v15  }
0x107: {  	v14 =	vadd.s32 v1, v14;
	(erf) = vpow2.f32 v13;
	_ =	sdelay $0x4  }
0x108: {  	v47 =	vld.idx.msk [tilespmem:v14+s15+$0x0], $0xffff  }
0x109: {  	s26 =	simm.s32 $0x4500  }
0x10a: {  	v12 =	vld.idx.msk [tilespmem:v12+s26+$0x0], $0xffff;
	_ =	sdelay $0x1  }
0x10b: {  	v48 =	vpop (erf)  }
0x10c: {  	v49 =	vbroadcast v11, $0x1;
	v13 =	vmul.f32 v48, v47;
	_ =	sdelay $0x1  }
0x10d: {  	v16 =	vbroadcast v10, $0x0;
	v50 =	vor.u32 v0, v49;
	v12 =	vadd.f32 v13, v12;
	_ =	sdelay $0x1  }
0x10e: {  	v12 =	vmul.f32 v12, v16;
	_ =	sdelay $0x1  }
0x10f: {  	s21 =	simm.s32 $0x8D00;
	[tilespmem:v14+s8+$0x0] =	vst.idx.msk $0xffff, v12  }
0x110: {  	v12 =	vld.idx.msk [tilespmem:v50+s21+$0x0], $0xffff;
	_ =	sdelay $0x1  }
0x111: {  	s3 =	sadd.s32 $0x1, s4  }
0x112: {  	v51 =	vmov s3  }
0x113: {  	v52 =	vshll.u32 v51, $0x3  }
0x114: {  	v15 =	vand.u32 $0x1C00, v52;
	v14 =	vand.u32 $0x79, v51;
	v12 =	vmul.f32 $1.442695020e+00, v12  }
0x115: {  	v14 =	vor.u32 v14, v15  }
0x116: {  	v14 =	vadd.s32 v1, v14;
	(erf) = vpow2.f32 v12;
	_ =	sdelay $0x4  }
0x117: {  	v53 =	vld.idx.msk [tilespmem:v14+s15+$0x0], $0xffff  }
0x118: {  	s13 =	simm.s32 $0x4D00  }
0x119: {  	v13 =	vld.idx.msk [tilespmem:v50+s13+$0x0], $0xffff;
	_ =	sdelay $0x1  }
0x11a: {  	v54 =	vpop (erf)  }
0x11b: {  	v55 =	vbroadcast v11, $0x2;
	v12 =	vmul.f32 v54, v53;
	_ =	sdelay $0x1  }
0x11c: {  	v56 =	vbroadcast v10, $0x1;
	v57 =	vor.u32 v0, v55;
	v12 =	vadd.f32 v12, v13;
	_ =	sdelay $0x1  }
0x11d: {  	v12 =	vmul.f32 v12, v56;
	_ =	sdelay $0x1  }
0x11e: {  	s22 =	simm.s32 $0x9500;
	[tilespmem:v14+s8+$0x0] =	vst.idx.msk $0xffff, v12  }
0x11f: {  	v12 =	vld.idx.msk [tilespmem:v57+s22+$0x0], $0xffff;
	_ =	sdelay $0x1  }
0x120: {  	s5 =	sadd.s32 $0x2, s4  }
0x121: {  	v58 =	vmov s5  }
0x122: {  	v59 =	vshll.u32 v58, $0x3  }
0x123: {  	v15 =	vand.u32 $0x1C00, v59;
	v14 =	vand.u32 $0x7A, v58;
	v12 =	vmul.f32 $1.442695020e+00, v12  }
0x124: {  	v14 =	vor.u32 v14, v15  }
0x125: {  	v14 =	vadd.s32 v1, v14;
	(erf) = vpow2.f32 v12;
	_ =	sdelay $0x4  }
0x126: {  	v60 =	vld.idx.msk [tilespmem:v14+s15+$0x0], $0xffff  }
0x127: {  	s28 =	simm.s32 $0x5500  }
0x128: {  	v13 =	vld.idx.msk [tilespmem:v57+s28+$0x0], $0xffff;
	_ =	sdelay $0x1  }
0x129: {  	v61 =	vpop (erf)  }
0x12a: {  	v62 =	vbroadcast v11, $0x3;
	v12 =	vmul.f32 v61, v60;
	_ =	sdelay $0x1  }
0x12b: {  	v63 =	vbroadcast v10, $0x2;
	v18 =	vor.u32 v0, v62;
	v12 =	vadd.f32 v12, v13;
	_ =	sdelay $0x1  }
0x12c: {  	v12 =	vmul.f32 v12, v63;
	_ =	sdelay $0x1  }
0x12d: {  	s23 =	simm.s32 $0x9D00;
	[tilespmem:v14+s8+$0x0] =	vst.idx.msk $0xffff, v12  }
0x12e: {  	v12 =	vld.idx.msk [tilespmem:v18+s23+$0x0], $0xffff;
	_ =	sdelay $0x1  }
0x12f: {  	s6 =	sadd.s32 $0x3, s4  }
0x130: {  	v19 =	vmov s6  }
0x131: {  	v20 =	vshll.u32 v19, $0x3  }
0x132: {  	v15 =	vand.u32 $0x1C00, v20;
	v14 =	vand.u32 $0x7B, v19;
	v12 =	vmul.f32 $1.442695020e+00, v12  }
0x133: {  	v14 =	vor.u32 v14, v15  }
0x134: {  	v14 =	vadd.s32 v1, v14;
	(erf) = vpow2.f32 v12;
	_ =	sdelay $0x4  }
0x135: {  	v21 =	vld.idx.msk [tilespmem:v14+s15+$0x0], $0xffff  }
0x136: {  	s29 =	simm.s32 $0x5D00  }
0x137: {  	v13 =	vld.idx.msk [tilespmem:v18+s29+$0x0], $0xffff;
	_ =	sdelay $0x1  }
0x138: {  	v22 =	vpop (erf)  }
0x139: {  	v23 =	vbroadcast v11, $0x4;
	v12 =	vmul.f32 v22, v21;
	_ =	sdelay $0x1  }
0x13a: {  	v24 =	vbroadcast v10, $0x3;
	v25 =	vor.u32 v0, v23;
	v12 =	vadd.f32 v12, v13;
	_ =	sdelay $0x1  }
0x13b: {  	v12 =	vmul.f32 v12, v24;
	_ =	sdelay $0x1  }
0x13c: {  	s6 =	simm.s32 $0xA500;
	[tilespmem:v14+s8+$0x0] =	vst.idx.msk $0xffff, v12  }
0x13d: {  	v12 =	vld.idx.msk [tilespmem:v25+s6+$0x0], $0xffff;
	_ =	sdelay $0x1  }
0x13e: {  	s7 =	sadd.s32 $0x4, s4  }
0x13f: {  	v26 =	vmov s7  }
0x140: {  	v27 =	vshll.u32 v26, $0x3  }
0x141: {  	v15 =	vand.u32 $0x1C00, v27;
	v14 =	vand.u32 $0x7C, v26;
	v12 =	vmul.f32 $1.442695020e+00, v12  }
0x142: {  	v14 =	vor.u32 v14, v15  }
0x143: {  	v14 =	vadd.s32 v1, v14;
	(erf) = vpow2.f32 v12;
	_ =	sdelay $0x4  }
0x144: {  	v28 =	vld.idx.msk [tilespmem:v14+s15+$0x0], $0xffff  }
0x145: {  	s5 =	simm.s32 $0x6500  }
0x146: {  	v13 =	vld.idx.msk [tilespmem:v25+s5+$0x0], $0xffff;
	_ =	sdelay $0x1  }
0x147: {  	v29 =	vpop (erf)  }
0x148: {  	v30 =	vbroadcast v11, $0x5;
	v12 =	vmul.f32 v29, v28;
	_ =	sdelay $0x1  }
0x149: {  	v31 =	vbroadcast v10, $0x4;
	v32 =	vor.u32 v0, v30;
	v12 =	vadd.f32 v12, v13;
	_ =	sdelay $0x1  }
0x14a: {  	v12 =	vmul.f32 v12, v31;
	_ =	sdelay $0x1  }
0x14b: {  	s7 =	simm.s32 $0xAD00;
	[tilespmem:v14+s8+$0x0] =	vst.idx.msk $0xffff, v12  }
0x14c: {  	v12 =	vld.idx.msk [tilespmem:v32+s7+$0x0], $0xffff;
	_ =	sdelay $0x1  }
0x14d: {  	s18 =	sadd.s32 $0x5, s4  }
0x14e: {  	v33 =	vmov s18  }
0x14f: {  	v34 =	vshll.u32 v33, $0x3  }
0x150: {  	v15 =	vand.u32 $0x1C00, v34;
	v14 =	vand.u32 $0x7D, v33;
	v12 =	vmul.f32 $1.442695020e+00, v12  }
0x151: {  	v14 =	vor.u32 v14, v15  }
0x152: {  	v14 =	vadd.s32 v1, v14;
	(erf) = vpow2.f32 v12;
	_ =	sdelay $0x4  }
0x153: {  	v35 =	vld.idx.msk [tilespmem:v14+s15+$0x0], $0xffff  }
0x154: {  	s30 =	simm.s32 $0x6D00  }
0x155: {  	v13 =	vld.idx.msk [tilespmem:v32+s30+$0x0], $0xffff;
	_ =	sdelay $0x1  }
0x156: {  	v36 =	vpop (erf)  }
0x157: {  	v37 =	vbroadcast v11, $0x6;
	v12 =	vmul.f32 v36, v35;
	_ =	sdelay $0x1  }
0x158: {  	v38 =	vbroadcast v10, $0x5;
	v39 =	vor.u32 v0, v37;
	v12 =	vadd.f32 v12, v13;
	_ =	sdelay $0x1  }
0x159: {  	v12 =	vmul.f32 v12, v38;
	_ =	sdelay $0x1  }
0x15a: {  	s3 =	simm.s32 $0xB500;
	[tilespmem:v14+s8+$0x0] =	vst.idx.msk $0xffff, v12  }
0x15b: {  	v12 =	vld.idx.msk [tilespmem:v39+s3+$0x0], $0xffff;
	_ =	sdelay $0x1  }
0x15c: {  	s19 =	sadd.s32 $0x6, s4  }
0x15d: {  	v40 =	vmov s19  }
0x15e: {  	v41 =	vshll.u32 v40, $0x3  }
0x15f: {  	v15 =	vand.u32 $0x1C00, v41;
	v14 =	vand.u32 $0x7E, v40;
	v12 =	vmul.f32 $1.442695020e+00, v12  }
0x160: {  	v14 =	vor.u32 v14, v15  }
0x161: {  	v14 =	vadd.s32 v1, v14;
	(erf) = vpow2.f32 v12;
	_ =	sdelay $0x4  }
0x162: {  	v42 =	vld.idx.msk [tilespmem:v14+s15+$0x0], $0xffff  }
0x163: {  	s31 =	simm.s32 $0x7500  }
0x164: {  	v13 =	vld.idx.msk [tilespmem:v39+s31+$0x0], $0xffff;
	_ =	sdelay $0x1  }
0x165: {  	v43 =	vpop (erf)  }
0x166: {  	v11 =	vbroadcast v11, $0x7;
	v12 =	vmul.f32 v43, v42;
	_ =	sdelay $0x1  }
0x167: {  	v44 =	vbroadcast v10, $0x6;
	v11 =	vor.u32 v0, v11;
	v12 =	vadd.f32 v12, v13;
	_ =	sdelay $0x1  }
0x168: {  	v12 =	vmul.f32 v12, v44;
	_ =	sdelay $0x1  }
0x169: {  	s19 =	simm.s32 $0xBD00;
	[tilespmem:v14+s8+$0x0] =	vst.idx.msk $0xffff, v12  }
0x16a: {  	v12 =	vld.idx.msk [tilespmem:v11+s19+$0x0], $0xffff;
	_ =	sdelay $0x1  }
0x16b: {  	s24 =	sadd.s32 $0x7, s4  }
0x16c: {  	v45 =	vmov s24  }
0x16d: {  	v46 =	vshll.u32 v45, $0x3  }
0x16e: {  	v13 =	vand.u32 $0x7F, v45;
	v14 =	vand.u32 $0x1C00, v46;
	v12 =	vmul.f32 $1.442695020e+00, v12  }
0x16f: {  	v13 =	vor.u32 v13, v14  }
0x170: {  	v13 =	vadd.s32 v1, v13;
	(erf) = vpow2.f32 v12;
	_ =	sdelay $0x4  }
0x171: {  	v47 =	vld.idx.msk [tilespmem:v13+s15+$0x0], $0xffff  }
0x172: {  	s24 =	simm.s32 $0x7D00  }
0x173: {  	v11 =	vld.idx.msk [tilespmem:v11+s24+$0x0], $0xffff;
	_ =	sdelay $0x1  }
0x174: {  	v48 =	vpop (erf)  }
0x175: {  	v12 =	vmul.f32 v48, v47;
	_ =	sdelay $0x1  }
0x176: {  	v10 =	vbroadcast v10, $0x7;
	v11 =	vadd.f32 v12, v11;
	_ =	sdelay $0x1  }
0x177: {  	v10 =	vmul.f32 v11, v10;
	_ =	sdelay $0x1  }
0x178: {  	[tilespmem:v13+s8+$0x0] =	vst.idx.msk $0xffff, v10  }
0x179: {  	v10 =	vld [tilespmem:s14+$0x8];
	_ =	sdelay $0x4  }
0x17a: {  	(v2sf) =	vpush v10, $0x0;
	_ =	sdelay $0x3  }
0x17b: {  	(v2sf) =	vpush v10, $0x1;
	_ =	sdelay $0x6  }
0x17c: {  	(v2sf) =	vpush v10, $0x2;
	_ =	sdelay $0x3  }
0x17d: {  	s18 =	spop (v2sf)  }
0x17e: {  	s12 =	sand.u32 $0xFFFFF80, s18  }
0x17f: {  	(v2sf) =	vpush v10, $0x3;
	s18 =	sadd.s32 s0, s12  }
0x180: {  	[tilespmem:s26], [sflag:$0x1] =	stream.strided.gather [hbm4b:s18+s11], $0x800, s16, s11, $0x38;
	[tilespmem:$0x1C500] =	vst v63  }
0x181: {  	s12 =	sadd.s32 s2, s12;
	s18 =	spop (v2sf)  }
0x182: {  	[tilespmem:s20], [sflag:$0x1] =	stream.strided.gather [hbm4b:s12+s11], $0x800, s16, s11, $0x38;
	[tilespmem:$0x1C500] =	vst v63  }
0x183: {  	(v2sf) =	vpush v10, $0x4;
	s12 =	sand.u32 $0xFFFFF80, s18  }
0x184: {  	s20 =	sadd.s32 s0, s12  }
0x185: {  	[tilespmem:s13], [sflag:$0x1] =	stream.strided.gather [hbm4b:s20+s11], $0x800, s16, s11, $0x38;
	[tilespmem:$0x1C500] =	vst v63  }
0x186: {  	s12 =	sadd.s32 s2, s12  }
0x187: {  	[tilespmem:s21], [sflag:$0x1] =	stream.strided.gather [hbm4b:s12+s11], $0x800, s16, s11, $0x38;
	[tilespmem:$0x1C500] =	vst v63  }
0x188: {  	s21 =	spop (v2sf)  }
0x189: {  	s12 =	sand.u32 $0xFFFFF80, s21  }
0x18a: {  	(v2sf) =	vpush v10, $0x5;
	s26 =	sadd.s32 s0, s12  }
0x18b: {  	[tilespmem:s28], [sflag:$0x1] =	stream.strided.gather [hbm4b:s26+s11], $0x800, s16, s11, $0x38;
	[tilespmem:$0x1C500] =	vst v63  }
0x18c: {  	s12 =	sadd.s32 s2, s12  }
0x18d: {  	[tilespmem:s22], [sflag:$0x1] =	stream.strided.gather [hbm4b:s12+s11], $0x800, s16, s11, $0x38;
	[tilespmem:$0x1C500] =	vst v63  }
0x18e: {  	s28 =	spop (v2sf)  }
0x18f: {  	s12 =	sand.u32 $0xFFFFF80, s28  }
0x190: {  	(v2sf) =	vpush v10, $0x6;
	s13 =	sadd.s32 s0, s12  }
0x191: {  	[tilespmem:s29], [sflag:$0x1] =	stream.strided.gather [hbm4b:s13+s11], $0x800, s16, s11, $0x38;
	[tilespmem:$0x1C500] =	vst v63  }
0x192: {  	s12 =	sadd.s32 s2, s12;
	s20 =	spop (v2sf)  }
0x193: {  	[tilespmem:s23], [sflag:$0x1] =	stream.strided.gather [hbm4b:s12+s11], $0x800, s16, s11, $0x38;
	[tilespmem:$0x1C500] =	vst v63  }
0x194: {  	(v2sf) =	vpush v10, $0x7;
	s12 =	sand.u32 $0xFFFFF80, s20  }
0x195: {  	s21 =	sadd.s32 s0, s12  }
0x196: {  	[tilespmem:s5], [sflag:$0x1] =	stream.strided.gather [hbm4b:s21+s11], $0x800, s16, s11, $0x38;
	[tilespmem:$0x1C500] =	vst v63  }
0x197: {  	s12 =	sadd.s32 s2, s12  }
0x198: {  	[tilespmem:s6], [sflag:$0x1] =	stream.strided.gather [hbm4b:s12+s11], $0x800, s16, s11, $0x38;
	[tilespmem:$0x1C500] =	vst v63  }
0x199: {  	s22 =	spop (v2sf)  }
0x19a: {  	s12 =	sand.u32 $0xFFFFF80, s22  }
0x19b: {  	s23 =	sadd.s32 s0, s12  }
0x19c: {  	[tilespmem:s30], [sflag:$0x1] =	stream.strided.gather [hbm4b:s23+s11], $0x800, s16, s11, $0x38;
	[tilespmem:$0x1C500] =	vst v63  }
0x19d: {  	s12 =	sadd.s32 s2, s12  }
0x19e: {  	[tilespmem:s7], [sflag:$0x1] =	stream.strided.gather [hbm4b:s12+s11], $0x800, s16, s11, $0x38;
	[tilespmem:$0x1C500] =	vst v63  }
0x19f: {  	s26 =	spop (v2sf)  }
0x1a0: {  	s12 =	sand.u32 $0xFFFFF80, s26  }
0x1a1: {  	s28 =	sadd.s32 s0, s12  }
0x1a2: {  	[tilespmem:s31], [sflag:$0x1] =	stream.strided.gather [hbm4b:s28+s11], $0x800, s16, s11, $0x38;
	[tilespmem:$0x1C500] =	vst v63  }
0x1a3: {  	s12 =	sadd.s32 s2, s12;
	s29 =	spop (v2sf)  }
0x1a4: {  	[tilespmem:s3], [sflag:$0x1] =	stream.strided.gather [hbm4b:s12+s11], $0x800, s16, s11, $0x38;
	[tilespmem:$0x1C500] =	vst v63  }
0x1a5: {  	s12 =	sand.u32 $0xFFFFF80, s29  }
0x1a6: {  	s30 =	sadd.s32 s0, s12  }
0x1a7: {  	[tilespmem:s24], [sflag:$0x1] =	stream.strided.gather [hbm4b:s30+s11], $0x800, s16, s11, $0x38;
	[tilespmem:$0x1C500] =	vst v63  }
0x1a8: {  	s12 =	sadd.s32 s2, s12  }
0x1a9: {  	[tilespmem:s19], [sflag:$0x1] =	stream.strided.gather [hbm4b:s12+s11], $0x800, s16, s11, $0x38;
	[tilespmem:$0x1C500] =	vst v63  }
0x1aa: {  	v11 =	vld [tilespmem:s14+$0xFFFFFFF8]  }
0x1ab: {  	v10 =	vld [tilespmem:s1+$0xFFFFFFF8];
	_ =	swait.ge [sflag:s17], $0x800  }
0x1ac: {  	[sflag:s17] =	ssyncset.done $0x0  }
0x1ad: {  	[sflag:s17] =	ssyncadd.s32 $0xFFFFF800  }
0x1ae: {  	_ =	swait.ge [sflag:s17], $0x800  }
0x1af: {  	[sflag:s17] =	ssyncset.done $0x0  }
0x1b0: {  	[sflag:s17] =	ssyncadd.s32 $0xFFFFF800  }
0x1b1: {  	_ =	swait.ge [sflag:s17], $0x800  }
0x1b2: {  	[sflag:s17] =	ssyncset.done $0x0  }
0x1b3: {  	[sflag:s17] =	ssyncadd.s32 $0xFFFFF800  }
0x1b4: {  	_ =	swait.ge [sflag:s17], $0x800  }
0x1b5: {  	[sflag:s17] =	ssyncset.done $0x0  }
0x1b6: {  	[sflag:s17] =	ssyncadd.s32 $0xFFFFF800  }
0x1b7: {  	_ =	swait.ge [sflag:s17], $0x800  }
0x1b8: {  	[sflag:s17] =	ssyncset.done $0x0  }
0x1b9: {  	[sflag:s17] =	ssyncadd.s32 $0xFFFFF800  }
0x1ba: {  	_ =	swait.ge [sflag:s17], $0x800  }
0x1bb: {  	[sflag:s17] =	ssyncset.done $0x0  }
0x1bc: {  	[sflag:s17] =	ssyncadd.s32 $0xFFFFF800  }
0x1bd: {  	_ =	swait.ge [sflag:s17], $0x800  }
0x1be: {  	[sflag:s17] =	ssyncset.done $0x0  }
0x1bf: {  	[sflag:s17] =	ssyncadd.s32 $0xFFFFF800  }
0x1c0: {  	_ =	swait.ge [sflag:s17], $0x800  }
0x1c1: {  	[sflag:s17] =	ssyncset.done $0x0  }
0x1c2: {  	[sflag:s17] =	ssyncadd.s32 $0xFFFFF800  }
0x1c3: {  	_ =	swait.ge [sflag:s17], $0x800  }
0x1c4: {  	[sflag:s17] =	ssyncset.done $0x0  }
0x1c5: {  	[sflag:s17] =	ssyncadd.s32 $0xFFFFF800  }
0x1c6: {  	_ =	swait.ge [sflag:s17], $0x800  }
0x1c7: {  	[sflag:s17] =	ssyncset.done $0x0  }
0x1c8: {  	[sflag:s17] =	ssyncadd.s32 $0xFFFFF800  }
0x1c9: {  	_ =	swait.ge [sflag:s17], $0x800  }
0x1ca: {  	[sflag:s17] =	ssyncset.done $0x0  }
0x1cb: {  	[sflag:s17] =	ssyncadd.s32 $0xFFFFF800  }
0x1cc: {  	_ =	swait.ge [sflag:s17], $0x800  }
0x1cd: {  	[sflag:s17] =	ssyncset.done $0x0  }
0x1ce: {  	[sflag:s17] =	ssyncadd.s32 $0xFFFFF800  }
0x1cf: {  	_ =	swait.ge [sflag:s17], $0x800  }
0x1d0: {  	[sflag:s17] =	ssyncset.done $0x0  }
0x1d1: {  	[sflag:s17] =	ssyncadd.s32 $0xFFFFF800  }
0x1d2: {  	_ =	swait.ge [sflag:s17], $0x800  }
0x1d3: {  	v11 =	vand.u32 $0x7F, v11;
	[sflag:s17] =	ssyncset.done $0x0  }
0x1d4: {  	v49 =	vbroadcast v11, $0x0;
	[sflag:s17] =	ssyncadd.s32 $0xFFFFF800  }
0x1d5: {  	_ =	swait.ge [sflag:s17], $0x800  }
0x1d6: {  	v12 =	vor.u32 v0, v49;
	[sflag:s17] =	ssyncset.done $0x0  }
0x1d7: {  	[sflag:s17] =	ssyncadd.s32 $0xFFFFF800  }
0x1d8: {  	_ =	swait.ge [sflag:s17], $0x800  }
0x1d9: {  	[sflag:s17] =	ssyncset.done $0x0  }
0x1da: {  	s26 =	simm.s32 $0x10500;
	[sflag:s17] =	ssyncadd.s32 $0xFFFFF800  }
0x1db: {  	v50 =	vld.idx.msk [tilespmem:v12+s26+$0x0], $0xffff;
	_ =	sdelay $0x1  }
0x1dc: {  	s31 =	sadd.s32 $0x8, s4  }
0x1dd: {  	v51 =	vmov s31  }
0x1de: {  	v52 =	vshll.u32 v51, $0x3  }
0x1df: {  	v14 =	vand.u32 $0x78, v51;
	v15 =	vand.u32 $0x3C00, v52;
	v13 =	vmul.f32 $1.442695020e+00, v50  }
0x1e0: {  	v14 =	vor.u32 v14, v15  }
0x1e1: {  	v14 =	vadd.s32 v1, v14;
	(erf) = vpow2.f32 v13;
	_ =	sdelay $0x4  }
0x1e2: {  	v53 =	vld.idx.msk [tilespmem:v14+s15+$0x0], $0xffff  }
0x1e3: {  	s19 =	simm.s32 $0xC500  }
0x1e4: {  	v12 =	vld.idx.msk [tilespmem:v12+s19+$0x0], $0xffff;
	_ =	sdelay $0x1  }
0x1e5: {  	v54 =	vpop (erf)  }
0x1e6: {  	v55 =	vbroadcast v11, $0x1;
	v13 =	vmul.f32 v54, v53;
	_ =	sdelay $0x1  }
0x1e7: {  	v56 =	vbroadcast v10, $0x0;
	v57 =	vor.u32 v0, v55;
	v12 =	vadd.f32 v13, v12;
	_ =	sdelay $0x1  }
0x1e8: {  	v12 =	vmul.f32 v12, v56;
	_ =	sdelay $0x1  }
0x1e9: {  	s13 =	simm.s32 $0x10D00;
	[tilespmem:v14+s8+$0x0] =	vst.idx.msk $0xffff, v12  }
0x1ea: {  	v12 =	vld.idx.msk [tilespmem:v57+s13+$0x0], $0xffff;
	_ =	sdelay $0x1  }
0x1eb: {  	s3 =	sadd.s32 $0x9, s4  }
0x1ec: {  	v58 =	vmov s3  }
0x1ed: {  	v59 =	vshll.u32 v58, $0x3  }
0x1ee: {  	v15 =	vand.u32 $0x3C00, v59;
	v14 =	vand.u32 $0x79, v58;
	v12 =	vmul.f32 $1.442695020e+00, v12  }
0x1ef: {  	v14 =	vor.u32 v14, v15  }
0x1f0: {  	v14 =	vadd.s32 v1, v14;
	(erf) = vpow2.f32 v12;
	_ =	sdelay $0x4  }
0x1f1: {  	v60 =	vld.idx.msk [tilespmem:v14+s15+$0x0], $0xffff  }
0x1f2: {  	s20 =	simm.s32 $0xCD00  }
0x1f3: {  	v13 =	vld.idx.msk [tilespmem:v57+s20+$0x0], $0xffff;
	_ =	sdelay $0x1  }
0x1f4: {  	v61 =	vpop (erf)  }
0x1f5: {  	v62 =	vbroadcast v11, $0x2;
	v12 =	vmul.f32 v61, v60;
	_ =	sdelay $0x1  }
0x1f6: {  	v63 =	vbroadcast v10, $0x1;
	v18 =	vor.u32 v0, v62;
	v12 =	vadd.f32 v12, v13;
	_ =	sdelay $0x1  }
0x1f7: {  	v12 =	vmul.f32 v12, v63;
	_ =	sdelay $0x1  }
0x1f8: {  	s28 =	simm.s32 $0x11500;
	[tilespmem:v14+s8+$0x0] =	vst.idx.msk $0xffff, v12  }
0x1f9: {  	v12 =	vld.idx.msk [tilespmem:v18+s28+$0x0], $0xffff;
	_ =	sdelay $0x1  }
0x1fa: {  	s5 =	sadd.s32 $0xA, s4  }
0x1fb: {  	v19 =	vmov s5  }
0x1fc: {  	v20 =	vshll.u32 v19, $0x3  }
0x1fd: {  	v15 =	vand.u32 $0x3C00, v20;
	v14 =	vand.u32 $0x7A, v19;
	v12 =	vmul.f32 $1.442695020e+00, v12  }
0x1fe: {  	v14 =	vor.u32 v14, v15  }
0x1ff: {  	v14 =	vadd.s32 v1, v14;
	(erf) = vpow2.f32 v12;
	_ =	sdelay $0x4  }
0x200: {  	v21 =	vld.idx.msk [tilespmem:v14+s15+$0x0], $0xffff  }
0x201: {  	s21 =	simm.s32 $0xD500  }
0x202: {  	v13 =	vld.idx.msk [tilespmem:v18+s21+$0x0], $0xffff;
	_ =	sdelay $0x1  }
0x203: {  	v22 =	vpop (erf)  }
0x204: {  	v23 =	vbroadcast v11, $0x3;
	v12 =	vmul.f32 v22, v21;
	_ =	sdelay $0x1  }
0x205: {  	v24 =	vbroadcast v10, $0x2;
	v25 =	vor.u32 v0, v23;
	v12 =	vadd.f32 v12, v13;
	_ =	sdelay $0x1  }
0x206: {  	v12 =	vmul.f32 v12, v24;
	_ =	sdelay $0x1  }
0x207: {  	s29 =	simm.s32 $0x11D00;
	[tilespmem:v14+s8+$0x0] =	vst.idx.msk $0xffff, v12  }
0x208: {  	v12 =	vld.idx.msk [tilespmem:v25+s29+$0x0], $0xffff;
	_ =	sdelay $0x1  }
0x209: {  	s6 =	sadd.s32 $0xB, s4  }
0x20a: {  	v26 =	vmov s6  }
0x20b: {  	v27 =	vshll.u32 v26, $0x3  }
0x20c: {  	v15 =	vand.u32 $0x3C00, v27;
	v14 =	vand.u32 $0x7B, v26;
	v12 =	vmul.f32 $1.442695020e+00, v12  }
0x20d: {  	v14 =	vor.u32 v14, v15  }
0x20e: {  	v14 =	vadd.s32 v1, v14;
	(erf) = vpow2.f32 v12;
	_ =	sdelay $0x4  }
0x20f: {  	v28 =	vld.idx.msk [tilespmem:v14+s15+$0x0], $0xffff  }
0x210: {  	s22 =	simm.s32 $0xDD00  }
0x211: {  	v13 =	vld.idx.msk [tilespmem:v25+s22+$0x0], $0xffff;
	_ =	sdelay $0x1  }
0x212: {  	v29 =	vpop (erf)  }
0x213: {  	v30 =	vbroadcast v11, $0x4;
	v12 =	vmul.f32 v29, v28;
	_ =	sdelay $0x1  }
0x214: {  	v31 =	vbroadcast v10, $0x3;
	v32 =	vor.u32 v0, v30;
	v12 =	vadd.f32 v12, v13;
	_ =	sdelay $0x1  }
0x215: {  	v12 =	vmul.f32 v12, v31;
	_ =	sdelay $0x1  }
0x216: {  	s5 =	simm.s32 $0x12500;
	[tilespmem:v14+s8+$0x0] =	vst.idx.msk $0xffff, v12  }
0x217: {  	v12 =	vld.idx.msk [tilespmem:v32+s5+$0x0], $0xffff;
	_ =	sdelay $0x1  }
0x218: {  	s7 =	sadd.s32 $0xC, s4  }
0x219: {  	v33 =	vmov s7  }
0x21a: {  	v34 =	vshll.u32 v33, $0x3  }
0x21b: {  	v15 =	vand.u32 $0x3C00, v34;
	v14 =	vand.u32 $0x7C, v33;
	v12 =	vmul.f32 $1.442695020e+00, v12  }
0x21c: {  	v14 =	vor.u32 v14, v15  }
0x21d: {  	v14 =	vadd.s32 v1, v14;
	(erf) = vpow2.f32 v12;
	_ =	sdelay $0x4  }
0x21e: {  	v35 =	vld.idx.msk [tilespmem:v14+s15+$0x0], $0xffff  }
0x21f: {  	s23 =	simm.s32 $0xE500  }
0x220: {  	v13 =	vld.idx.msk [tilespmem:v32+s23+$0x0], $0xffff;
	_ =	sdelay $0x1  }
0x221: {  	v36 =	vpop (erf)  }
0x222: {  	v37 =	vbroadcast v11, $0x5;
	v12 =	vmul.f32 v36, v35;
	_ =	sdelay $0x1  }
0x223: {  	v38 =	vbroadcast v10, $0x4;
	v39 =	vor.u32 v0, v37;
	v12 =	vadd.f32 v12, v13;
	_ =	sdelay $0x1  }
0x224: {  	v12 =	vmul.f32 v12, v38;
	_ =	sdelay $0x1  }
0x225: {  	s30 =	simm.s32 $0x12D00;
	[tilespmem:v14+s8+$0x0] =	vst.idx.msk $0xffff, v12  }
0x226: {  	v12 =	vld.idx.msk [tilespmem:v39+s30+$0x0], $0xffff;
	_ =	sdelay $0x1  }
0x227: {  	s18 =	sadd.s32 $0xD, s4  }
0x228: {  	v40 =	vmov s18  }
0x229: {  	v41 =	vshll.u32 v40, $0x3  }
0x22a: {  	v15 =	vand.u32 $0x3C00, v41;
	v14 =	vand.u32 $0x7D, v40;
	v12 =	vmul.f32 $1.442695020e+00, v12  }
0x22b: {  	v14 =	vor.u32 v14, v15  }
0x22c: {  	v14 =	vadd.s32 v1, v14;
	(erf) = vpow2.f32 v12;
	_ =	sdelay $0x4  }
0x22d: {  	v42 =	vld.idx.msk [tilespmem:v14+s15+$0x0], $0xffff  }
0x22e: {  	s6 =	simm.s32 $0xED00  }
0x22f: {  	v13 =	vld.idx.msk [tilespmem:v39+s6+$0x0], $0xffff;
	_ =	sdelay $0x1  }
0x230: {  	v43 =	vpop (erf)  }
0x231: {  	v44 =	vbroadcast v11, $0x6;
	v12 =	vmul.f32 v43, v42;
	_ =	sdelay $0x1  }
0x232: {  	v45 =	vbroadcast v10, $0x5;
	v46 =	vor.u32 v0, v44;
	v12 =	vadd.f32 v12, v13;
	_ =	sdelay $0x1  }
0x233: {  	v12 =	vmul.f32 v12, v45;
	_ =	sdelay $0x1  }
0x234: {  	s31 =	simm.s32 $0x13500;
	[tilespmem:v14+s8+$0x0] =	vst.idx.msk $0xffff, v12  }
0x235: {  	v12 =	vld.idx.msk [tilespmem:v46+s31+$0x0], $0xffff;
	_ =	sdelay $0x1  }
0x236: {  	s24 =	sadd.s32 $0xE, s4  }
0x237: {  	v47 =	vmov s24  }
0x238: {  	v48 =	vshll.u32 v47, $0x3  }
0x239: {  	v15 =	vand.u32 $0x3C00, v48;
	v14 =	vand.u32 $0x7E, v47;
	v12 =	vmul.f32 $1.442695020e+00, v12  }
0x23a: {  	v14 =	vor.u32 v14, v15  }
0x23b: {  	v14 =	vadd.s32 v1, v14;
	(erf) = vpow2.f32 v12;
	_ =	sdelay $0x4  }
0x23c: {  	v49 =	vld.idx.msk [tilespmem:v14+s15+$0x0], $0xffff  }
0x23d: {  	s7 =	simm.s32 $0xF500  }
0x23e: {  	v13 =	vld.idx.msk [tilespmem:v46+s7+$0x0], $0xffff;
	_ =	sdelay $0x1  }
0x23f: {  	v50 =	vpop (erf)  }
0x240: {  	v11 =	vbroadcast v11, $0x7;
	v12 =	vmul.f32 v50, v49;
	_ =	sdelay $0x1  }
0x241: {  	v51 =	vbroadcast v10, $0x6;
	v11 =	vor.u32 v0, v11;
	v12 =	vadd.f32 v12, v13;
	_ =	sdelay $0x1  }
0x242: {  	v12 =	vmul.f32 v12, v51;
	_ =	sdelay $0x1  }
0x243: {  	s24 =	simm.s32 $0x13D00;
	[tilespmem:v14+s8+$0x0] =	vst.idx.msk $0xffff, v12  }
0x244: {  	v12 =	vld.idx.msk [tilespmem:v11+s24+$0x0], $0xffff;
	_ =	sdelay $0x1  }
0x245: {  	s3 =	sadd.s32 $0xF, s4  }
0x246: {  	v52 =	vmov s3  }
0x247: {  	v53 =	vshll.u32 v52, $0x3  }
0x248: {  	v13 =	vand.u32 $0x7F, v52;
	v14 =	vand.u32 $0x3C00, v53;
	v12 =	vmul.f32 $1.442695020e+00, v12  }
0x249: {  	v13 =	vor.u32 v13, v14  }
0x24a: {  	v13 =	vadd.s32 v1, v13;
	(erf) = vpow2.f32 v12;
	_ =	sdelay $0x4  }
0x24b: {  	v54 =	vld.idx.msk [tilespmem:v13+s15+$0x0], $0xffff  }
0x24c: {  	s3 =	simm.s32 $0xFD00  }
0x24d: {  	v11 =	vld.idx.msk [tilespmem:v11+s3+$0x0], $0xffff;
	_ =	sdelay $0x1  }
0x24e: {  	v55 =	vpop (erf)  }
0x24f: {  	v12 =	vmul.f32 v55, v54;
	_ =	sdelay $0x1  }
0x250: {  	v10 =	vbroadcast v10, $0x7;
	v11 =	vadd.f32 v12, v11;
	_ =	sdelay $0x1  }
0x251: {  	v10 =	vmul.f32 v11, v10  }
0x252: {  	s18 =	smin.u32 s10, $0x3B  }
0x253: {  	s12 =	sshll.u32 s18, $0x3;
	[tilespmem:v13+s8+$0x0] =	vst.idx.msk $0xffff, v10  }
0x254: {  	v10 =	vld [tilespmem:s12+$0x20];
	_ =	sdelay $0x4  }
0x255: {  	(v2sf) =	vpush v10, $0x0;
	_ =	sdelay $0x3  }
0x256: {  	(v2sf) =	vpush v10, $0x1;
	_ =	sdelay $0x4  }
0x257: {  	(v2sf) =	vpush v10, $0x2;
	_ =	sdelay $0x5  }
0x258: {  	s18 =	spop (v2sf)  }
0x259: {  	(v2sf) =	vpush v10, $0x3;
	s12 =	sand.u32 $0xFFFFF80, s18  }
0x25a: {  	s18 =	sadd.s32 s0, s12  }
0x25b: {  	[tilespmem:s19], [sflag:$0x2] =	stream.strided.gather [hbm4b:s18+s11], $0x800, s16, s11, $0x38;
	[tilespmem:$0x1C500] =	vst v63  }
0x25c: {  	s12 =	sadd.s32 s2, s12;
	s18 =	spop (v2sf)  }
0x25d: {  	(v2sf) =	vpush v10, $0x4;
	[tilespmem:s26], [sflag:$0x2] =	stream.strided.gather [hbm4b:s12+s11], $0x800, s16, s11, $0x38;
	[tilespmem:$0x1C500] =	vst v63  }
0x25e: {  	s12 =	sand.u32 $0xFFFFF80, s18  }
0x25f: {  	s26 =	sadd.s32 s0, s12  }
0x260: {  	[tilespmem:s20], [sflag:$0x2] =	stream.strided.gather [hbm4b:s26+s11], $0x800, s16, s11, $0x38;
	[tilespmem:$0x1C500] =	vst v63  }
0x261: {  	s12 =	sadd.s32 s2, s12;
	s26 =	spop (v2sf)  }
0x262: {  	(v2sf) =	vpush v10, $0x5;
	[tilespmem:s13], [sflag:$0x2] =	stream.strided.gather [hbm4b:s12+s11], $0x800, s16, s11, $0x38;
	[tilespmem:$0x1C500] =	vst v63  }
0x263: {  	s12 =	sand.u32 $0xFFFFF80, s26  }
0x264: {  	s13 =	sadd.s32 s0, s12  }
0x265: {  	[tilespmem:s21], [sflag:$0x2] =	stream.strided.gather [hbm4b:s13+s11], $0x800, s16, s11, $0x38;
	[tilespmem:$0x1C500] =	vst v63  }
0x266: {  	s12 =	sadd.s32 s2, s12  }
0x267: {  	[tilespmem:s28], [sflag:$0x2] =	stream.strided.gather [hbm4b:s12+s11], $0x800, s16, s11, $0x38;
	[tilespmem:$0x1C500] =	vst v63  }
0x268: {  	s20 =	spop (v2sf)  }
0x269: {  	(v2sf) =	vpush v10, $0x6;
	s12 =	sand.u32 $0xFFFFF80, s20  }
0x26a: {  	s21 =	sadd.s32 s0, s12  }
0x26b: {  	[tilespmem:s22], [sflag:$0x2] =	stream.strided.gather [hbm4b:s21+s11], $0x800, s16, s11, $0x38;
	[tilespmem:$0x1C500] =	vst v63  }
0x26c: {  	s12 =	sadd.s32 s2, s12;
	s26 =	spop (v2sf)  }
0x26d: {  	(v2sf) =	vpush v10, $0x7;
	[tilespmem:s29], [sflag:$0x2] =	stream.strided.gather [hbm4b:s12+s11], $0x800, s16, s11, $0x38;
	[tilespmem:$0x1C500] =	vst v63  }
0x26e: {  	s12 =	sand.u32 $0xFFFFF80, s26  }
0x26f: {  	s28 =	sadd.s32 s0, s12  }
0x270: {  	[tilespmem:s23], [sflag:$0x2] =	stream.strided.gather [hbm4b:s28+s11], $0x800, s16, s11, $0x38;
	[tilespmem:$0x1C500] =	vst v63  }
0x271: {  	s12 =	sadd.s32 s2, s12;
	s29 =	spop (v2sf)  }
0x272: {  	[tilespmem:s5], [sflag:$0x2] =	stream.strided.gather [hbm4b:s12+s11], $0x800, s16, s11, $0x38;
	[tilespmem:$0x1C500] =	vst v63  }
0x273: {  	s5 =	sand.u32 $0xFFFFF80, s29  }
0x274: {  	s18 =	sadd.s32 s0, s5  }
0x275: {  	[tilespmem:s6], [sflag:$0x2] =	stream.strided.gather [hbm4b:s18+s11], $0x800, s16, s11, $0x38;
	[tilespmem:$0x1C500] =	vst v63  }
0x276: {  	s12 =	sadd.s32 s2, s5  }
0x277: {  	[tilespmem:s30], [sflag:$0x2] =	stream.strided.gather [hbm4b:s12+s11], $0x800, s16, s11, $0x38;
	[tilespmem:$0x1C500] =	vst v63  }
0x278: {  	s13 =	spop (v2sf)  }
0x279: {  	s20 =	sand.u32 $0xFFFFF80, s13  }
0x27a: {  	s18 =	sadd.s32 s0, s20  }
0x27b: {  	[tilespmem:s7], [sflag:$0x2] =	stream.strided.gather [hbm4b:s18+s11], $0x800, s16, s11, $0x38;
	[tilespmem:$0x1C500] =	vst v63  }
0x27c: {  	s12 =	sadd.s32 s2, s20;
	s21 =	spop (v2sf)  }
0x27d: {  	[tilespmem:s31], [sflag:$0x2] =	stream.strided.gather [hbm4b:s12+s11], $0x800, s16, s11, $0x38;
	[tilespmem:$0x1C500] =	vst v63  }
0x27e: {  	s12 =	sand.u32 $0xFFFFF80, s21  }
0x27f: {  	s22 =	sadd.s32 s0, s12  }
0x280: {  	[tilespmem:s3], [sflag:$0x2] =	stream.strided.gather [hbm4b:s22+s11], $0x800, s16, s11, $0x38;
	[tilespmem:$0x1C500] =	vst v63  }
0x281: {  	s12 =	sadd.s32 s2, s12  }
0x282: {  	[tilespmem:s24], [sflag:$0x2] =	stream.strided.gather [hbm4b:s12+s11], $0x800, s16, s11, $0x38;
	[tilespmem:$0x1C500] =	vst v63  }
0x283: {  	v11 =	vld [tilespmem:s14+$0x0]  }
0x284: {  	v10 =	vld [tilespmem:s1+$0x0];
	_ =	swait.ge [sflag:s9], $0x800  }
0x285: {  	[sflag:s9] =	ssyncset.done $0x0  }
0x286: {  	[sflag:s9] =	ssyncadd.s32 $0xFFFFF800  }
0x287: {  	_ =	swait.ge [sflag:s9], $0x800  }
0x288: {  	[sflag:s9] =	ssyncset.done $0x0  }
0x289: {  	[sflag:s9] =	ssyncadd.s32 $0xFFFFF800  }
0x28a: {  	_ =	swait.ge [sflag:s9], $0x800  }
0x28b: {  	[sflag:s9] =	ssyncset.done $0x0  }
0x28c: {  	[sflag:s9] =	ssyncadd.s32 $0xFFFFF800  }
0x28d: {  	_ =	swait.ge [sflag:s9], $0x800  }
0x28e: {  	[sflag:s9] =	ssyncset.done $0x0  }
0x28f: {  	[sflag:s9] =	ssyncadd.s32 $0xFFFFF800  }
0x290: {  	_ =	swait.ge [sflag:s9], $0x800  }
0x291: {  	[sflag:s9] =	ssyncset.done $0x0  }
0x292: {  	[sflag:s9] =	ssyncadd.s32 $0xFFFFF800  }
0x293: {  	_ =	swait.ge [sflag:s9], $0x800  }
0x294: {  	[sflag:s9] =	ssyncset.done $0x0  }
0x295: {  	[sflag:s9] =	ssyncadd.s32 $0xFFFFF800  }
0x296: {  	_ =	swait.ge [sflag:s9], $0x800  }
0x297: {  	[sflag:s9] =	ssyncset.done $0x0  }
0x298: {  	[sflag:s9] =	ssyncadd.s32 $0xFFFFF800  }
0x299: {  	_ =	swait.ge [sflag:s9], $0x800  }
0x29a: {  	[sflag:s9] =	ssyncset.done $0x0  }
0x29b: {  	[sflag:s9] =	ssyncadd.s32 $0xFFFFF800  }
0x29c: {  	_ =	swait.ge [sflag:s9], $0x800  }
0x29d: {  	[sflag:s9] =	ssyncset.done $0x0  }
0x29e: {  	[sflag:s9] =	ssyncadd.s32 $0xFFFFF800  }
0x29f: {  	_ =	swait.ge [sflag:s9], $0x800  }
0x2a0: {  	[sflag:s9] =	ssyncset.done $0x0  }
0x2a1: {  	[sflag:s9] =	ssyncadd.s32 $0xFFFFF800  }
0x2a2: {  	_ =	swait.ge [sflag:s9], $0x800  }
0x2a3: {  	[sflag:s9] =	ssyncset.done $0x0  }
0x2a4: {  	[sflag:s9] =	ssyncadd.s32 $0xFFFFF800  }
0x2a5: {  	_ =	swait.ge [sflag:s9], $0x800  }
0x2a6: {  	[sflag:s9] =	ssyncset.done $0x0  }
0x2a7: {  	[sflag:s9] =	ssyncadd.s32 $0xFFFFF800  }
0x2a8: {  	_ =	swait.ge [sflag:s9], $0x800  }
0x2a9: {  	[sflag:s9] =	ssyncset.done $0x0  }
0x2aa: {  	[sflag:s9] =	ssyncadd.s32 $0xFFFFF800  }
0x2ab: {  	_ =	swait.ge [sflag:s9], $0x800  }
0x2ac: {  	v11 =	vand.u32 $0x7F, v11;
	[sflag:s9] =	ssyncset.done $0x0  }
0x2ad: {  	v56 =	vbroadcast v11, $0x0;
	[sflag:s9] =	ssyncadd.s32 $0xFFFFF800  }
0x2ae: {  	_ =	swait.ge [sflag:s9], $0x800  }
0x2af: {  	v12 =	vor.u32 v0, v56;
	[sflag:s9] =	ssyncset.done $0x0  }
0x2b0: {  	[sflag:s9] =	ssyncadd.s32 $0xFFFFF800  }
0x2b1: {  	_ =	swait.ge [sflag:s9], $0x800  }
0x2b2: {  	[sflag:s9] =	ssyncset.done $0x0  }
0x2b3: {  	s23 =	simm.s32 $0x18500;
	[sflag:s9] =	ssyncadd.s32 $0xFFFFF800  }
0x2b4: {  	v57 =	vld.idx.msk [tilespmem:v12+s23+$0x0], $0xffff;
	_ =	sdelay $0x1  }
0x2b5: {  	s24 =	sadd.s32 $0x10, s4  }
0x2b6: {  	v58 =	vmov s24  }
0x2b7: {  	v59 =	vshll.u32 v58, $0x3  }
0x2b8: {  	v14 =	vand.u32 $0x78, v58;
	v15 =	vand.u32 $0x3C00, v59;
	v13 =	vmul.f32 $1.442695020e+00, v57  }
0x2b9: {  	v14 =	vor.u32 v14, v15  }
0x2ba: {  	v14 =	vadd.s32 v1, v14;
	(erf) = vpow2.f32 v13;
	_ =	sdelay $0x4  }
0x2bb: {  	v60 =	vld.idx.msk [tilespmem:v14+s15+$0x0], $0xffff  }
0x2bc: {  	s26 =	simm.s32 $0x14500  }
0x2bd: {  	v12 =	vld.idx.msk [tilespmem:v12+s26+$0x0], $0xffff;
	_ =	sdelay $0x1  }
0x2be: {  	v61 =	vpop (erf)  }
0x2bf: {  	v62 =	vbroadcast v11, $0x1;
	v13 =	vmul.f32 v61, v60;
	_ =	sdelay $0x1  }
0x2c0: {  	v63 =	vbroadcast v10, $0x0;
	v19 =	vor.u32 v0, v62;
	v12 =	vadd.f32 v13, v12;
	_ =	sdelay $0x1  }
0x2c1: {  	v12 =	vmul.f32 v12, v63;
	_ =	sdelay $0x1  }
0x2c2: {  	s28 =	simm.s32 $0x18D00;
	[tilespmem:v14+s8+$0x0] =	vst.idx.msk $0xffff, v12  }
0x2c3: {  	v12 =	vld.idx.msk [tilespmem:v19+s28+$0x0], $0xffff;
	_ =	sdelay $0x1  }
0x2c4: {  	s29 =	sadd.s32 $0x11, s4  }
0x2c5: {  	v20 =	vmov s29  }
0x2c6: {  	v21 =	vshll.u32 v20, $0x3  }
0x2c7: {  	v15 =	vand.u32 $0x3C00, v21;
	v14 =	vand.u32 $0x79, v20;
	v12 =	vmul.f32 $1.442695020e+00, v12  }
0x2c8: {  	v14 =	vor.u32 v14, v15  }
0x2c9: {  	v14 =	vadd.s32 v1, v14;
	(erf) = vpow2.f32 v12;
	_ =	sdelay $0x4  }
0x2ca: {  	v22 =	vld.idx.msk [tilespmem:v14+s15+$0x0], $0xffff  }
0x2cb: {  	s30 =	simm.s32 $0x14D00  }
0x2cc: {  	v13 =	vld.idx.msk [tilespmem:v19+s30+$0x0], $0xffff;
	_ =	sdelay $0x1  }
0x2cd: {  	v23 =	vpop (erf)  }
0x2ce: {  	v24 =	vbroadcast v11, $0x2;
	v12 =	vmul.f32 v23, v22;
	_ =	sdelay $0x1  }
0x2cf: {  	v25 =	vbroadcast v10, $0x1;
	v26 =	vor.u32 v0, v24;
	v12 =	vadd.f32 v12, v13;
	_ =	sdelay $0x1  }
0x2d0: {  	v12 =	vmul.f32 v12, v25;
	_ =	sdelay $0x1  }
0x2d1: {  	s31 =	simm.s32 $0x19500;
	[tilespmem:v14+s8+$0x0] =	vst.idx.msk $0xffff, v12  }
0x2d2: {  	v12 =	vld.idx.msk [tilespmem:v26+s31+$0x0], $0xffff;
	_ =	sdelay $0x1  }
0x2d3: {  	s3 =	sadd.s32 $0x12, s4  }
0x2d4: {  	v27 =	vmov s3  }
0x2d5: {  	v28 =	vshll.u32 v27, $0x3  }
0x2d6: {  	v15 =	vand.u32 $0x3C00, v28;
	v14 =	vand.u32 $0x7A, v27;
	v12 =	vmul.f32 $1.442695020e+00, v12  }
0x2d7: {  	v14 =	vor.u32 v14, v15  }
0x2d8: {  	v14 =	vadd.s32 v1, v14;
	(erf) = vpow2.f32 v12;
	_ =	sdelay $0x4  }
0x2d9: {  	v29 =	vld.idx.msk [tilespmem:v14+s15+$0x0], $0xffff  }
0x2da: {  	s5 =	simm.s32 $0x15500  }
0x2db: {  	v13 =	vld.idx.msk [tilespmem:v26+s5+$0x0], $0xffff;
	_ =	sdelay $0x1  }
0x2dc: {  	v30 =	vpop (erf)  }
0x2dd: {  	v31 =	vbroadcast v11, $0x3;
	v12 =	vmul.f32 v30, v29;
	_ =	sdelay $0x1  }
0x2de: {  	v32 =	vbroadcast v10, $0x2;
	v33 =	vor.u32 v0, v31;
	v12 =	vadd.f32 v12, v13;
	_ =	sdelay $0x1  }
0x2df: {  	v12 =	vmul.f32 v12, v32;
	_ =	sdelay $0x1  }
0x2e0: {  	s6 =	simm.s32 $0x19D00;
	[tilespmem:v14+s8+$0x0] =	vst.idx.msk $0xffff, v12  }
0x2e1: {  	v12 =	vld.idx.msk [tilespmem:v33+s6+$0x0], $0xffff;
	_ =	sdelay $0x1  }
0x2e2: {  	s7 =	sadd.s32 $0x13, s4  }
0x2e3: {  	v34 =	vmov s7  }
0x2e4: {  	v35 =	vshll.u32 v34, $0x3  }
0x2e5: {  	v15 =	vand.u32 $0x3C00, v35;
	v14 =	vand.u32 $0x7B, v34;
	v12 =	vmul.f32 $1.442695020e+00, v12  }
0x2e6: {  	v14 =	vor.u32 v14, v15  }
0x2e7: {  	v14 =	vadd.s32 v1, v14;
	(erf) = vpow2.f32 v12;
	_ =	sdelay $0x4  }
0x2e8: {  	v36 =	vld.idx.msk [tilespmem:v14+s15+$0x0], $0xffff  }
0x2e9: {  	s12 =	simm.s32 $0x15D00  }
0x2ea: {  	v13 =	vld.idx.msk [tilespmem:v33+s12+$0x0], $0xffff;
	_ =	sdelay $0x1  }
0x2eb: {  	v37 =	vpop (erf)  }
0x2ec: {  	v38 =	vbroadcast v11, $0x4;
	v12 =	vmul.f32 v37, v36;
	_ =	sdelay $0x1  }
0x2ed: {  	v39 =	vbroadcast v10, $0x3;
	v40 =	vor.u32 v0, v38;
	v12 =	vadd.f32 v12, v13;
	_ =	sdelay $0x1  }
0x2ee: {  	v12 =	vmul.f32 v12, v39;
	_ =	sdelay $0x1  }
0x2ef: {  	s13 =	simm.s32 $0x1A500;
	[tilespmem:v14+s8+$0x0] =	vst.idx.msk $0xffff, v12  }
0x2f0: {  	v12 =	vld.idx.msk [tilespmem:v40+s13+$0x0], $0xffff;
	_ =	sdelay $0x1  }
0x2f1: {  	s18 =	sadd.s32 $0x14, s4  }
0x2f2: {  	v41 =	vmov s18  }
0x2f3: {  	v42 =	vshll.u32 v41, $0x3  }
0x2f4: {  	v15 =	vand.u32 $0x3C00, v42;
	v14 =	vand.u32 $0x7C, v41;
	v12 =	vmul.f32 $1.442695020e+00, v12  }
0x2f5: {  	v14 =	vor.u32 v14, v15  }
0x2f6: {  	v14 =	vadd.s32 v1, v14;
	(erf) = vpow2.f32 v12;
	_ =	sdelay $0x4  }
0x2f7: {  	v43 =	vld.idx.msk [tilespmem:v14+s15+$0x0], $0xffff  }
0x2f8: {  	s20 =	simm.s32 $0x16500  }
0x2f9: {  	v13 =	vld.idx.msk [tilespmem:v40+s20+$0x0], $0xffff;
	_ =	sdelay $0x1  }
0x2fa: {  	v44 =	vpop (erf)  }
0x2fb: {  	v45 =	vbroadcast v11, $0x5;
	v12 =	vmul.f32 v44, v43;
	_ =	sdelay $0x1  }
0x2fc: {  	v46 =	vbroadcast v10, $0x4;
	v47 =	vor.u32 v0, v45;
	v12 =	vadd.f32 v12, v13;
	_ =	sdelay $0x1  }
0x2fd: {  	v12 =	vmul.f32 v12, v46;
	_ =	sdelay $0x1  }
0x2fe: {  	s21 =	simm.s32 $0x1AD00;
	[tilespmem:v14+s8+$0x0] =	vst.idx.msk $0xffff, v12  }
0x2ff: {  	v12 =	vld.idx.msk [tilespmem:v47+s21+$0x0], $0xffff;
	_ =	sdelay $0x1  }
0x300: {  	s22 =	sadd.s32 $0x15, s4  }
0x301: {  	v48 =	vmov s22  }
0x302: {  	v49 =	vshll.u32 v48, $0x3  }
0x303: {  	v15 =	vand.u32 $0x3C00, v49;
	v14 =	vand.u32 $0x7D, v48;
	v12 =	vmul.f32 $1.442695020e+00, v12  }
0x304: {  	v14 =	vor.u32 v14, v15  }
0x305: {  	v14 =	vadd.s32 v1, v14;
	(erf) = vpow2.f32 v12;
	_ =	sdelay $0x4  }
0x306: {  	v50 =	vld.idx.msk [tilespmem:v14+s15+$0x0], $0xffff  }
0x307: {  	s23 =	simm.s32 $0x16D00  }
0x308: {  	v13 =	vld.idx.msk [tilespmem:v47+s23+$0x0], $0xffff;
	_ =	sdelay $0x1  }
0x309: {  	v51 =	vpop (erf)  }
0x30a: {  	v52 =	vbroadcast v11, $0x6;
	v12 =	vmul.f32 v51, v50;
	_ =	sdelay $0x1  }
0x30b: {  	v53 =	vbroadcast v10, $0x5;
	v54 =	vor.u32 v0, v52;
	v12 =	vadd.f32 v12, v13;
	_ =	sdelay $0x1  }
0x30c: {  	v12 =	vmul.f32 v12, v53;
	_ =	sdelay $0x1  }
0x30d: {  	s24 =	simm.s32 $0x1B500;
	[tilespmem:v14+s8+$0x0] =	vst.idx.msk $0xffff, v12  }
0x30e: {  	v12 =	vld.idx.msk [tilespmem:v54+s24+$0x0], $0xffff;
	_ =	sdelay $0x1  }
0x30f: {  	s26 =	sadd.s32 $0x16, s4  }
0x310: {  	v55 =	vmov s26  }
0x311: {  	v56 =	vshll.u32 v55, $0x3  }
0x312: {  	v15 =	vand.u32 $0x3C00, v56;
	v14 =	vand.u32 $0x7E, v55;
	v12 =	vmul.f32 $1.442695020e+00, v12  }
0x313: {  	v14 =	vor.u32 v14, v15  }
0x314: {  	v14 =	vadd.s32 v1, v14;
	(erf) = vpow2.f32 v12;
	_ =	sdelay $0x4  }
0x315: {  	v57 =	vld.idx.msk [tilespmem:v14+s15+$0x0], $0xffff  }
0x316: {  	s28 =	simm.s32 $0x17500  }
0x317: {  	v13 =	vld.idx.msk [tilespmem:v54+s28+$0x0], $0xffff;
	_ =	sdelay $0x1  }
0x318: {  	v58 =	vpop (erf)  }
0x319: {  	v11 =	vbroadcast v11, $0x7;
	v12 =	vmul.f32 v58, v57;
	_ =	sdelay $0x1  }
0x31a: {  	v59 =	vbroadcast v10, $0x6;
	v11 =	vor.u32 v0, v11;
	v12 =	vadd.f32 v12, v13;
	_ =	sdelay $0x1  }
0x31b: {  	v12 =	vmul.f32 v12, v59;
	_ =	sdelay $0x1  }
0x31c: {  	s29 =	simm.s32 $0x1BD00;
	[tilespmem:v14+s8+$0x0] =	vst.idx.msk $0xffff, v12  }
0x31d: {  	v12 =	vld.idx.msk [tilespmem:v11+s29+$0x0], $0xffff;
	_ =	sdelay $0x1  }
0x31e: {  	s30 =	sadd.s32 $0x17, s4  }
0x31f: {  	v60 =	vmov s30  }
0x320: {  	v61 =	vshll.u32 v60, $0x3  }
0x321: {  	v13 =	vand.u32 $0x7F, v60;
	v14 =	vand.u32 $0x3C00, v61;
	v12 =	vmul.f32 $1.442695020e+00, v12  }
0x322: {  	v13 =	vor.u32 v13, v14  }
0x323: {  	v13 =	vadd.s32 v1, v13;
	(erf) = vpow2.f32 v12;
	_ =	sdelay $0x4  }
0x324: {  	v62 =	vld.idx.msk [tilespmem:v13+s15+$0x0], $0xffff  }
0x325: {  	s31 =	simm.s32 $0x17D00  }
0x326: {  	v11 =	vld.idx.msk [tilespmem:v11+s31+$0x0], $0xffff;
	_ =	sdelay $0x1  }
0x327: {  	v63 =	vpop (erf)  }
0x328: {  	v12 =	vmul.f32 v63, v62  }
0x329: {  	p0 =	sne.s32 s4, $0x1E0  }
.Ltmp0:
0x32a: {  	v10 =	vbroadcast v10, $0x7;
	v11 =	vadd.f32 v12, v11;
	(pc) =	sbr.rel @p0 .LBB2_2-.Ltmp0, $4  }
0x32b: {  	_ = 	snop  }
0x32c: {  	v10 =	vmul.f32 v11, v10  }
0x32d: {  	s10 =	sadd.s32 $0x3, s10  }
0x32e: {  	s1 =	sadd.s32 $0x18, s1;
	s14 =	sadd.s32 $0x18, s14;
	s4 =	sadd.s32 $0x18, s4;
	[tilespmem:v13+s8+$0x0] =	vst.idx.msk $0xffff, v10  }
0x32f: {  	v11 =	vld [tilespmem:$0x1F8]  }
0x330: {  	v10 =	vld [tilespmem:$0x2478];
	_ =	swait.ge [sflag:s25], $0x800  }
0x331: {  	[sflag:s25] =	ssyncset.done $0x0  }
0x332: {  	[sflag:s25] =	ssyncadd.s32 $0xFFFFF800  }
0x333: {  	_ =	swait.ge [sflag:s25], $0x800  }
0x334: {  	[sflag:s25] =	ssyncset.done $0x0  }
0x335: {  	[sflag:s25] =	ssyncadd.s32 $0xFFFFF800  }
0x336: {  	_ =	swait.ge [sflag:s25], $0x800  }
0x337: {  	[sflag:s25] =	ssyncset.done $0x0  }
0x338: {  	[sflag:s25] =	ssyncadd.s32 $0xFFFFF800  }
0x339: {  	_ =	swait.ge [sflag:s25], $0x800  }
0x33a: {  	[sflag:s25] =	ssyncset.done $0x0  }
0x33b: {  	[sflag:s25] =	ssyncadd.s32 $0xFFFFF800  }
0x33c: {  	_ =	swait.ge [sflag:s25], $0x800  }
0x33d: {  	[sflag:s25] =	ssyncset.done $0x0  }
0x33e: {  	[sflag:s25] =	ssyncadd.s32 $0xFFFFF800  }
0x33f: {  	_ =	swait.ge [sflag:s25], $0x800  }
0x340: {  	[sflag:s25] =	ssyncset.done $0x0  }
0x341: {  	[sflag:s25] =	ssyncadd.s32 $0xFFFFF800  }
0x342: {  	_ =	swait.ge [sflag:s25], $0x800  }
0x343: {  	[sflag:s25] =	ssyncset.done $0x0  }
0x344: {  	[sflag:s25] =	ssyncadd.s32 $0xFFFFF800  }
0x345: {  	_ =	swait.ge [sflag:s25], $0x800  }
0x346: {  	[sflag:s25] =	ssyncset.done $0x0  }
0x347: {  	[sflag:s25] =	ssyncadd.s32 $0xFFFFF800  }
0x348: {  	_ =	swait.ge [sflag:s25], $0x800  }
0x349: {  	[sflag:s25] =	ssyncset.done $0x0  }
0x34a: {  	[sflag:s25] =	ssyncadd.s32 $0xFFFFF800  }
0x34b: {  	_ =	swait.ge [sflag:s25], $0x800  }
0x34c: {  	[sflag:s25] =	ssyncset.done $0x0  }
0x34d: {  	[sflag:s25] =	ssyncadd.s32 $0xFFFFF800  }
0x34e: {  	_ =	swait.ge [sflag:s25], $0x800  }
0x34f: {  	[sflag:s25] =	ssyncset.done $0x0  }
0x350: {  	[sflag:s25] =	ssyncadd.s32 $0xFFFFF800  }
0x351: {  	_ =	swait.ge [sflag:s25], $0x800  }
0x352: {  	[sflag:s25] =	ssyncset.done $0x0  }
0x353: {  	[sflag:s25] =	ssyncadd.s32 $0xFFFFF800  }
0x354: {  	_ =	swait.ge [sflag:s25], $0x800  }
0x355: {  	[sflag:s25] =	ssyncset.done $0x0  }
0x356: {  	[sflag:s25] =	ssyncadd.s32 $0xFFFFF800  }
0x357: {  	_ =	swait.ge [sflag:s25], $0x800  }
0x358: {  	v11 =	vand.u32 $0x7F, v11;
	[sflag:s25] =	ssyncset.done $0x0  }
0x359: {  	v12 =	vbroadcast v11, $0x0;
	[sflag:s25] =	ssyncadd.s32 $0xFFFFF800  }
0x35a: {  	_ =	swait.ge [sflag:s25], $0x800  }
0x35b: {  	v12 =	vor.u32 v0, v12;
	[sflag:s25] =	ssyncset.done $0x0  }
0x35c: {  	[sflag:s25] =	ssyncadd.s32 $0xFFFFF800  }
0x35d: {  	_ =	swait.ge [sflag:s25], $0x800  }
0x35e: {  	[sflag:s25] =	ssyncset.done $0x0  }
0x35f: {  	s1 =	simm.s32 $0x8500;
	[sflag:s25] =	ssyncadd.s32 $0xFFFFF800  }
0x360: {  	v13 =	vld.idx.msk [tilespmem:v12+s1+$0x0], $0xffff;
	_ =	sdelay $0x4  }
0x361: {  	v13 =	vmul.f32 $1.442695020e+00, v13;
	_ =	sdelay $0x1  }
0x362: {  	(erf) = vpow2.f32 v13;
	_ =	sdelay $0x4  }
0x363: {  	v31 =	vld.idx.msk [tilespmem:v2+s15+$0x0], $0xffff  }
0x364: {  	s6 =	simm.s32 $0x4500  }
0x365: {  	v12 =	vld.idx.msk [tilespmem:v12+s6+$0x0], $0xffff;
	_ =	sdelay $0x1  }
0x366: {  	v14 =	vpop (erf)  }
0x367: {  	v32 =	vbroadcast v11, $0x1;
	v13 =	vmul.f32 v14, v31;
	_ =	sdelay $0x1  }
0x368: {  	v15 =	vbroadcast v10, $0x0;
	v33 =	vor.u32 v0, v32;
	v12 =	vadd.f32 v13, v12;
	_ =	sdelay $0x1  }
0x369: {  	v12 =	vmul.f32 v12, v15;
	_ =	sdelay $0x1  }
0x36a: {  	s7 =	simm.s32 $0x8D00;
	[tilespmem:v2+s8+$0x0] =	vst.idx.msk $0xffff, v12  }
0x36b: {  	v12 =	vld.idx.msk [tilespmem:v33+s7+$0x0], $0xffff;
	_ =	sdelay $0x4  }
0x36c: {  	v12 =	vmul.f32 $1.442695020e+00, v12;
	_ =	sdelay $0x1  }
0x36d: {  	(erf) = vpow2.f32 v12;
	_ =	sdelay $0x4  }
0x36e: {  	v34 =	vld.idx.msk [tilespmem:v3+s15+$0x0], $0xffff  }
0x36f: {  	s10 =	simm.s32 $0x4D00  }
0x370: {  	v13 =	vld.idx.msk [tilespmem:v33+s10+$0x0], $0xffff;
	_ =	sdelay $0x1  }
0x371: {  	v35 =	vpop (erf)  }
0x372: {  	v36 =	vbroadcast v11, $0x2;
	v12 =	vmul.f32 v35, v34;
	_ =	sdelay $0x1  }
0x373: {  	v37 =	vbroadcast v10, $0x1;
	v38 =	vor.u32 v0, v36;
	v12 =	vadd.f32 v12, v13;
	_ =	sdelay $0x1  }
0x374: {  	v12 =	vmul.f32 v12, v37;
	_ =	sdelay $0x1  }
0x375: {  	s12 =	simm.s32 $0x9500;
	[tilespmem:v3+s8+$0x0] =	vst.idx.msk $0xffff, v12  }
0x376: {  	v12 =	vld.idx.msk [tilespmem:v38+s12+$0x0], $0xffff;
	_ =	sdelay $0x4  }
0x377: {  	v12 =	vmul.f32 $1.442695020e+00, v12;
	_ =	sdelay $0x1  }
0x378: {  	(erf) = vpow2.f32 v12;
	_ =	sdelay $0x4  }
0x379: {  	v39 =	vld.idx.msk [tilespmem:v4+s15+$0x0], $0xffff  }
0x37a: {  	s13 =	simm.s32 $0x5500  }
0x37b: {  	v13 =	vld.idx.msk [tilespmem:v38+s13+$0x0], $0xffff;
	_ =	sdelay $0x1  }
0x37c: {  	v40 =	vpop (erf)  }
0x37d: {  	v41 =	vbroadcast v11, $0x3;
	v12 =	vmul.f32 v40, v39;
	_ =	sdelay $0x1  }
0x37e: {  	v42 =	vbroadcast v10, $0x2;
	v43 =	vor.u32 v0, v41;
	v12 =	vadd.f32 v12, v13;
	_ =	sdelay $0x1  }
0x37f: {  	v12 =	vmul.f32 v12, v42;
	_ =	sdelay $0x1  }
0x380: {  	s14 =	simm.s32 $0x9D00;
	[tilespmem:v4+s8+$0x0] =	vst.idx.msk $0xffff, v12  }
0x381: {  	v12 =	vld.idx.msk [tilespmem:v43+s14+$0x0], $0xffff;
	_ =	sdelay $0x4  }
0x382: {  	v12 =	vmul.f32 $1.442695020e+00, v12;
	_ =	sdelay $0x1  }
0x383: {  	(erf) = vpow2.f32 v12;
	_ =	sdelay $0x4  }
0x384: {  	v44 =	vld.idx.msk [tilespmem:v5+s15+$0x0], $0xffff  }
0x385: {  	s18 =	simm.s32 $0x5D00  }
0x386: {  	v13 =	vld.idx.msk [tilespmem:v43+s18+$0x0], $0xffff;
	_ =	sdelay $0x1  }
0x387: {  	v45 =	vpop (erf)  }
0x388: {  	v46 =	vbroadcast v11, $0x4;
	v12 =	vmul.f32 v45, v44;
	_ =	sdelay $0x1  }
0x389: {  	v47 =	vbroadcast v10, $0x3;
	v48 =	vor.u32 v0, v46;
	v12 =	vadd.f32 v12, v13;
	_ =	sdelay $0x1  }
0x38a: {  	v12 =	vmul.f32 v12, v47;
	_ =	sdelay $0x1  }
0x38b: {  	s20 =	simm.s32 $0xA500;
	[tilespmem:v5+s8+$0x0] =	vst.idx.msk $0xffff, v12  }
0x38c: {  	v12 =	vld.idx.msk [tilespmem:v48+s20+$0x0], $0xffff;
	_ =	sdelay $0x4  }
0x38d: {  	v12 =	vmul.f32 $1.442695020e+00, v12;
	_ =	sdelay $0x1  }
0x38e: {  	(erf) = vpow2.f32 v12;
	_ =	sdelay $0x4  }
0x38f: {  	v49 =	vld.idx.msk [tilespmem:v6+s15+$0x0], $0xffff  }
0x390: {  	s21 =	simm.s32 $0x6500  }
0x391: {  	v13 =	vld.idx.msk [tilespmem:v48+s21+$0x0], $0xffff;
	_ =	sdelay $0x1  }
0x392: {  	v50 =	vpop (erf)  }
0x393: {  	v51 =	vbroadcast v11, $0x5;
	v12 =	vmul.f32 v50, v49;
	_ =	sdelay $0x1  }
0x394: {  	v52 =	vbroadcast v10, $0x4;
	v53 =	vor.u32 v0, v51;
	v12 =	vadd.f32 v12, v13;
	_ =	sdelay $0x1  }
0x395: {  	v12 =	vmul.f32 v12, v52;
	_ =	sdelay $0x1  }
0x396: {  	s22 =	simm.s32 $0xAD00;
	[tilespmem:v6+s8+$0x0] =	vst.idx.msk $0xffff, v12  }
0x397: {  	v12 =	vld.idx.msk [tilespmem:v53+s22+$0x0], $0xffff;
	_ =	sdelay $0x4  }
0x398: {  	v12 =	vmul.f32 $1.442695020e+00, v12;
	_ =	sdelay $0x1  }
0x399: {  	(erf) = vpow2.f32 v12;
	_ =	sdelay $0x4  }
0x39a: {  	v54 =	vld.idx.msk [tilespmem:v7+s15+$0x0], $0xffff  }
0x39b: {  	s23 =	simm.s32 $0x6D00  }
0x39c: {  	v13 =	vld.idx.msk [tilespmem:v53+s23+$0x0], $0xffff;
	_ =	sdelay $0x1  }
0x39d: {  	v55 =	vpop (erf)  }
0x39e: {  	v56 =	vbroadcast v11, $0x6;
	v12 =	vmul.f32 v55, v54;
	_ =	sdelay $0x1  }
0x39f: {  	v57 =	vbroadcast v10, $0x5;
	v58 =	vor.u32 v0, v56;
	v12 =	vadd.f32 v12, v13;
	_ =	sdelay $0x1  }
0x3a0: {  	v12 =	vmul.f32 v12, v57;
	_ =	sdelay $0x1  }
0x3a1: {  	s24 =	simm.s32 $0xB500;
	[tilespmem:v7+s8+$0x0] =	vst.idx.msk $0xffff, v12  }
0x3a2: {  	v12 =	vld.idx.msk [tilespmem:v58+s24+$0x0], $0xffff;
	_ =	sdelay $0x4  }
0x3a3: {  	v12 =	vmul.f32 $1.442695020e+00, v12;
	_ =	sdelay $0x1  }
0x3a4: {  	(erf) = vpow2.f32 v12;
	_ =	sdelay $0x4  }
0x3a5: {  	v59 =	vld.idx.msk [tilespmem:v8+s15+$0x0], $0xffff  }
0x3a6: {  	s26 =	simm.s32 $0x7500  }
0x3a7: {  	v13 =	vld.idx.msk [tilespmem:v58+s26+$0x0], $0xffff;
	_ =	sdelay $0x1  }
0x3a8: {  	v60 =	vpop (erf)  }
0x3a9: {  	v11 =	vbroadcast v11, $0x7;
	v12 =	vmul.f32 v60, v59;
	_ =	sdelay $0x1  }
0x3aa: {  	v61 =	vbroadcast v10, $0x6;
	v11 =	vor.u32 v0, v11;
	v12 =	vadd.f32 v12, v13;
	_ =	sdelay $0x1  }
0x3ab: {  	v12 =	vmul.f32 v12, v61;
	_ =	sdelay $0x1  }
0x3ac: {  	s28 =	simm.s32 $0xBD00;
	[tilespmem:v8+s8+$0x0] =	vst.idx.msk $0xffff, v12  }
0x3ad: {  	v12 =	vld.idx.msk [tilespmem:v11+s28+$0x0], $0xffff;
	_ =	sdelay $0x4  }
0x3ae: {  	v12 =	vmul.f32 $1.442695020e+00, v12;
	_ =	sdelay $0x1  }
0x3af: {  	(erf) = vpow2.f32 v12;
	_ =	sdelay $0x4  }
0x3b0: {  	v62 =	vld.idx.msk [tilespmem:v9+s15+$0x0], $0xffff  }
0x3b1: {  	s29 =	simm.s32 $0x7D00  }
0x3b2: {  	v11 =	vld.idx.msk [tilespmem:v11+s29+$0x0], $0xffff;
	_ =	sdelay $0x1  }
0x3b3: {  	v63 =	vpop (erf)  }
0x3b4: {  	v12 =	vmul.f32 v63, v62;
	_ =	sdelay $0x1  }
0x3b5: {  	v10 =	vbroadcast v10, $0x7;
	v11 =	vadd.f32 v12, v11;
	_ =	sdelay $0x1  }
0x3b6: {  	v10 =	vmul.f32 v11, v10;
	_ =	sdelay $0x1  }
0x3b7: {  	[tilespmem:v9+s8+$0x0] =	vst.idx.msk $0xffff, v10  }
0x3b8: {  	_ =	swait.ge [sflag:s17], $0x800  }
0x3b9: {  	[sflag:s17] =	ssyncset.done $0x0  }
0x3ba: {  	[sflag:s17] =	ssyncadd.s32 $0xFFFFF800  }
0x3bb: {  	_ =	swait.ge [sflag:s17], $0x800  }
0x3bc: {  	[sflag:s17] =	ssyncset.done $0x0  }
0x3bd: {  	[sflag:s17] =	ssyncadd.s32 $0xFFFFF800  }
0x3be: {  	_ =	swait.ge [sflag:s17], $0x800  }
0x3bf: {  	[sflag:s17] =	ssyncset.done $0x0  }
0x3c0: {  	[sflag:s17] =	ssyncadd.s32 $0xFFFFF800  }
0x3c1: {  	_ =	swait.ge [sflag:s17], $0x800  }
0x3c2: {  	[sflag:s17] =	ssyncset.done $0x0  }
0x3c3: {  	[sflag:s17] =	ssyncadd.s32 $0xFFFFF800  }
0x3c4: {  	_ =	swait.ge [sflag:s17], $0x800  }
0x3c5: {  	[sflag:s17] =	ssyncset.done $0x0  }
0x3c6: {  	[sflag:s17] =	ssyncadd.s32 $0xFFFFF800  }
0x3c7: {  	_ =	swait.ge [sflag:s17], $0x800  }
0x3c8: {  	[sflag:s17] =	ssyncset.done $0x0  }
0x3c9: {  	[sflag:s17] =	ssyncadd.s32 $0xFFFFF800  }
0x3ca: {  	_ =	swait.ge [sflag:s17], $0x800  }
0x3cb: {  	[sflag:s17] =	ssyncset.done $0x0  }
0x3cc: {  	[sflag:s17] =	ssyncadd.s32 $0xFFFFF800  }
0x3cd: {  	_ =	swait.ge [sflag:s17], $0x800  }
0x3ce: {  	[sflag:s17] =	ssyncset.done $0x0  }
0x3cf: {  	[sflag:s17] =	ssyncadd.s32 $0xFFFFF800  }
0x3d0: {  	_ =	swait.ge [sflag:s17], $0x800  }
0x3d1: {  	[sflag:s17] =	ssyncset.done $0x0  }
0x3d2: {  	[sflag:s17] =	ssyncadd.s32 $0xFFFFF800  }
0x3d3: {  	_ =	swait.ge [sflag:s17], $0x800  }
0x3d4: {  	[sflag:s17] =	ssyncset.done $0x0  }
0x3d5: {  	[sflag:s17] =	ssyncadd.s32 $0xFFFFF800  }
0x3d6: {  	_ =	swait.ge [sflag:s17], $0x800  }
0x3d7: {  	[sflag:s17] =	ssyncset.done $0x0  }
0x3d8: {  	[sflag:s17] =	ssyncadd.s32 $0xFFFFF800  }
0x3d9: {  	_ =	swait.ge [sflag:s17], $0x800  }
0x3da: {  	[sflag:s17] =	ssyncset.done $0x0  }
0x3db: {  	[sflag:s17] =	ssyncadd.s32 $0xFFFFF800  }
0x3dc: {  	_ =	swait.ge [sflag:s17], $0x800  }
0x3dd: {  	[sflag:s17] =	ssyncset.done $0x0  }
0x3de: {  	[sflag:s17] =	ssyncadd.s32 $0xFFFFF800  }
0x3df: {  	_ =	swait.ge [sflag:s17], $0x800  }
0x3e0: {  	[sflag:s17] =	ssyncset.done $0x0  }
0x3e1: {  	[sflag:s17] =	ssyncadd.s32 $0xFFFFF800  }
0x3e2: {  	_ =	swait.ge [sflag:s17], $0x800  }
0x3e3: {  	[sflag:s17] =	ssyncset.done $0x0  }
0x3e4: {  	[sflag:s17] =	ssyncadd.s32 $0xFFFFF800  }
0x3e5: {  	_ =	swait.ge [sflag:s17], $0x800  }
0x3e6: {  	s12 =	simm.s32 $0x1000;
	s14 =	simm.s32 $0x20000;
	[sflag:s17] =	ssyncset.done $0x0  }
0x3e7: {  	s18 =	simm.s32 $0x4;
	s30 =	rddreg [dreg:$0xa];
	[sflag:s17] =	ssyncadd.s32 $0xFFFFF800  }
0x3e8: {  	[hbm4b:s30+s12] =	stream.strided.scatter [tilespmem:s8], [sflag:$0x4], $0x2000, s14, s12, $0x38;
	[tilespmem:$0x1C500] =	vst v63  }
0x3e9: {  	_ =	swait.ge [sflag:s18], $0x2000  }
0x3ea: {  	s4 =	rddreg [dreg:$0xc]  }
0x3eb: {  	s31 =	rddreg [dreg:$0xb];
	s4 =	sadd.s32 $0x1, s4  }
0x3ec: {  	p0 =	sne.s32 s4, s31  }
.Ltmp1:
0x3ed: {  	_ = 	snop;
	(pc) =	sbr.rel @p0 .LBB2_1-.Ltmp1, $3  }
0x3ee: {  	_ =	sdelay $0x1  }
0x3ef: {  	[sflag:s18] =	ssyncset.done $0x0  }
0x3f0: {  	[sflag:s18] =	ssyncadd.s32 $0xFFFFE000  }
0x3f1: {  	_ =	sfence.sel $0x180000  }
0x3f2: {  	[bflag:$0x0] =	sbarrier.arrive $0xFFFF  }
0x3f3: {  	_ =	strace $0x90000047  }
0x3f4: {  	s0 =	stileid.u32;
	[bflag:$0x2] =	sbarrier.arrive $0xFFFF  }
0x3f5: {  	p0 =	sne.s32 s0, $0x0;
	s0 =	rddreg [dreg:$0x6]  }
0x3f6: {  	s0 =	sadd.s32 @!p0 $0x100000, s0  }
0x3f7: {  	[sflag:s0] =	ssyncadd.tile.s32 @!p0 $0x1;
	_ =	shalt  }
.Lfunc_end2:
_tile_overlayer_lowered:
.L_overlay_start_2:
0x3f8: {  	(tag) =	ssettag $0x2  }
0x3f9: {  	s0 =	rddreg [dreg:$0x0];
	s2 =	stileid.u32  }
0x3fa: {  	s1 =	rddreg [dreg:$0x1];
	p0 =	sne.s32 s2, $0x0  }
0x3fb: {  	s3 =	rddreg [dreg:$0x2];
	[bflag:$0x3] =	sbarrier.arrive $0xFFFF;
	s2 =	simm.s32 @!p0 $0x1C04  }
0x3fc: {  	[timem:s3], [sflag:s2] =	dma.local @!p0 [hbm:s0], s1  }
0x3fd: {  	s0 =	simm.s32 @!p0 $0x4  }
0x3fe: {  	_ =	swait.ge @!p0 [sflag:s0], s1  }
0x3ff: {  	s1 =	ssub.s32 @!p0 $0x0, s1;
	[sflag:s0] =	ssyncset.done @!p0 $0x0  }
0x400: {  	[sflag:s0] =	ssyncadd.s32 @!p0 s1  }
0x401: {  	[bflag:$0x3] =	sbarrier.arrive $0xFFFF  }
0x402: {  	_ =	shalt  }

</sc_bundles>
